<compile_context>
chip_gen: v7x
topology: tpu7x:2x2x1
jax: 0.10.2.dev20260603
libtpu: 0.0.44.dev20260713+nightly
codegen_flags: <defaults>
</compile_context>

<pallas_src>
import jax
import jax.numpy as jnp
from jax import lax
from jax.experimental import pallas as pl
from jax.experimental.pallas import tpu as pltpu
from jax.experimental.pallas import tpu_sc as plsc

B, SEQ, T = 1024, 200, 8
H, E, V, OOV = 128, 64, 10000, 50
UNK = 1
VO = V + OOV
SP = 208
NC, NS, LANES = 2, 16, 16
NW = NC * NS
EP = 128
BT = 64
NB = B // BT
ROWS_PW = B // NW
IDX_PW = (B * T) // NW



def _emb_gather_body(emb_hbm, idx_hbm, out_hbm, idxbuf, rows, sem):
    cid = lax.axis_index("c")
    sid = lax.axis_index("s")
    wid = sid * NC + cid
    pltpu.sync_copy(idx_hbm.at[wid], idxbuf)
    for j in range(IDX_PW // 128):
        pltpu.async_copy(emb_hbm.at[idxbuf.at[j]],
                         rows.at[pl.ds(j * 128, 128)], sem).wait()
    pltpu.sync_copy(rows, out_hbm.at[pl.ds(wid * IDX_PW, IDX_PW)])


def _emb_gather(emb, idx3):
    mesh = plsc.VectorSubcoreMesh(core_axis_name="c", subcore_axis_name="s",
                                  num_cores=NC, num_subcores=NS)
    fn = pl.kernel(
        _emb_gather_body,
        out_type=jax.ShapeDtypeStruct((B * T, EP), jnp.float32),
        mesh=mesh,
        compiler_params=pltpu.CompilerParams(needs_layout_passes=False),
        scratch_types=[
            pltpu.VMEM((IDX_PW // 128, 128), jnp.int32),
            pltpu.VMEM((IDX_PW, EP), jnp.float32),
            pltpu.SemaphoreType.DMA,
        ],
    )
    return fn(emb, idx3)



def _tc_body(src_ref, tgt_ref, temb_ref, enc_hbm,
             wst, wsb, wct, wcb, wot, wob, wih, bih, whh, bhh,
             out_ref, pc_ref, state_ref, weighted_ref, wc_ref, enc_vmem,
             enc_sem):
    g = pl.program_id(0)
    i = pl.program_id(1)
    src = src_ref[...][:, :SEQ]

    @pl.when(i == 0)
    def _stage_enc():
        pltpu.async_copy(enc_hbm.at[pl.ds(g * BT, BT)], enc_vmem,
                         enc_sem).wait()

    enc = enc_vmem[...]

    @pl.when(i == 0)
    def _init():
        slen = jnp.sum((src > 0).astype(jnp.int32), axis=1, keepdims=True)
        last_idx = jnp.clip(slen - 1, 0, SEQ - 1)
        seq_iota = lax.broadcasted_iota(jnp.int32, (BT, SEQ), 1)
        sel = (seq_iota == last_idx).astype(jnp.float32)
        last_step = lax.dot_general(
            sel, enc, (((1,), (1,)), ((0,), (0,))),
            preferred_element_type=jnp.float32)
        state_ref[...] = jnp.dot(last_step, wst[...],
                                 preferred_element_type=jnp.float32) + wsb[...]
        weighted_ref[...] = jnp.zeros((BT, 2 * H), jnp.float32)
        wc_ref[...] = jnp.tanh(
            jnp.dot(enc.reshape(BT * SEQ, 2 * H), wct[...],
                    preferred_element_type=jnp.float32) + wcb[...]
        ).reshape(BT, SEQ, H)

    state = state_ref[...]
    wc = wc_ref[...]

    x = jnp.concatenate([temb_ref[0, :, :E], weighted_ref[...]], axis=1)
    gi = jnp.dot(x, wih[...], preferred_element_type=jnp.float32) + bih[...]
    gh = jnp.dot(state, whh[...], preferred_element_type=jnp.float32) + bhh[...]
    r = 1.0 / (1.0 + jnp.exp(-(gi[:, :H] + gh[:, :H])))
    z = 1.0 / (1.0 + jnp.exp(-(gi[:, H:2 * H] + gh[:, H:2 * H])))
    n = jnp.tanh(gi[:, 2 * H:] + r * gh[:, 2 * H:])
    state = (1.0 - z) * n + z * state
    state_ref[...] = state

    score_g = jnp.dot(state, wot[...],
                      preferred_element_type=jnp.float32) + wob[...]
    enc_mask = jnp.where(src == 0, -1000.0, 0.0)
    score_c = jnp.tanh(lax.dot_general(
        wc, state, (((2,), (1,)), ((0,), (0,))),
        preferred_element_type=jnp.float32)) + enc_mask

    m = jnp.maximum(jnp.max(score_g, axis=1, keepdims=True),
                    jnp.max(score_c, axis=1, keepdims=True))
    eg = jnp.exp(score_g - m)
    ec = jnp.exp(score_c - m)
    inv = 1.0 / (jnp.sum(eg, axis=1, keepdims=True)
                 + jnp.sum(ec, axis=1, keepdims=True))
    oov_fill = jnp.full((BT, OOV), 1e-5, jnp.float32)
    out_ref[0] = jnp.concatenate([eg * inv, oov_fill], axis=1)
    pc = ec * inv
    pc_ref[0] = jnp.concatenate(
        [pc, jnp.zeros((BT, SP - SEQ), jnp.float32)], axis=1)

    mask2 = (src == tgt_ref[0]).astype(jnp.float32)
    ssum = jnp.sum(mask2, axis=1, keepdims=True)
    idxn = mask2 / jnp.maximum(ssum, 1.0)
    weighted_ref[...] = lax.dot_general(
        pc * idxn, enc, (((1,), (1,)), ((0,), (0,))),
        preferred_element_type=jnp.float32)


def _tc_forward(src_pad, targets, temb_t, enc,
                wst, wsb, wct, wcb, wot, wob, wih, bih, whh, bhh):
    f32 = jnp.float32
    in_specs = [
        pl.BlockSpec((BT, SP), lambda g, i: (g, 0)),
        pl.BlockSpec((1, BT, 1), lambda g, i: (i, g, 0)),
        pl.BlockSpec((1, BT, EP), lambda g, i: (i, g, 0)),
        pl.BlockSpec(memory_space=pl.ANY),
        pl.BlockSpec((2 * H, H), lambda g, i: (0, 0)),
        pl.BlockSpec((1, H), lambda g, i: (0, 0)),
        pl.BlockSpec((2 * H, H), lambda g, i: (0, 0)),
        pl.BlockSpec((1, H), lambda g, i: (0, 0)),
        pl.BlockSpec((H, V), lambda g, i: (0, 0)),
        pl.BlockSpec((1, V), lambda g, i: (0, 0)),
        pl.BlockSpec((E + 2 * H, 3 * H), lambda g, i: (0, 0)),
        pl.BlockSpec((1, 3 * H), lambda g, i: (0, 0)),
        pl.BlockSpec((H, 3 * H), lambda g, i: (0, 0)),
        pl.BlockSpec((1, 3 * H), lambda g, i: (0, 0)),
    ]
    out_specs = [
        pl.BlockSpec((1, BT, VO), lambda g, i: (i, g, 0)),
        pl.BlockSpec((1, BT, SP), lambda g, i: (i, g, 0)),
    ]
    out_shape = [
        jax.ShapeDtypeStruct((T, B, VO), f32),
        jax.ShapeDtypeStruct((T, B, SP), f32),
    ]
    return pl.pallas_call(
        _tc_body,
        grid=(NB, T),
        in_specs=in_specs,
        out_specs=out_specs,
        out_shape=out_shape,
        scratch_shapes=[
            pltpu.VMEM((BT, H), f32),
            pltpu.VMEM((BT, 2 * H), f32),
            pltpu.VMEM((BT, SEQ, H), f32),
            pltpu.VMEM((BT, SEQ, 2 * H), f32),
            pltpu.SemaphoreType.DMA,
        ],
        compiler_params=pltpu.CompilerParams(
            dimension_semantics=("arbitrary", "arbitrary"),
            vmem_limit_bytes=100 * 1024 * 1024),
    )(src_pad, targets, temb_t, enc,
      wst, wsb, wct, wcb, wot, wob, wih, bih, whh, bhh)



HT = T // 2


def _scatter_body(base_hbm, src_hbm, pc_hbm, out_hbm,
                  srcbuf, pcbuf, rowbuf, sem0, sem1):
    cid = lax.axis_index("c")
    sid = lax.axis_index("s")
    wid = sid * NC + cid
    b0 = wid * ROWS_PW
    sems = (sem0, sem1)

    def issue_in(b, k):
        pltpu.async_copy(src_hbm.at[b], srcbuf.at[k], sems[k])
        pltpu.async_copy(pc_hbm.at[pl.ds(k * HT, HT), b], pcbuf.at[k], sems[k])
        pltpu.async_copy(base_hbm.at[pl.ds(k * HT, HT), b], rowbuf.at[k], sems[k])

    def wait_in(b, k):
        pltpu.make_async_copy(src_hbm.at[b], srcbuf.at[k], sems[k]).wait()
        pltpu.make_async_copy(pc_hbm.at[pl.ds(k * HT, HT), b], pcbuf.at[k], sems[k]).wait()
        pltpu.make_async_copy(base_hbm.at[pl.ds(k * HT, HT), b], rowbuf.at[k], sems[k]).wait()

    issue_in(b0, 0)

    def outer(o, carry):
        b = b0 + o
        for k in range(2):
            wait_in(b, k)

            if k == 0:
                issue_in(b, 1)
            else:
                @pl.when(o + 1 < ROWS_PW)
                def _prefetch_next_row():
                    issue_in(b + 1, 0)

            for i in range(HT):
                ivec = jnp.full((LANES,), i, jnp.int32)
                for ch in range(SP // LANES):
                    sidx = srcbuf[k, pl.ds(ch * LANES, LANES)]
                    vals = pcbuf[k, i, pl.ds(ch * LANES, LANES)]
                    plsc.addupdate_scatter(rowbuf.at[k], [ivec, sidx], vals)
            pltpu.sync_copy(rowbuf.at[k],
                            out_hbm.at[b, pl.ds(k * HT, HT)])
        return carry

    lax.fori_loop(0, ROWS_PW, outer, 0)


def _sc_scatter(base_t, src_pad, pc_t):
    mesh = plsc.VectorSubcoreMesh(core_axis_name="c", subcore_axis_name="s",
                                  num_cores=NC, num_subcores=NS)
    fn = pl.kernel(
        _scatter_body,
        out_type=jax.ShapeDtypeStruct((B, T, VO), jnp.float32),
        mesh=mesh,
        compiler_params=pltpu.CompilerParams(needs_layout_passes=False),
        scratch_types=[
            pltpu.VMEM((2, SP), jnp.int32),
            pltpu.VMEM((2, HT, SP), jnp.float32),
            pltpu.VMEM((2, HT, VO), jnp.float32),
            pltpu.SemaphoreType.DMA,
            pltpu.SemaphoreType.DMA,
        ],
    )
    return fn(base_t, src_pad, pc_t)



def kernel(encoded_sources, sources, targets, emb,
           Ws_w, Ws_b, Wc_w, Wc_b, Wo_w, Wo_b, W_ih, b_ih, W_hh, b_hh):
    f32 = jnp.float32
    sources = sources.astype(jnp.int32)
    targets = targets.astype(jnp.int32)
    src_pad = jnp.pad(sources, ((0, 0), (0, SP - SEQ)))

    tgt_idx = jnp.where(targets >= V, UNK, targets).T.reshape(NW, IDX_PW // 128, 128)
    emb_pad = jnp.pad(emb.astype(f32), ((0, 0), (0, EP - E)))
    temb_t = _emb_gather(emb_pad, tgt_idx).reshape(T, B, EP)

    out_base, pc = _tc_forward(
        src_pad, targets.T.reshape(T, B, 1), temb_t, encoded_sources,
        Ws_w.T, Ws_b.reshape(1, H), Wc_w.T, Wc_b.reshape(1, H),
        Wo_w.T, Wo_b.reshape(1, V), W_ih.T, b_ih.reshape(1, 3 * H),
        W_hh.T, b_hh.reshape(1, 3 * H))

    return _sc_scatter(out_base, src_pad, pc)

# --- scband reference (transcript-rebuilt; emitter-appended) ---
"""Pipeline reference for scband-copy-decoder-33260226740801 (READ-ONLY COPY).

The authoritative reference and input builder live on the scoring server;
editing this copy changes nothing except your own understanding.
"""

import jax, jax.numpy as jnp
import numpy as np

B, SEQ, T = 1024, 200, 8
H, E, V, OOV = 128, 64, 10000, 50
UNK = 1


def setup_inputs(seed: int = 0) -> dict:
    key = jax.random.key(seed)
    ks = jax.random.split(key, 12)
    s = 0.05
    return {
        'encoded_sources': jax.random.normal(ks[0], (B, SEQ, 2 * H), dtype=jnp.float32),
        'sources': jax.random.randint(ks[1], (B, SEQ), 0, V),
        'targets': jax.random.randint(ks[2], (B, T), 0, V),
        'emb': jax.random.normal(ks[3], (V, E), dtype=jnp.float32) * s,
        'Ws_w': jax.random.normal(ks[4], (H, 2 * H), dtype=jnp.float32) * s,
        'Ws_b': jnp.zeros((H,), jnp.float32),
        'Wc_w': jax.random.normal(ks[5], (H, 2 * H), dtype=jnp.float32) * s,
        'Wc_b': jnp.zeros((H,), jnp.float32),
        'Wo_w': jax.random.normal(ks[6], (V, H), dtype=jnp.float32) * s,
        'Wo_b': jnp.zeros((V,), jnp.float32),
        'W_ih': jax.random.normal(ks[7], (3 * H, E + 2 * H), dtype=jnp.float32) * s,
        'b_ih': jnp.zeros((3 * H,), jnp.float32),
        'W_hh': jax.random.normal(ks[8], (3 * H, H), dtype=jnp.float32) * s,
        'b_hh': jnp.zeros((3 * H,), jnp.float32),
    }


def _gru_cell(x, h, W_ih, b_ih, W_hh, b_hh):
    # PyTorch nn.GRU single-step cell math (gate order r, z, n)
    gi = x @ W_ih.T + b_ih
    gh = h @ W_hh.T + b_hh
    r = jax.nn.sigmoid(gi[:, :H] + gh[:, :H])
    z = jax.nn.sigmoid(gi[:, H:2 * H] + gh[:, H:2 * H])
    n = jnp.tanh(gi[:, 2 * H:] + r * gh[:, 2 * H:])
    return (1.0 - z) * n + z * h


def _unk(t):
    # unk_tensor: map OOV ids (>= vocab) to <UNK>
    return jnp.where(t >= V, UNK, t)


def _forward(encoded_sources, emb, Ws_w, Ws_b, Wc_w, Wc_b, Wo_w, Wo_b, W_ih, b_ih, W_hh, b_hh, sources, targets):
    b, seq, _ = encoded_sources.shape
    source_lens = (sources > 0).astype(jnp.int32).sum(1)
    last_idx = jnp.clip(source_lens - 1, 0, seq - 1)
    last_step = encoded_sources[jnp.arange(b), last_idx]  # gather last valid encoder step
    state = last_step @ Ws_w.T + Ws_b  # [b, H]
    weighted = jnp.zeros((b, 2 * H), jnp.float32)
    rows = jnp.repeat(jnp.arange(b), seq)
    words = sources.reshape(-1)
    enc_mask = (sources == 0).astype(jnp.float32) * -1000.0
    # Wc(encoded_sources) is recomputed identically at every step in the original; hoisted (same math).
    wc_enc = jnp.tanh(encoded_sources.reshape(-1, 2 * H) @ Wc_w.T + Wc_b).reshape(b, seq, H)
    outs = []
    for i in range(T):
        inputs = emb[_unk(targets[:, i])]  # embedding gather (teacher forcing; is_train=True path)
        x = jnp.concatenate([inputs, weighted], axis=1)
        state = _gru_cell(x, state, W_ih, b_ih, W_hh, b_hh)
        score_g = state @ Wo_w.T + Wo_b
        score_c = jnp.tanh(jnp.einsum('bsh,bh->bs', wc_enc, state)) + enc_mask
        probs = jax.nn.softmax(jnp.concatenate([score_g, score_c], axis=1), axis=-1)
        prob_g = jnp.concatenate([probs[:, :V], jnp.full((b, OOV), 1e-5, jnp.float32)], axis=1)
        prob_c = probs[:, V:]
        # Scatter-add of copy attention onto vocab ids. The original's duplicate-token loop
        # (masked_idx_sum / dup_attn_sum) followed by a NON-accumulating indexed write is
        # mathematically equivalent to a plain scatter-add of prob_c keyed by source token id.
        prob_c_to_g = jnp.zeros((b, V + OOV), jnp.float32).at[rows, words].add(prob_c.reshape(-1))
        out = prob_g + prob_c_to_g
        idx_from_input = (sources == targets[:, i][:, None]).astype(jnp.float32)
        ssum = idx_from_input.sum(1, keepdims=True)
        idx_from_input = jnp.where(ssum > 1, idx_from_input / jnp.maximum(ssum, 1.0), idx_from_input)
        weighted = jnp.einsum('bs,bsd->bd', prob_c * idx_from_input, encoded_sources)
        outs.append(out)
    return jnp.stack(outs, 1)  # [b, T, V + OOV]


def reference(encoded_sources, sources, targets, emb, Ws_w, Ws_b, Wc_w, Wc_b, Wo_w, Wo_b, W_ih, b_ih, W_hh, b_hh):
    return _forward(encoded_sources, emb, Ws_w, Ws_b, Wc_w, Wc_b, Wo_w, Wo_b, W_ih, b_ih, W_hh, b_hh, sources, targets)

if __name__ == "__main__":
    import jax
    _d = setup_inputs()
    print(jax.jit(kernel)(*tuple(_d.values())))

</pallas_src>

<mosaic_0001>
#map = affine_map<(d0, d1) -> (0, 0, 0)>
#map1 = affine_map<(d0, d1) -> (0, 0)>
module attributes {stable_mosaic.version = 14 : i64} {
  func.func @_scatter_body(%arg0: i32, %arg1: i32, %arg2: memref<8x1024x10050xf32, #tpu.memory_space<hbm>>, %arg3: memref<1024x208xi32, #tpu.memory_space<hbm>>, %arg4: memref<8x1024x208xf32, #tpu.memory_space<hbm>>, %arg5: memref<1024x8x10050xf32, #tpu.memory_space<hbm>>, %arg6: memref<2x208xi32, #tpu.memory_space<vmem>>, %arg7: memref<2x4x208xf32, #tpu.memory_space<vmem>>, %arg8: memref<2x4x10050xf32, #tpu.memory_space<vmem>>, %arg9: memref<!tpu.dma_semaphore, #tpu.memory_space<semaphore_mem>>, %arg10: memref<!tpu.dma_semaphore, #tpu.memory_space<semaphore_mem>>) attributes {dimension_semantics = [#tpu.dimension_semantics<core_parallel>, #tpu.dimension_semantics<subcore_parallel>], iteration_bounds = array<i64: 2, 16>, scalar_prefetch = 0 : i64, scratch_operands = 5 : i64, tpu.core_type = #tpu.core_type<sc_vector_subcore>, window_params = [{transform_indices = #map}, {transform_indices = #map1}, {transform_indices = #map}, {transform_indices = #map}]} {
    %mul3A = arith.constant 2 : i32
    %mul3A_0 = arith.muli %arg1, %mul3A : i32
    %add3A = arith.addi %mul3A_0, %arg0 : i32
    %mul3A_1 = arith.constant 32 : i32
    %mul3A_2 = arith.muli %add3A, %mul3A_1 : i32
    %dma_start3A = arith.constant 0 : i32
    %dma_start3A_3 = arith.constant 0 : i32
    %dma_start3A_4 = tpu.memref_slice %arg6[%dma_start3A, %dma_start3A_3] : memref<2x208xi32, #tpu.memory_space<vmem>> -> memref<1x208xi32, #tpu.memory_space<vmem>>
    %dma_start3A_5 = tpu.memref_squeeze %dma_start3A_4 : memref<1x208xi32, #tpu.memory_space<vmem>> -> memref<208xi32, #tpu.memory_space<vmem>>
    %dma_start3A_6 = arith.constant 0 : i32
    %dma_start3A_7 = tpu.memref_slice %arg3[%mul3A_2, %dma_start3A_6] : memref<1024x208xi32, #tpu.memory_space<hbm>> -> memref<1x208xi32, #tpu.memory_space<hbm>>
    %dma_start3A_8 = tpu.memref_squeeze %dma_start3A_7 : memref<1x208xi32, #tpu.memory_space<hbm>> -> memref<208xi32, #tpu.memory_space<hbm>>
    %dma_start3A_9 = arith.constant 0 : i32
    %dma_start3A_10 = tpu.memref_slice %arg6[%dma_start3A, %dma_start3A_9] : memref<2x208xi32, #tpu.memory_space<vmem>> -> memref<1x208xi32, #tpu.memory_space<vmem>>
    %dma_start3A_11 = tpu.memref_squeeze %dma_start3A_10 : memref<1x208xi32, #tpu.memory_space<vmem>> -> memref<208xi32, #tpu.memory_space<vmem>>
    %dma_start3A_12 = arith.constant 0 : i32
    %dma_start3A_13 = tpu.memref_slice %arg3[%mul3A_2, %dma_start3A_12] : memref<1024x208xi32, #tpu.memory_space<hbm>> -> memref<1x208xi32, #tpu.memory_space<hbm>>
    %dma_start3A_14 = tpu.memref_squeeze %dma_start3A_13 : memref<1x208xi32, #tpu.memory_space<hbm>> -> memref<208xi32, #tpu.memory_space<hbm>>
    tpu.enqueue_dma source(%dma_start3A_14 : memref<208xi32, #tpu.memory_space<hbm>>) target(%dma_start3A_11 : memref<208xi32, #tpu.memory_space<vmem>>) target_semaphore(%arg9 : memref<!tpu.dma_semaphore, #tpu.memory_space<semaphore_mem>>)
    %dma_start3A_15 = arith.constant 0 : i32
    %dma_start3A_16 = arith.constant 0 : i32
    %dma_start3A_17 = arith.constant 0 : i32
    %dma_start3A_18 = tpu.memref_slice %arg7[%dma_start3A_15, %dma_start3A_16, %dma_start3A_17] : memref<2x4x208xf32, #tpu.memory_space<vmem>> -> memref<1x4x208xf32, #tpu.memory_space<vmem>>
    %dma_start3A_19 = tpu.memref_squeeze %dma_start3A_18 : memref<1x4x208xf32, #tpu.memory_space<vmem>> -> memref<4x208xf32, #tpu.memory_space<vmem>>
    %dma_start3A_20 = arith.constant 0 : i32
    %dma_start3A_21 = arith.constant 0 : i32
    %dma_start3A_22 = tpu.memref_slice %arg4[%dma_start3A_20, %mul3A_2, %dma_start3A_21] : memref<8x1024x208xf32, #tpu.memory_space<hbm>> -> memref<4x1x208xf32, #tpu.memory_space<hbm>>
    %dma_start3A_23 = tpu.memref_squeeze %dma_start3A_22 : memref<4x1x208xf32, #tpu.memory_space<hbm>> -> memref<4x208xf32, #tpu.memory_space<hbm>>
    %dma_start3A_24 = arith.constant 0 : i32
    %dma_start3A_25 = arith.constant 0 : i32
    %dma_start3A_26 = tpu.memref_slice %arg7[%dma_start3A_15, %dma_start3A_24, %dma_start3A_25] : memref<2x4x208xf32, #tpu.memory_space<vmem>> -> memref<1x4x208xf32, #tpu.memory_space<vmem>>
    %dma_start3A_27 = tpu.memref_squeeze %dma_start3A_26 : memref<1x4x208xf32, #tpu.memory_space<vmem>> -> memref<4x208xf32, #tpu.memory_space<vmem>>
    %dma_start3A_28 = arith.constant 0 : i32
    %dma_start3A_29 = arith.constant 0 : i32
    %dma_start3A_30 = tpu.memref_slice %arg4[%dma_start3A_28, %mul3A_2, %dma_start3A_29] : memref<8x1024x208xf32, #tpu.memory_space<hbm>> -> memref<4x1x208xf32, #tpu.memory_space<hbm>>
    %dma_start3A_31 = tpu.memref_squeeze %dma_start3A_30 : memref<4x1x208xf32, #tpu.memory_space<hbm>> -> memref<4x208xf32, #tpu.memory_space<hbm>>
    tpu.enqueue_dma source(%dma_start3A_31 : memref<4x208xf32, #tpu.memory_space<hbm>>) target(%dma_start3A_27 : memref<4x208xf32, #tpu.memory_space<vmem>>) target_semaphore(%arg9 : memref<!tpu.dma_semaphore, #tpu.memory_space<semaphore_mem>>)
    %dma_start3A_32 = arith.constant 0 : i32
    %dma_start3A_33 = arith.constant 0 : i32
    %dma_start3A_34 = arith.constant 0 : i32
    %dma_start3A_35 = tpu.memref_slice %arg8[%dma_start3A_32, %dma_start3A_33, %dma_start3A_34] : memref<2x4x10050xf32, #tpu.memory_space<vmem>> -> memref<1x4x10050xf32, #tpu.memory_space<vmem>>
    %dma_start3A_36 = tpu.memref_squeeze %dma_start3A_35 : memref<1x4x10050xf32, #tpu.memory_space<vmem>> -> memref<4x10050xf32, #tpu.memory_space<vmem>>
    %dma_start3A_37 = arith.constant 0 : i32
    %dma_start3A_38 = arith.constant 0 : i32
    %dma_start3A_39 = tpu.memref_slice %arg2[%dma_start3A_37, %mul3A_2, %dma_start3A_38] : memref<8x1024x10050xf32, #tpu.memory_space<hbm>> -> memref<4x1x10050xf32, #tpu.memory_space<hbm>>
    %dma_start3A_40 = tpu.memref_squeeze %dma_start3A_39 : memref<4x1x10050xf32, #tpu.memory_space<hbm>> -> memref<4x10050xf32, #tpu.memory_space<hbm>>
    %dma_start3A_41 = arith.constant 0 : i32
    %dma_start3A_42 = arith.constant 0 : i32
    %dma_start3A_43 = tpu.memref_slice %arg8[%dma_start3A_32, %dma_start3A_41, %dma_start3A_42] : memref<2x4x10050xf32, #tpu.memory_space<vmem>> -> memref<1x4x10050xf32, #tpu.memory_space<vmem>>
    %dma_start3A_44 = tpu.memref_squeeze %dma_start3A_43 : memref<1x4x10050xf32, #tpu.memory_space<vmem>> -> memref<4x10050xf32, #tpu.memory_space<vmem>>
    %dma_start3A_45 = arith.constant 0 : i32
    %dma_start3A_46 = arith.constant 0 : i32
    %dma_start3A_47 = tpu.memref_slice %arg2[%dma_start3A_45, %mul3A_2, %dma_start3A_46] : memref<8x1024x10050xf32, #tpu.memory_space<hbm>> -> memref<4x1x10050xf32, #tpu.memory_space<hbm>>
    %dma_start3A_48 = tpu.memref_squeeze %dma_start3A_47 : memref<4x1x10050xf32, #tpu.memory_space<hbm>> -> memref<4x10050xf32, #tpu.memory_space<hbm>>
    tpu.enqueue_dma source(%dma_start3A_48 : memref<4x10050xf32, #tpu.memory_space<hbm>>) target(%dma_start3A_44 : memref<4x10050xf32, #tpu.memory_space<vmem>>) target_semaphore(%arg9 : memref<!tpu.dma_semaphore, #tpu.memory_space<semaphore_mem>>)
    %scan3A = arith.constant 0 : i32
    %scan3A_49 = arith.constant 0 : i32
    %scan3A_50 = arith.constant 32 : i32
    %scan3A_51 = arith.addi %scan3A_49, %scan3A_50 : i32
    %scan3A_52 = arith.constant 1 : i32
    scf.for %scan3A_54 = %scan3A_49 to %scan3A_51 step %scan3A_52  : i32 {
      %add3A_55 = arith.addi %mul3A_2, %scan3A_54 : i32
      %dma_wait3A = arith.constant 0 : i32
      %dma_wait3A_56 = arith.constant 0 : i32
      %dma_wait3A_57 = tpu.memref_slice %arg6[%dma_wait3A, %dma_wait3A_56] : memref<2x208xi32, #tpu.memory_space<vmem>> -> memref<1x208xi32, #tpu.memory_space<vmem>>
      %dma_wait3A_58 = tpu.memref_squeeze %dma_wait3A_57 : memref<1x208xi32, #tpu.memory_space<vmem>> -> memref<208xi32, #tpu.memory_space<vmem>>
      %dma_wait3A_59 = arith.constant 0 : i32
      %dma_wait3A_60 = tpu.memref_slice %arg3[%add3A_55, %dma_wait3A_59] : memref<1024x208xi32, #tpu.memory_space<hbm>> -> memref<1x208xi32, #tpu.memory_space<hbm>>
      %dma_wait3A_61 = tpu.memref_squeeze %dma_wait3A_60 : memref<1x208xi32, #tpu.memory_space<hbm>> -> memref<208xi32, #tpu.memory_space<hbm>>
      %dma_wait3A_62 = arith.constant 0 : i32
      %dma_wait3A_63 = tpu.memref_slice %arg6[%dma_wait3A, %dma_wait3A_62] : memref<2x208xi32, #tpu.memory_space<vmem>> -> memref<1x208xi32, #tpu.memory_space<vmem>>
      %dma_wait3A_64 = tpu.memref_squeeze %dma_wait3A_63 : memref<1x208xi32, #tpu.memory_space<vmem>> -> memref<208xi32, #tpu.memory_space<vmem>>
      %dma_wait3A_65 = arith.constant 0 : i32
      %dma_wait3A_66 = tpu.memref_slice %arg3[%add3A_55, %dma_wait3A_65] : memref<1024x208xi32, #tpu.memory_space<hbm>> -> memref<1x208xi32, #tpu.memory_space<hbm>>
      %dma_wait3A_67 = tpu.memref_squeeze %dma_wait3A_66 : memref<1x208xi32, #tpu.memory_space<hbm>> -> memref<208xi32, #tpu.memory_space<hbm>>
      tpu.wait_dma2 semaphore(%arg9 : memref<!tpu.dma_semaphore, #tpu.memory_space<semaphore_mem>>) src(%dma_wait3A_67 : memref<208xi32, #tpu.memory_space<hbm>>) dst(%dma_wait3A_64 : memref<208xi32, #tpu.memory_space<vmem>>)
      %dma_wait3A_68 = arith.constant 0 : i32
      %dma_wait3A_69 = arith.constant 0 : i32
      %dma_wait3A_70 = arith.constant 0 : i32
      %dma_wait3A_71 = tpu.memref_slice %arg7[%dma_wait3A_68, %dma_wait3A_69, %dma_wait3A_70] : memref<2x4x208xf32, #tpu.memory_space<vmem>> -> memref<1x4x208xf32, #tpu.memory_space<vmem>>
      %dma_wait3A_72 = tpu.memref_squeeze %dma_wait3A_71 : memref<1x4x208xf32, #tpu.memory_space<vmem>> -> memref<4x208xf32, #tpu.memory_space<vmem>>
      %dma_wait3A_73 = arith.constant 0 : i32
      %dma_wait3A_74 = arith.constant 0 : i32
      %dma_wait3A_75 = tpu.memref_slice %arg4[%dma_wait3A_73, %add3A_55, %dma_wait3A_74] : memref<8x1024x208xf32, #tpu.memory_space<hbm>> -> memref<4x1x208xf32, #tpu.memory_space<hbm>>
      %dma_wait3A_76 = tpu.memref_squeeze %dma_wait3A_75 : memref<4x1x208xf32, #tpu.memory_space<hbm>> -> memref<4x208xf32, #tpu.memory_space<hbm>>
      %dma_wait3A_77 = arith.constant 0 : i32
      %dma_wait3A_78 = arith.constant 0 : i32
      %dma_wait3A_79 = tpu.memref_slice %arg7[%dma_wait3A_68, %dma_wait3A_77, %dma_wait3A_78] : memref<2x4x208xf32, #tpu.memory_space<vmem>> -> memref<1x4x208xf32, #tpu.memory_space<vmem>>
      %dma_wait3A_80 = tpu.memref_squeeze %dma_wait3A_79 : memref<1x4x208xf32, #tpu.memory_space<vmem>> -> memref<4x208xf32, #tpu.memory_space<vmem>>
      %dma_wait3A_81 = arith.constant 0 : i32
      %dma_wait3A_82 = arith.constant 0 : i32
      %dma_wait3A_83 = tpu.memref_slice %arg4[%dma_wait3A_81, %add3A_55, %dma_wait3A_82] : memref<8x1024x208xf32, #tpu.memory_space<hbm>> -> memref<4x1x208xf32, #tpu.memory_space<hbm>>
      %dma_wait3A_84 = tpu.memref_squeeze %dma_wait3A_83 : memref<4x1x208xf32, #tpu.memory_space<hbm>> -> memref<4x208xf32, #tpu.memory_space<hbm>>
      tpu.wait_dma2 semaphore(%arg9 : memref<!tpu.dma_semaphore, #tpu.memory_space<semaphore_mem>>) src(%dma_wait3A_84 : memref<4x208xf32, #tpu.memory_space<hbm>>) dst(%dma_wait3A_80 : memref<4x208xf32, #tpu.memory_space<vmem>>)
      %dma_wait3A_85 = arith.constant 0 : i32
      %dma_wait3A_86 = arith.constant 0 : i32
      %dma_wait3A_87 = arith.constant 0 : i32
      %dma_wait3A_88 = tpu.memref_slice %arg8[%dma_wait3A_85, %dma_wait3A_86, %dma_wait3A_87] : memref<2x4x10050xf32, #tpu.memory_space<vmem>> -> memref<1x4x10050xf32, #tpu.memory_space<vmem>>
      %dma_wait3A_89 = tpu.memref_squeeze %dma_wait3A_88 : memref<1x4x10050xf32, #tpu.memory_space<vmem>> -> memref<4x10050xf32, #tpu.memory_space<vmem>>
      %dma_wait3A_90 = arith.constant 0 : i32
      %dma_wait3A_91 = arith.constant 0 : i32
      %dma_wait3A_92 = tpu.memref_slice %arg2[%dma_wait3A_90, %add3A_55, %dma_wait3A_91] : memref<8x1024x10050xf32, #tpu.memory_space<hbm>> -> memref<4x1x10050xf32, #tpu.memory_space<hbm>>
      %dma_wait3A_93 = tpu.memref_squeeze %dma_wait3A_92 : memref<4x1x10050xf32, #tpu.memory_space<hbm>> -> memref<4x10050xf32, #tpu.memory_space<hbm>>
      %dma_wait3A_94 = arith.constant 0 : i32
      %dma_wait3A_95 = arith.constant 0 : i32
      %dma_wait3A_96 = tpu.memref_slice %arg8[%dma_wait3A_85, %dma_wait3A_94, %dma_wait3A_95] : memref<2x4x10050xf32, #tpu.memory_space<vmem>> -> memref<1x4x10050xf32, #tpu.memory_space<vmem>>
      %dma_wait3A_97 = tpu.memref_squeeze %dma_wait3A_96 : memref<1x4x10050xf32, #tpu.memory_space<vmem>> -> memref<4x10050xf32, #tpu.memory_space<vmem>>
      %dma_wait3A_98 = arith.constant 0 : i32
      %dma_wait3A_99 = arith.constant 0 : i32
      %dma_wait3A_100 = tpu.memref_slice %arg2[%dma_wait3A_98, %add3A_55, %dma_wait3A_99] : memref<8x1024x10050xf32, #tpu.memory_space<hbm>> -> memref<4x1x10050xf32, #tpu.memory_space<hbm>>
      %dma_wait3A_101 = tpu.memref_squeeze %dma_wait3A_100 : memref<4x1x10050xf32, #tpu.memory_space<hbm>> -> memref<4x10050xf32, #tpu.memory_space<hbm>>
      tpu.wait_dma2 semaphore(%arg9 : memref<!tpu.dma_semaphore, #tpu.memory_space<semaphore_mem>>) src(%dma_wait3A_101 : memref<4x10050xf32, #tpu.memory_space<hbm>>) dst(%dma_wait3A_97 : memref<4x10050xf32, #tpu.memory_space<vmem>>)
      %dma_start3A_102 = arith.constant 1 : i32
      %dma_start3A_103 = arith.constant 0 : i32
      %dma_start3A_104 = tpu.memref_slice %arg6[%dma_start3A_102, %dma_start3A_103] : memref<2x208xi32, #tpu.memory_space<vmem>> -> memref<1x208xi32, #tpu.memory_space<vmem>>
      %dma_start3A_105 = tpu.memref_squeeze %dma_start3A_104 : memref<1x208xi32, #tpu.memory_space<vmem>> -> memref<208xi32, #tpu.memory_space<vmem>>
      %dma_start3A_106 = arith.constant 0 : i32
      %dma_start3A_107 = tpu.memref_slice %arg3[%add3A_55, %dma_start3A_106] : memref<1024x208xi32, #tpu.memory_space<hbm>> -> memref<1x208xi32, #tpu.memory_space<hbm>>
      %dma_start3A_108 = tpu.memref_squeeze %dma_start3A_107 : memref<1x208xi32, #tpu.memory_space<hbm>> -> memref<208xi32, #tpu.memory_space<hbm>>
      %dma_start3A_109 = arith.constant 0 : i32
      %dma_start3A_110 = tpu.memref_slice %arg6[%dma_start3A_102, %dma_start3A_109] : memref<2x208xi32, #tpu.memory_space<vmem>> -> memref<1x208xi32, #tpu.memory_space<vmem>>
      %dma_start3A_111 = tpu.memref_squeeze %dma_start3A_110 : memref<1x208xi32, #tpu.memory_space<vmem>> -> memref<208xi32, #tpu.memory_space<vmem>>
      %dma_start3A_112 = arith.constant 0 : i32
      %dma_start3A_113 = tpu.memref_slice %arg3[%add3A_55, %dma_start3A_112] : memref<1024x208xi32, #tpu.memory_space<hbm>> -> memref<1x208xi32, #tpu.memory_space<hbm>>
      %dma_start3A_114 = tpu.memref_squeeze %dma_start3A_113 : memref<1x208xi32, #tpu.memory_space<hbm>> -> memref<208xi32, #tpu.memory_space<hbm>>
      tpu.enqueue_dma source(%dma_start3A_114 : memref<208xi32, #tpu.memory_space<hbm>>) target(%dma_start3A_111 : memref<208xi32, #tpu.memory_space<vmem>>) target_semaphore(%arg10 : memref<!tpu.dma_semaphore, #tpu.memory_space<semaphore_mem>>)
      %dma_start3A_115 = arith.constant 1 : i32
      %dma_start3A_116 = arith.constant 0 : i32
      %dma_start3A_117 = arith.constant 0 : i32
      %dma_start3A_118 = tpu.memref_slice %arg7[%dma_start3A_115, %dma_start3A_116, %dma_start3A_117] : memref<2x4x208xf32, #tpu.memory_space<vmem>> -> memref<1x4x208xf32, #tpu.memory_space<vmem>>
      %dma_start3A_119 = tpu.memref_squeeze %dma_start3A_118 : memref<1x4x208xf32, #tpu.memory_space<vmem>> -> memref<4x208xf32, #tpu.memory_space<vmem>>
      %dma_start3A_120 = arith.constant 4 : i32
      %dma_start3A_121 = arith.constant 0 : i32
      %dma_start3A_122 = tpu.memref_slice %arg4[%dma_start3A_120, %add3A_55, %dma_start3A_121] : memref<8x1024x208xf32, #tpu.memory_space<hbm>> -> memref<4x1x208xf32, #tpu.memory_space<hbm>>
      %dma_start3A_123 = tpu.memref_squeeze %dma_start3A_122 : memref<4x1x208xf32, #tpu.memory_space<hbm>> -> memref<4x208xf32, #tpu.memory_space<hbm>>
      %dma_start3A_124 = arith.constant 0 : i32
      %dma_start3A_125 = arith.constant 0 : i32
      %dma_start3A_126 = tpu.memref_slice %arg7[%dma_start3A_115, %dma_start3A_124, %dma_start3A_125] : memref<2x4x208xf32, #tpu.memory_space<vmem>> -> memref<1x4x208xf32, #tpu.memory_space<vmem>>
      %dma_start3A_127 = tpu.memref_squeeze %dma_start3A_126 : memref<1x4x208xf32, #tpu.memory_space<vmem>> -> memref<4x208xf32, #tpu.memory_space<vmem>>
      %dma_start3A_128 = arith.constant 4 : i32
      %dma_start3A_129 = arith.constant 0 : i32
      %dma_start3A_130 = tpu.memref_slice %arg4[%dma_start3A_128, %add3A_55, %dma_start3A_129] : memref<8x1024x208xf32, #tpu.memory_space<hbm>> -> memref<4x1x208xf32, #tpu.memory_space<hbm>>
      %dma_start3A_131 = tpu.memref_squeeze %dma_start3A_130 : memref<4x1x208xf32, #tpu.memory_space<hbm>> -> memref<4x208xf32, #tpu.memory_space<hbm>>
      tpu.enqueue_dma source(%dma_start3A_131 : memref<4x208xf32, #tpu.memory_space<hbm>>) target(%dma_start3A_127 : memref<4x208xf32, #tpu.memory_space<vmem>>) target_semaphore(%arg10 : memref<!tpu.dma_semaphore, #tpu.memory_space<semaphore_mem>>)
      %dma_start3A_132 = arith.constant 1 : i32
      %dma_start3A_133 = arith.constant 0 : i32
      %dma_start3A_134 = arith.constant 0 : i32
      %dma_start3A_135 = tpu.memref_slice %arg8[%dma_start3A_132, %dma_start3A_133, %dma_start3A_134] : memref<2x4x10050xf32, #tpu.memory_space<vmem>> -> memref<1x4x10050xf32, #tpu.memory_space<vmem>>
      %dma_start3A_136 = tpu.memref_squeeze %dma_start3A_135 : memref<1x4x10050xf32, #tpu.memory_space<vmem>> -> memref<4x10050xf32, #tpu.memory_space<vmem>>
      %dma_start3A_137 = arith.constant 4 : i32
      %dma_start3A_138 = arith.constant 0 : i32
      %dma_start3A_139 = tpu.memref_slice %arg2[%dma_start3A_137, %add3A_55, %dma_start3A_138] : memref<8x1024x10050xf32, #tpu.memory_space<hbm>> -> memref<4x1x10050xf32, #tpu.memory_space<hbm>>
      %dma_start3A_140 = tpu.memref_squeeze %dma_start3A_139 : memref<4x1x10050xf32, #tpu.memory_space<hbm>> -> memref<4x10050xf32, #tpu.memory_space<hbm>>
      %dma_start3A_141 = arith.constant 0 : i32
      %dma_start3A_142 = arith.constant 0 : i32
      %dma_start3A_143 = tpu.memref_slice %arg8[%dma_start3A_132, %dma_start3A_141, %dma_start3A_142] : memref<2x4x10050xf32, #tpu.memory_space<vmem>> -> memref<1x4x10050xf32, #tpu.memory_space<vmem>>
      %dma_start3A_144 = tpu.memref_squeeze %dma_start3A_143 : memref<1x4x10050xf32, #tpu.memory_space<vmem>> -> memref<4x10050xf32, #tpu.memory_space<vmem>>
      %dma_start3A_145 = arith.constant 4 : i32
      %dma_start3A_146 = arith.constant 0 : i32
      %dma_start3A_147 = tpu.memref_slice %arg2[%dma_start3A_145, %add3A_55, %dma_start3A_146] : memref<8x1024x10050xf32, #tpu.memory_space<hbm>> -> memref<4x1x10050xf32, #tpu.memory_space<hbm>>
      %dma_start3A_148 = tpu.memref_squeeze %dma_start3A_147 : memref<4x1x10050xf32, #tpu.memory_space<hbm>> -> memref<4x10050xf32, #tpu.memory_space<hbm>>
      tpu.enqueue_dma source(%dma_start3A_148 : memref<4x10050xf32, #tpu.memory_space<hbm>>) target(%dma_start3A_144 : memref<4x10050xf32, #tpu.memory_space<vmem>>) target_semaphore(%arg10 : memref<!tpu.dma_semaphore, #tpu.memory_space<semaphore_mem>>)
      %broadcast_in_dim3A = arith.constant 0 : i32
      %broadcast_in_dim3A_149 = vector.broadcast %broadcast_in_dim3A : i32 to vector<16xi32>
      %get3A = arith.constant 0 : i32
      %get3A_150 = arith.index_cast %get3A : i32 to index
      %get3A_151 = arith.constant 0 : index
      %get3A_152 = tpu.vector_load %arg6[%get3A_150, %get3A_151] {strides = array<i32>} : memref<2x208xi32, #tpu.memory_space<vmem>>, vector<16xi32>,
      %get3A_153 = arith.constant 0 : i32
      %get3A_154 = arith.constant 0 : i32
      %get3A_155 = arith.index_cast %get3A_153 : i32 to index
      %get3A_156 = arith.index_cast %get3A_154 : i32 to index
      %get3A_157 = arith.constant 0 : index
      %get3A_158 = tpu.vector_load %arg7[%get3A_155, %get3A_156, %get3A_157] {strides = array<i32>} : memref<2x4x208xf32, #tpu.memory_space<vmem>>, vector<16xf32>,
      %scatter3A = arith.constant 0 : i32
      %scatter3A_159 = arith.constant 0 : i32
      %scatter3A_160 = arith.constant 0 : i32
      %scatter3A_161 = tpu.memref_slice %arg8[%scatter3A, %scatter3A_159, %scatter3A_160] : memref<2x4x10050xf32, #tpu.memory_space<vmem>> -> memref<1x4x10050xf32, #tpu.memory_space<vmem>>
      %scatter3A_162 = tpu.memref_squeeze %scatter3A_161 : memref<1x4x10050xf32, #tpu.memory_space<vmem>> -> memref<4x10050xf32, #tpu.memory_space<vmem>>
      tpu.vector_store_idx %scatter3A_162[%broadcast_in_dim3A_149, %get3A_152], %get3A_158 {add = true} : memref<4x10050xf32, #tpu.memory_space<vmem>>[vector<16xi32>, vector<16xi32>], vector<16xf32>,
      %get3A_163 = arith.constant 0 : i32
      %get3A_164 = arith.index_cast %get3A_163 : i32 to index
      %get3A_165 = arith.constant 16 : index
      %get3A_166 = tpu.vector_load %arg6[%get3A_164, %get3A_165] {strides = array<i32>} : memref<2x208xi32, #tpu.memory_space<vmem>>, vector<16xi32>,
      %get3A_167 = arith.constant 0 : i32
      %get3A_168 = arith.constant 0 : i32
      %get3A_169 = arith.index_cast %get3A_167 : i32 to index
      %get3A_170 = arith.index_cast %get3A_168 : i32 to index
      %get3A_171 = arith.constant 16 : index
      %get3A_172 = tpu.vector_load %arg7[%get3A_169, %get3A_170, %get3A_171] {strides = array<i32>} : memref<2x4x208xf32, #tpu.memory_space<vmem>>, vector<16xf32>,
      %scatter3A_173 = arith.constant 0 : i32
      %scatter3A_174 = arith.constant 0 : i32
      %scatter3A_175 = arith.constant 0 : i32
      %scatter3A_176 = tpu.memref_slice %arg8[%scatter3A_173, %scatter3A_174, %scatter3A_175] : memref<2x4x10050xf32, #tpu.memory_space<vmem>> -> memref<1x4x10050xf32, #tpu.memory_space<vmem>>
      %scatter3A_177 = tpu.memref_squeeze %scatter3A_176 : memref<1x4x10050xf32, #tpu.memory_space<vmem>> -> memref<4x10050xf32, #tpu.memory_space<vmem>>
      tpu.vector_store_idx %scatter3A_177[%broadcast_in_dim3A_149, %get3A_166], %get3A_172 {add = true} : memref<4x10050xf32, #tpu.memory_space<vmem>>[vector<16xi32>, vector<16xi32>], vector<16xf32>,
      %get3A_178 = arith.constant 0 : i32
      %get3A_179 = arith.index_cast %get3A_178 : i32 to index
      %get3A_180 = arith.constant 32 : index
      %get3A_181 = tpu.vector_load %arg6[%get3A_179, %get3A_180] {strides = array<i32>} : memref<2x208xi32, #tpu.memory_space<vmem>>, vector<16xi32>,
      %get3A_182 = arith.constant 0 : i32
      %get3A_183 = arith.constant 0 : i32
      %get3A_184 = arith.index_cast %get3A_182 : i32 to index
      %get3A_185 = arith.index_cast %get3A_183 : i32 to index
      %get3A_186 = arith.constant 32 : index
      %get3A_187 = tpu.vector_load %arg7[%get3A_184, %get3A_185, %get3A_186] {strides = array<i32>} : memref<2x4x208xf32, #tpu.memory_space<vmem>>, vector<16xf32>,
      %scatter3A_188 = arith.constant 0 : i32
      %scatter3A_189 = arith.constant 0 : i32
      %scatter3A_190 = arith.constant 0 : i32
      %scatter3A_191 = tpu.memref_slice %arg8[%scatter3A_188, %scatter3A_189, %scatter3A_190] : memref<2x4x10050xf32, #tpu.memory_space<vmem>> -> memref<1x4x10050xf32, #tpu.memory_space<vmem>>
      %scatter3A_192 = tpu.memref_squeeze %scatter3A_191 : memref<1x4x10050xf32, #tpu.memory_space<vmem>> -> memref<4x10050xf32, #tpu.memory_space<vmem>>
      tpu.vector_store_idx %scatter3A_192[%broadcast_in_dim3A_149, %get3A_181], %get3A_187 {add = true} : memref<4x10050xf32, #tpu.memory_space<vmem>>[vector<16xi32>, vector<16xi32>], vector<16xf32>,
      %get3A_193 = arith.constant 0 : i32
      %get3A_194 = arith.index_cast %get3A_193 : i32 to index
      %get3A_195 = arith.constant 48 : index
      %get3A_196 = tpu.vector_load %arg6[%get3A_194, %get3A_195] {strides = array<i32>} : memref<2x208xi32, #tpu.memory_space<vmem>>, vector<16xi32>,
      %get3A_197 = arith.constant 0 : i32
      %get3A_198 = arith.constant 0 : i32
      %get3A_199 = arith.index_cast %get3A_197 : i32 to index
      %get3A_200 = arith.index_cast %get3A_198 : i32 to index
      %get3A_201 = arith.constant 48 : index
      %get3A_202 = tpu.vector_load %arg7[%get3A_199, %get3A_200, %get3A_201] {strides = array<i32>} : memref<2x4x208xf32, #tpu.memory_space<vmem>>, vector<16xf32>,
      %scatter3A_203 = arith.constant 0 : i32
      %scatter3A_204 = arith.constant 0 : i32
      %scatter3A_205 = arith.constant 0 : i32
      %scatter3A_206 = tpu.memref_slice %arg8[%scatter3A_203, %scatter3A_204, %scatter3A_205] : memref<2x4x10050xf32, #tpu.memory_space<vmem>> -> memref<1x4x10050xf32, #tpu.memory_space<vmem>>
      %scatter3A_207 = tpu.memref_squeeze %scatter3A_206 : memref<1x4x10050xf32, #tpu.memory_space<vmem>> -> memref<4x10050xf32, #tpu.memory_space<vmem>>
      tpu.vector_store_idx %scatter3A_207[%broadcast_in_dim3A_149, %get3A_196], %get3A_202 {add = true} : memref<4x10050xf32, #tpu.memory_space<vmem>>[vector<16xi32>, vector<16xi32>], vector<16xf32>,
      %get3A_208 = arith.constant 0 : i32
      %get3A_209 = arith.index_cast %get3A_208 : i32 to index
      %get3A_210 = arith.constant 64 : index
      %get3A_211 = tpu.vector_load %arg6[%get3A_209, %get3A_210] {strides = array<i32>} : memref<2x208xi32, #tpu.memory_space<vmem>>, vector<16xi32>,
      %get3A_212 = arith.constant 0 : i32
      %get3A_213 = arith.constant 0 : i32
      %get3A_214 = arith.index_cast %get3A_212 : i32 to index
      %get3A_215 = arith.index_cast %get3A_213 : i32 to index
      %get3A_216 = arith.constant 64 : index
      %get3A_217 = tpu.vector_load %arg7[%get3A_214, %get3A_215, %get3A_216] {strides = array<i32>} : memref<2x4x208xf32, #tpu.memory_space<vmem>>, vector<16xf32>,
      %scatter3A_218 = arith.constant 0 : i32
      %scatter3A_219 = arith.constant 0 : i32
      %scatter3A_220 = arith.constant 0 : i32
      %scatter3A_221 = tpu.memref_slice %arg8[%scatter3A_218, %scatter3A_219, %scatter3A_220] : memref<2x4x10050xf32, #tpu.memory_space<vmem>> -> memref<1x4x10050xf32, #tpu.memory_space<vmem>>
      %scatter3A_222 = tpu.memref_squeeze %scatter3A_221 : memref<1x4x10050xf32, #tpu.memory_space<vmem>> -> memref<4x10050xf32, #tpu.memory_space<vmem>>
      tpu.vector_store_idx %scatter3A_222[%broadcast_in_dim3A_149, %get3A_211], %get3A_217 {add = true} : memref<4x10050xf32, #tpu.memory_space<vmem>>[vector<16xi32>, vector<16xi32>], vector<16xf32>,
      %get3A_223 = arith.constant 0 : i32
      %get3A_224 = arith.index_cast %get3A_223 : i32 to index
      %get3A_225 = arith.constant 80 : index
      %get3A_226 = tpu.vector_load %arg6[%get3A_224, %get3A_225] {strides = array<i32>} : memref<2x208xi32, #tpu.memory_space<vmem>>, vector<16xi32>,
      %get3A_227 = arith.constant 0 : i32
      %get3A_228 = arith.constant 0 : i32
      %get3A_229 = arith.index_cast %get3A_227 : i32 to index
      %get3A_230 = arith.index_cast %get3A_228 : i32 to index
      %get3A_231 = arith.constant 80 : index
      %get3A_232 = tpu.vector_load %arg7[%get3A_229, %get3A_230, %get3A_231] {strides = array<i32>} : memref<2x4x208xf32, #tpu.memory_space<vmem>>, vector<16xf32>,
      %scatter3A_233 = arith.constant 0 : i32
      %scatter3A_234 = arith.constant 0 : i32
      %scatter3A_235 = arith.constant 0 : i32
      %scatter3A_236 = tpu.memref_slice %arg8[%scatter3A_233, %scatter3A_234, %scatter3A_235] : memref<2x4x10050xf32, #tpu.memory_space<vmem>> -> memref<1x4x10050xf32, #tpu.memory_space<vmem>>
      %scatter3A_237 = tpu.memref_squeeze %scatter3A_236 : memref<1x4x10050xf32, #tpu.memory_space<vmem>> -> memref<4x10050xf32, #tpu.memory_space<vmem>>
      tpu.vector_store_idx %scatter3A_237[%broadcast_in_dim3A_149, %get3A_226], %get3A_232 {add = true} : memref<4x10050xf32, #tpu.memory_space<vmem>>[vector<16xi32>, vector<16xi32>], vector<16xf32>,
      %get3A_238 = arith.constant 0 : i32
      %get3A_239 = arith.index_cast %get3A_238 : i32 to index
      %get3A_240 = arith.constant 96 : index
      %get3A_241 = tpu.vector_load %arg6[%get3A_239, %get3A_240] {strides = array<i32>} : memref<2x208xi32, #tpu.memory_space<vmem>>, vector<16xi32>,
      %get3A_242 = arith.constant 0 : i32
      %get3A_243 = arith.constant 0 : i32
      %get3A_244 = arith.index_cast %get3A_242 : i32 to index
      %get3A_245 = arith.index_cast %get3A_243 : i32 to index
      %get3A_246 = arith.constant 96 : index
      %get3A_247 = tpu.vector_load %arg7[%get3A_244, %get3A_245, %get3A_246] {strides = array<i32>} : memref<2x4x208xf32, #tpu.memory_space<vmem>>, vector<16xf32>,
      %scatter3A_248 = arith.constant 0 : i32
      %scatter3A_249 = arith.constant 0 : i32
      %scatter3A_250 = arith.constant 0 : i32
      %scatter3A_251 = tpu.memref_slice %arg8[%scatter3A_248, %scatter3A_249, %scatter3A_250] : memref<2x4x10050xf32, #tpu.memory_space<vmem>> -> memref<1x4x10050xf32, #tpu.memory_space<vmem>>
      %scatter3A_252 = tpu.memref_squeeze %scatter3A_251 : memref<1x4x10050xf32, #tpu.memory_space<vmem>> -> memref<4x10050xf32, #tpu.memory_space<vmem>>
      tpu.vector_store_idx %scatter3A_252[%broadcast_in_dim3A_149, %get3A_241], %get3A_247 {add = true} : memref<4x10050xf32, #tpu.memory_space<vmem>>[vector<16xi32>, vector<16xi32>], vector<16xf32>,
      %get3A_253 = arith.constant 0 : i32
      %get3A_254 = arith.index_cast %get3A_253 : i32 to index
      %get3A_255 = arith.constant 112 : index
      %get3A_256 = tpu.vector_load %arg6[%get3A_254, %get3A_255] {strides = array<i32>} : memref<2x208xi32, #tpu.memory_space<vmem>>, vector<16xi32>,
      %get3A_257 = arith.constant 0 : i32
      %get3A_258 = arith.constant 0 : i32
      %get3A_259 = arith.index_cast %get3A_257 : i32 to index
      %get3A_260 = arith.index_cast %get3A_258 : i32 to index
      %get3A_261 = arith.constant 112 : index
      %get3A_262 = tpu.vector_load %arg7[%get3A_259, %get3A_260, %get3A_261] {strides = array<i32>} : memref<2x4x208xf32, #tpu.memory_space<vmem>>, vector<16xf32>,
      %scatter3A_263 = arith.constant 0 : i32
      %scatter3A_264 = arith.constant 0 : i32
      %scatter3A_265 = arith.constant 0 : i32
      %scatter3A_266 = tpu.memref_slice %arg8[%scatter3A_263, %scatter3A_264, %scatter3A_265] : memref<2x4x10050xf32, #tpu.memory_space<vmem>> -> memref<1x4x10050xf32, #tpu.memory_space<vmem>>
      %scatter3A_267 = tpu.memref_squeeze %scatter3A_266 : memref<1x4x10050xf32, #tpu.memory_space<vmem>> -> memref<4x10050xf32, #tpu.memory_space<vmem>>
      tpu.vector_store_idx %scatter3A_267[%broadcast_in_dim3A_149, %get3A_256], %get3A_262 {add = true} : memref<4x10050xf32, #tpu.memory_space<vmem>>[vector<16xi32>, vector<16xi32>], vector<16xf32>,
      %get3A_268 = arith.constant 0 : i32
      %get3A_269 = arith.index_cast %get3A_268 : i32 to index
      %get3A_270 = arith.constant 128 : index
      %get3A_271 = tpu.vector_load %arg6[%get3A_269, %get3A_270] {strides = array<i32>} : memref<2x208xi32, #tpu.memory_space<vmem>>, vector<16xi32>,
      %get3A_272 = arith.constant 0 : i32
      %get3A_273 = arith.constant 0 : i32
      %get3A_274 = arith.index_cast %get3A_272 : i32 to index
      %get3A_275 = arith.index_cast %get3A_273 : i32 to index
      %get3A_276 = arith.constant 128 : index
      %get3A_277 = tpu.vector_load %arg7[%get3A_274, %get3A_275, %get3A_276] {strides = array<i32>} : memref<2x4x208xf32, #tpu.memory_space<vmem>>, vector<16xf32>,
      %scatter3A_278 = arith.constant 0 : i32
      %scatter3A_279 = arith.constant 0 : i32
      %scatter3A_280 = arith.constant 0 : i32
      %scatter3A_281 = tpu.memref_slice %arg8[%scatter3A_278, %scatter3A_279, %scatter3A_280] : memref<2x4x10050xf32, #tpu.memory_space<vmem>> -> memref<1x4x10050xf32, #tpu.memory_space<vmem>>
      %scatter3A_282 = tpu.memref_squeeze %scatter3A_281 : memref<1x4x10050xf32, #tpu.memory_space<vmem>> -> memref<4x10050xf32, #tpu.memory_space<vmem>>
      tpu.vector_store_idx %scatter3A_282[%broadcast_in_dim3A_149, %get3A_271], %get3A_277 {add = true} : memref<4x10050xf32, #tpu.memory_space<vmem>>[vector<16xi32>, vector<16xi32>], vector<16xf32>,
      %get3A_283 = arith.constant 0 : i32
      %get3A_284 = arith.index_cast %get3A_283 : i32 to index
      %get3A_285 = arith.constant 144 : index
      %get3A_286 = tpu.vector_load %arg6[%get3A_284, %get3A_285] {strides = array<i32>} : memref<2x208xi32, #tpu.memory_space<vmem>>, vector<16xi32>,
      %get3A_287 = arith.constant 0 : i32
      %get3A_288 = arith.constant 0 : i32
      %get3A_289 = arith.index_cast %get3A_287 : i32 to index
      %get3A_290 = arith.index_cast %get3A_288 : i32 to index
      %get3A_291 = arith.constant 144 : index
      %get3A_292 = tpu.vector_load %arg7[%get3A_289, %get3A_290, %get3A_291] {strides = array<i32>} : memref<2x4x208xf32, #tpu.memory_space<vmem>>, vector<16xf32>,
      %scatter3A_293 = arith.constant 0 : i32
      %scatter3A_294 = arith.constant 0 : i32
      %scatter3A_295 = arith.constant 0 : i32
      %scatter3A_296 = tpu.memref_slice %arg8[%scatter3A_293, %scatter3A_294, %scatter3A_295] : memref<2x4x10050xf32, #tpu.memory_space<vmem>> -> memref<1x4x10050xf32, #tpu.memory_space<vmem>>
      %scatter3A_297 = tpu.memref_squeeze %scatter3A_296 : memref<1x4x10050xf32, #tpu.memory_space<vmem>> -> memref<4x10050xf32, #tpu.memory_space<vmem>>
      tpu.vector_store_idx %scatter3A_297[%broadcast_in_dim3A_149, %get3A_286], %get3A_292 {add = true} : memref<4x10050xf32, #tpu.memory_space<vmem>>[vector<16xi32>, vector<16xi32>], vector<16xf32>,
      %get3A_298 = arith.constant 0 : i32
      %get3A_299 = arith.index_cast %get3A_298 : i32 to index
      %get3A_300 = arith.constant 160 : index
      %get3A_301 = tpu.vector_load %arg6[%get3A_299, %get3A_300] {strides = array<i32>} : memref<2x208xi32, #tpu.memory_space<vmem>>, vector<16xi32>,
      %get3A_302 = arith.constant 0 : i32
      %get3A_303 = arith.constant 0 : i32
      %get3A_304 = arith.index_cast %get3A_302 : i32 to index
      %get3A_305 = arith.index_cast %get3A_303 : i32 to index
      %get3A_306 = arith.constant 160 : index
      %get3A_307 = tpu.vector_load %arg7[%get3A_304, %get3A_305, %get3A_306] {strides = array<i32>} : memref<2x4x208xf32, #tpu.memory_space<vmem>>, vector<16xf32>,
      %scatter3A_308 = arith.constant 0 : i32
      %scatter3A_309 = arith.constant 0 : i32
      %scatter3A_310 = arith.constant 0 : i32
      %scatter3A_311 = tpu.memref_slice %arg8[%scatter3A_308, %scatter3A_309, %scatter3A_310] : memref<2x4x10050xf32, #tpu.memory_space<vmem>> -> memref<1x4x10050xf32, #tpu.memory_space<vmem>>
      %scatter3A_312 = tpu.memref_squeeze %scatter3A_311 : memref<1x4x10050xf32, #tpu.memory_space<vmem>> -> memref<4x10050xf32, #tpu.memory_space<vmem>>
      tpu.vector_store_idx %scatter3A_312[%broadcast_in_dim3A_149, %get3A_301], %get3A_307 {add = true} : memref<4x10050xf32, #tpu.memory_space<vmem>>[vector<16xi32>, vector<16xi32>], vector<16xf32>,
      %get3A_313 = arith.constant 0 : i32
      %get3A_314 = arith.index_cast %get3A_313 : i32 to index
      %get3A_315 = arith.constant 176 : index
      %get3A_316 = tpu.vector_load %arg6[%get3A_314, %get3A_315] {strides = array<i32>} : memref<2x208xi32, #tpu.memory_space<vmem>>, vector<16xi32>,
      %get3A_317 = arith.constant 0 : i32
      %get3A_318 = arith.constant 0 : i32
      %get3A_319 = arith.index_cast %get3A_317 : i32 to index
      %get3A_320 = arith.index_cast %get3A_318 : i32 to index
      %get3A_321 = arith.constant 176 : index
      %get3A_322 = tpu.vector_load %arg7[%get3A_319, %get3A_320, %get3A_321] {strides = array<i32>} : memref<2x4x208xf32, #tpu.memory_space<vmem>>, vector<16xf32>,
      %scatter3A_323 = arith.constant 0 : i32
      %scatter3A_324 = arith.constant 0 : i32
      %scatter3A_325 = arith.constant 0 : i32
      %scatter3A_326 = tpu.memref_slice %arg8[%scatter3A_323, %scatter3A_324, %scatter3A_325] : memref<2x4x10050xf32, #tpu.memory_space<vmem>> -> memref<1x4x10050xf32, #tpu.memory_space<vmem>>
      %scatter3A_327 = tpu.memref_squeeze %scatter3A_326 : memref<1x4x10050xf32, #tpu.memory_space<vmem>> -> memref<4x10050xf32, #tpu.memory_space<vmem>>
      tpu.vector_store_idx %scatter3A_327[%broadcast_in_dim3A_149, %get3A_316], %get3A_322 {add = true} : memref<4x10050xf32, #tpu.memory_space<vmem>>[vector<16xi32>, vector<16xi32>], vector<16xf32>,
      %get3A_328 = arith.constant 0 : i32
      %get3A_329 = arith.index_cast %get3A_328 : i32 to index
      %get3A_330 = arith.constant 192 : index
      %get3A_331 = tpu.vector_load %arg6[%get3A_329, %get3A_330] {strides = array<i32>} : memref<2x208xi32, #tpu.memory_space<vmem>>, vector<16xi32>,
      %get3A_332 = arith.constant 0 : i32
      %get3A_333 = arith.constant 0 : i32
      %get3A_334 = arith.index_cast %get3A_332 : i32 to index
      %get3A_335 = arith.index_cast %get3A_333 : i32 to index
      %get3A_336 = arith.constant 192 : index
      %get3A_337 = tpu.vector_load %arg7[%get3A_334, %get3A_335, %get3A_336] {strides = array<i32>} : memref<2x4x208xf32, #tpu.memory_space<vmem>>, vector<16xf32>,
      %scatter3A_338 = arith.constant 0 : i32
      %scatter3A_339 = arith.constant 0 : i32
      %scatter3A_340 = arith.constant 0 : i32
      %scatter3A_341 = tpu.memref_slice %arg8[%scatter3A_338, %scatter3A_339, %scatter3A_340] : memref<2x4x10050xf32, #tpu.memory_space<vmem>> -> memref<1x4x10050xf32, #tpu.memory_space<vmem>>
      %scatter3A_342 = tpu.memref_squeeze %scatter3A_341 : memref<1x4x10050xf32, #tpu.memory_space<vmem>> -> memref<4x10050xf32, #tpu.memory_space<vmem>>
      tpu.vector_store_idx %scatter3A_342[%broadcast_in_dim3A_149, %get3A_331], %get3A_337 {add = true} : memref<4x10050xf32, #tpu.memory_space<vmem>>[vector<16xi32>, vector<16xi32>], vector<16xf32>,
      %broadcast_in_dim3A_343 = arith.constant 1 : i32
      %broadcast_in_dim3A_344 = vector.broadcast %broadcast_in_dim3A_343 : i32 to vector<16xi32>
      %get3A_345 = arith.constant 0 : i32
      %get3A_346 = arith.index_cast %get3A_345 : i32 to index
      %get3A_347 = arith.constant 0 : index
      %get3A_348 = tpu.vector_load %arg6[%get3A_346, %get3A_347] {strides = array<i32>} : memref<2x208xi32, #tpu.memory_space<vmem>>, vector<16xi32>,
      %get3A_349 = arith.constant 0 : i32
      %get3A_350 = arith.constant 1 : i32
      %get3A_351 = arith.index_cast %get3A_349 : i32 to index
      %get3A_352 = arith.index_cast %get3A_350 : i32 to index
      %get3A_353 = arith.constant 0 : index
      %get3A_354 = tpu.vector_load %arg7[%get3A_351, %get3A_352, %get3A_353] {strides = array<i32>} : memref<2x4x208xf32, #tpu.memory_space<vmem>>, vector<16xf32>,
      %scatter3A_355 = arith.constant 0 : i32
      %scatter3A_356 = arith.constant 0 : i32
      %scatter3A_357 = arith.constant 0 : i32
      %scatter3A_358 = tpu.memref_slice %arg8[%scatter3A_355, %scatter3A_356, %scatter3A_357] : memref<2x4x10050xf32, #tpu.memory_space<vmem>> -> memref<1x4x10050xf32, #tpu.memory_space<vmem>>
      %scatter3A_359 = tpu.memref_squeeze %scatter3A_358 : memref<1x4x10050xf32, #tpu.memory_space<vmem>> -> memref<4x10050xf32, #tpu.memory_space<vmem>>
      tpu.vector_store_idx %scatter3A_359[%broadcast_in_dim3A_344, %get3A_348], %get3A_354 {add = true} : memref<4x10050xf32, #tpu.memory_space<vmem>>[vector<16xi32>, vector<16xi32>], vector<16xf32>,
      %get3A_360 = arith.constant 0 : i32
      %get3A_361 = arith.index_cast %get3A_360 : i32 to index
      %get3A_362 = arith.constant 16 : index
      %get3A_363 = tpu.vector_load %arg6[%get3A_361, %get3A_362] {strides = array<i32>} : memref<2x208xi32, #tpu.memory_space<vmem>>, vector<16xi32>,
      %get3A_364 = arith.constant 0 : i32
      %get3A_365 = arith.constant 1 : i32
      %get3A_366 = arith.index_cast %get3A_364 : i32 to index
      %get3A_367 = arith.index_cast %get3A_365 : i32 to index
      %get3A_368 = arith.constant 16 : index
      %get3A_369 = tpu.vector_load %arg7[%get3A_366, %get3A_367, %get3A_368] {strides = array<i32>} : memref<2x4x208xf32, #tpu.memory_space<vmem>>, vector<16xf32>,
      %scatter3A_370 = arith.constant 0 : i32
      %scatter3A_371 = arith.constant 0 : i32
      %scatter3A_372 = arith.constant 0 : i32
      %scatter3A_373 = tpu.memref_slice %arg8[%scatter3A_370, %scatter3A_371, %scatter3A_372] : memref<2x4x10050xf32, #tpu.memory_space<vmem>> -> memref<1x4x10050xf32, #tpu.memory_space<vmem>>
      %scatter3A_374 = tpu.memref_squeeze %scatter3A_373 : memref<1x4x10050xf32, #tpu.memory_space<vmem>> -> memref<4x10050xf32, #tpu.memory_space<vmem>>
      tpu.vector_store_idx %scatter3A_374[%broadcast_in_dim3A_344, %get3A_363], %get3A_369 {add = true} : memref<4x10050xf32, #tpu.memory_space<vmem>>[vector<16xi32>, vector<16xi32>], vector<16xf32>,
      %get3A_375 = arith.constant 0 : i32
      %get3A_376 = arith.index_cast %get3A_375 : i32 to index
      %get3A_377 = arith.constant 32 : index
      %get3A_378 = tpu.vector_load %arg6[%get3A_376, %get3A_377] {strides = array<i32>} : memref<2x208xi32, #tpu.memory_space<vmem>>, vector<16xi32>,
      %get3A_379 = arith.constant 0 : i32
      %get3A_380 = arith.constant 1 : i32
      %get3A_381 = arith.index_cast %get3A_379 : i32 to index
      %get3A_382 = arith.index_cast %get3A_380 : i32 to index
      %get3A_383 = arith.constant 32 : index
      %get3A_384 = tpu.vector_load %arg7[%get3A_381, %get3A_382, %get3A_383] {strides = array<i32>} : memref<2x4x208xf32, #tpu.memory_space<vmem>>, vector<16xf32>,
      %scatter3A_385 = arith.constant 0 : i32
      %scatter3A_386 = arith.constant 0 : i32
      %scatter3A_387 = arith.constant 0 : i32
      %scatter3A_388 = tpu.memref_slice %arg8[%scatter3A_385, %scatter3A_386, %scatter3A_387] : memref<2x4x10050xf32, #tpu.memory_space<vmem>> -> memref<1x4x10050xf32, #tpu.memory_space<vmem>>
      %scatter3A_389 = tpu.memref_squeeze %scatter3A_388 : memref<1x4x10050xf32, #tpu.memory_space<vmem>> -> memref<4x10050xf32, #tpu.memory_space<vmem>>
      tpu.vector_store_idx %scatter3A_389[%broadcast_in_dim3A_344, %get3A_378], %get3A_384 {add = true} : memref<4x10050xf32, #tpu.memory_space<vmem>>[vector<16xi32>, vector<16xi32>], vector<16xf32>,
      %get3A_390 = arith.constant 0 : i32
      %get3A_391 = arith.index_cast %get3A_390 : i32 to index
      %get3A_392 = arith.constant 48 : index
      %get3A_393 = tpu.vector_load %arg6[%get3A_391, %get3A_392] {strides = array<i32>} : memref<2x208xi32, #tpu.memory_space<vmem>>, vector<16xi32>,
      %get3A_394 = arith.constant 0 : i32
      %get3A_395 = arith.constant 1 : i32
      %get3A_396 = arith.index_cast %get3A_394 : i32 to index
      %get3A_397 = arith.index_cast %get3A_395 : i32 to index
      %get3A_398 = arith.constant 48 : index
      %get3A_399 = tpu.vector_load %arg7[%get3A_396, %get3A_397, %get3A_398] {strides = array<i32>} : memref<2x4x208xf32, #tpu.memory_space<vmem>>, vector<16xf32>,
      %scatter3A_400 = arith.constant 0 : i32
      %scatter3A_401 = arith.constant 0 : i32
      %scatter3A_402 = arith.constant 0 : i32
      %scatter3A_403 = tpu.memref_slice %arg8[%scatter3A_400, %scatter3A_401, %scatter3A_402] : memref<2x4x10050xf32, #tpu.memory_space<vmem>> -> memref<1x4x10050xf32, #tpu.memory_space<vmem>>
      %scatter3A_404 = tpu.memref_squeeze %scatter3A_403 : memref<1x4x10050xf32, #tpu.memory_space<vmem>> -> memref<4x10050xf32, #tpu.memory_space<vmem>>
      tpu.vector_store_idx %scatter3A_404[%broadcast_in_dim3A_344, %get3A_393], %get3A_399 {add = true} : memref<4x10050xf32, #tpu.memory_space<vmem>>[vector<16xi32>, vector<16xi32>], vector<16xf32>,
      %get3A_405 = arith.constant 0 : i32
      %get3A_406 = arith.index_cast %get3A_405 : i32 to index
      %get3A_407 = arith.constant 64 : index
      %get3A_408 = tpu.vector_load %arg6[%get3A_406, %get3A_407] {strides = array<i32>} : memref<2x208xi32, #tpu.memory_space<vmem>>, vector<16xi32>,
      %get3A_409 = arith.constant 0 : i32
      %get3A_410 = arith.constant 1 : i32
      %get3A_411 = arith.index_cast %get3A_409 : i32 to index
      %get3A_412 = arith.index_cast %get3A_410 : i32 to index
      %get3A_413 = arith.constant 64 : index
      %get3A_414 = tpu.vector_load %arg7[%get3A_411, %get3A_412, %get3A_413] {strides = array<i32>} : memref<2x4x208xf32, #tpu.memory_space<vmem>>, vector<16xf32>,
      %scatter3A_415 = arith.constant 0 : i32
      %scatter3A_416 = arith.constant 0 : i32
      %scatter3A_417 = arith.constant 0 : i32
      %scatter3A_418 = tpu.memref_slice %arg8[%scatter3A_415, %scatter3A_416, %scatter3A_417] : memref<2x4x10050xf32, #tpu.memory_space<vmem>> -> memref<1x4x10050xf32, #tpu.memory_space<vmem>>
      %scatter3A_419 = tpu.memref_squeeze %scatter3A_418 : memref<1x4x10050xf32, #tpu.memory_space<vmem>> -> memref<4x10050xf32, #tpu.memory_space<vmem>>
      tpu.vector_store_idx %scatter3A_419[%broadcast_in_dim3A_344, %get3A_408], %get3A_414 {add = true} : memref<4x10050xf32, #tpu.memory_space<vmem>>[vector<16xi32>, vector<16xi32>], vector<16xf32>,
      %get3A_420 = arith.constant 0 : i32
      %get3A_421 = arith.index_cast %get3A_420 : i32 to index
      %get3A_422 = arith.constant 80 : index
      %get3A_423 = tpu.vector_load %arg6[%get3A_421, %get3A_422] {strides = array<i32>} : memref<2x208xi32, #tpu.memory_space<vmem>>, vector<16xi32>,
      %get3A_424 = arith.constant 0 : i32
      %get3A_425 = arith.constant 1 : i32
      %get3A_426 = arith.index_cast %get3A_424 : i32 to index
      %get3A_427 = arith.index_cast %get3A_425 : i32 to index
      %get3A_428 = arith.constant 80 : index
      %get3A_429 = tpu.vector_load %arg7[%get3A_426, %get3A_427, %get3A_428] {strides = array<i32>} : memref<2x4x208xf32, #tpu.memory_space<vmem>>, vector<16xf32>,
      %scatter3A_430 = arith.constant 0 : i32
      %scatter3A_431 = arith.constant 0 : i32
      %scatter3A_432 = arith.constant 0 : i32
      %scatter3A_433 = tpu.memref_slice %arg8[%scatter3A_430, %scatter3A_431, %scatter3A_432] : memref<2x4x10050xf32, #tpu.memory_space<vmem>> -> memref<1x4x10050xf32, #tpu.memory_space<vmem>>
      %scatter3A_434 = tpu.memref_squeeze %scatter3A_433 : memref<1x4x10050xf32, #tpu.memory_space<vmem>> -> memref<4x10050xf32, #tpu.memory_space<vmem>>
      tpu.vector_store_idx %scatter3A_434[%broadcast_in_dim3A_344, %get3A_423], %get3A_429 {add = true} : memref<4x10050xf32, #tpu.memory_space<vmem>>[vector<16xi32>, vector<16xi32>], vector<16xf32>,
      %get3A_435 = arith.constant 0 : i32
      %get3A_436 = arith.index_cast %get3A_435 : i32 to index
      %get3A_437 = arith.constant 96 : index
      %get3A_438 = tpu.vector_load %arg6[%get3A_436, %get3A_437] {strides = array<i32>} : memref<2x208xi32, #tpu.memory_space<vmem>>, vector<16xi32>,
      %get3A_439 = arith.constant 0 : i32
      %get3A_440 = arith.constant 1 : i32
      %get3A_441 = arith.index_cast %get3A_439 : i32 to index
      %get3A_442 = arith.index_cast %get3A_440 : i32 to index
      %get3A_443 = arith.constant 96 : index
      %get3A_444 = tpu.vector_load %arg7[%get3A_441, %get3A_442, %get3A_443] {strides = array<i32>} : memref<2x4x208xf32, #tpu.memory_space<vmem>>, vector<16xf32>,
      %scatter3A_445 = arith.constant 0 : i32
      %scatter3A_446 = arith.constant 0 : i32
      %scatter3A_447 = arith.constant 0 : i32
      %scatter3A_448 = tpu.memref_slice %arg8[%scatter3A_445, %scatter3A_446, %scatter3A_447] : memref<2x4x10050xf32, #tpu.memory_space<vmem>> -> memref<1x4x10050xf32, #tpu.memory_space<vmem>>
      %scatter3A_449 = tpu.memref_squeeze %scatter3A_448 : memref<1x4x10050xf32, #tpu.memory_space<vmem>> -> memref<4x10050xf32, #tpu.memory_space<vmem>>
      tpu.vector_store_idx %scatter3A_449[%broadcast_in_dim3A_344, %get3A_438], %get3A_444 {add = true} : memref<4x10050xf32, #tpu.memory_space<vmem>>[vector<16xi32>, vector<16xi32>], vector<16xf32>,
      %get3A_450 = arith.constant 0 : i32
      %get3A_451 = arith.index_cast %get3A_450 : i32 to index
      %get3A_452 = arith.constant 112 : index
      %get3A_453 = tpu.vector_load %arg6[%get3A_451, %get3A_452] {strides = array<i32>} : memref<2x208xi32, #tpu.memory_space<vmem>>, vector<16xi32>,
      %get3A_454 = arith.constant 0 : i32
      %get3A_455 = arith.constant 1 : i32
      %get3A_456 = arith.index_cast %get3A_454 : i32 to index
      %get3A_457 = arith.index_cast %get3A_455 : i32 to index
      %get3A_458 = arith.constant 112 : index
      %get3A_459 = tpu.vector_load %arg7[%get3A_456, %get3A_457, %get3A_458] {strides = array<i32>} : memref<2x4x208xf32, #tpu.memory_space<vmem>>, vector<16xf32>,
      %scatter3A_460 = arith.constant 0 : i32
      %scatter3A_461 = arith.constant 0 : i32
      %scatter3A_462 = arith.constant 0 : i32
      %scatter3A_463 = tpu.memref_slice %arg8[%scatter3A_460, %scatter3A_461, %scatter3A_462] : memref<2x4x10050xf32, #tpu.memory_space<vmem>> -> memref<1x4x10050xf32, #tpu.memory_space<vmem>>
      %scatter3A_464 = tpu.memref_squeeze %scatter3A_463 : memref<1x4x10050xf32, #tpu.memory_space<vmem>> -> memref<4x10050xf32, #tpu.memory_space<vmem>>
      tpu.vector_store_idx %scatter3A_464[%broadcast_in_dim3A_344, %get3A_453], %get3A_459 {add = true} : memref<4x10050xf32, #tpu.memory_space<vmem>>[vector<16xi32>, vector<16xi32>], vector<16xf32>,
      %get3A_465 = arith.constant 0 : i32
      %get3A_466 = arith.index_cast %get3A_465 : i32 to index
      %get3A_467 = arith.constant 128 : index
      %get3A_468 = tpu.vector_load %arg6[%get3A_466, %get3A_467] {strides = array<i32>} : memref<2x208xi32, #tpu.memory_space<vmem>>, vector<16xi32>,
      %get3A_469 = arith.constant 0 : i32
      %get3A_470 = arith.constant 1 : i32
      %get3A_471 = arith.index_cast %get3A_469 : i32 to index
      %get3A_472 = arith.index_cast %get3A_470 : i32 to index
      %get3A_473 = arith.constant 128 : index
      %get3A_474 = tpu.vector_load %arg7[%get3A_471, %get3A_472, %get3A_473] {strides = array<i32>} : memref<2x4x208xf32, #tpu.memory_space<vmem>>, vector<16xf32>,
      %scatter3A_475 = arith.constant 0 : i32
      %scatter3A_476 = arith.constant 0 : i32
      %scatter3A_477 = arith.constant 0 : i32
      %scatter3A_478 = tpu.memref_slice %arg8[%scatter3A_475, %scatter3A_476, %scatter3A_477] : memref<2x4x10050xf32, #tpu.memory_space<vmem>> -> memref<1x4x10050xf32, #tpu.memory_space<vmem>>
      %scatter3A_479 = tpu.memref_squeeze %scatter3A_478 : memref<1x4x10050xf32, #tpu.memory_space<vmem>> -> memref<4x10050xf32, #tpu.memory_space<vmem>>
      tpu.vector_store_idx %scatter3A_479[%broadcast_in_dim3A_344, %get3A_468], %get3A_474 {add = true} : memref<4x10050xf32, #tpu.memory_space<vmem>>[vector<16xi32>, vector<16xi32>], vector<16xf32>,
      %get3A_480 = arith.constant 0 : i32
      %get3A_481 = arith.index_cast %get3A_480 : i32 to index
      %get3A_482 = arith.constant 144 : index
      %get3A_483 = tpu.vector_load %arg6[%get3A_481, %get3A_482] {strides = array<i32>} : memref<2x208xi32, #tpu.memory_space<vmem>>, vector<16xi32>,
      %get3A_484 = arith.constant 0 : i32
      %get3A_485 = arith.constant 1 : i32
      %get3A_486 = arith.index_cast %get3A_484 : i32 to index
      %get3A_487 = arith.index_cast %get3A_485 : i32 to index
      %get3A_488 = arith.constant 144 : index
      %get3A_489 = tpu.vector_load %arg7[%get3A_486, %get3A_487, %get3A_488] {strides = array<i32>} : memref<2x4x208xf32, #tpu.memory_space<vmem>>, vector<16xf32>,
      %scatter3A_490 = arith.constant 0 : i32
      %scatter3A_491 = arith.constant 0 : i32
      %scatter3A_492 = arith.constant 0 : i32
      %scatter3A_493 = tpu.memref_slice %arg8[%scatter3A_490, %scatter3A_491, %scatter3A_492] : memref<2x4x10050xf32, #tpu.memory_space<vmem>> -> memref<1x4x10050xf32, #tpu.memory_space<vmem>>
      %scatter3A_494 = tpu.memref_squeeze %scatter3A_493 : memref<1x4x10050xf32, #tpu.memory_space<vmem>> -> memref<4x10050xf32, #tpu.memory_space<vmem>>
      tpu.vector_store_idx %scatter3A_494[%broadcast_in_dim3A_344, %get3A_483], %get3A_489 {add = true} : memref<4x10050xf32, #tpu.memory_space<vmem>>[vector<16xi32>, vector<16xi32>], vector<16xf32>,
      %get3A_495 = arith.constant 0 : i32
      %get3A_496 = arith.index_cast %get3A_495 : i32 to index
      %get3A_497 = arith.constant 160 : index
      %get3A_498 = tpu.vector_load %arg6[%get3A_496, %get3A_497] {strides = array<i32>} : memref<2x208xi32, #tpu.memory_space<vmem>>, vector<16xi32>,
      %get3A_499 = arith.constant 0 : i32
      %get3A_500 = arith.constant 1 : i32
      %get3A_501 = arith.index_cast %get3A_499 : i32 to index
      %get3A_502 = arith.index_cast %get3A_500 : i32 to index
      %get3A_503 = arith.constant 160 : index
      %get3A_504 = tpu.vector_load %arg7[%get3A_501, %get3A_502, %get3A_503] {strides = array<i32>} : memref<2x4x208xf32, #tpu.memory_space<vmem>>, vector<16xf32>,
      %scatter3A_505 = arith.constant 0 : i32
      %scatter3A_506 = arith.constant 0 : i32
      %scatter3A_507 = arith.constant 0 : i32
      %scatter3A_508 = tpu.memref_slice %arg8[%scatter3A_505, %scatter3A_506, %scatter3A_507] : memref<2x4x10050xf32, #tpu.memory_space<vmem>> -> memref<1x4x10050xf32, #tpu.memory_space<vmem>>
      %scatter3A_509 = tpu.memref_squeeze %scatter3A_508 : memref<1x4x10050xf32, #tpu.memory_space<vmem>> -> memref<4x10050xf32, #tpu.memory_space<vmem>>
      tpu.vector_store_idx %scatter3A_509[%broadcast_in_dim3A_344, %get3A_498], %get3A_504 {add = true} : memref<4x10050xf32, #tpu.memory_space<vmem>>[vector<16xi32>, vector<16xi32>], vector<16xf32>,
      %get3A_510 = arith.constant 0 : i32
      %get3A_511 = arith.index_cast %get3A_510 : i32 to index
      %get3A_512 = arith.constant 176 : index
      %get3A_513 = tpu.vector_load %arg6[%get3A_511, %get3A_512] {strides = array<i32>} : memref<2x208xi32, #tpu.memory_space<vmem>>, vector<16xi32>,
      %get3A_514 = arith.constant 0 : i32
      %get3A_515 = arith.constant 1 : i32
      %get3A_516 = arith.index_cast %get3A_514 : i32 to index
      %get3A_517 = arith.index_cast %get3A_515 : i32 to index
      %get3A_518 = arith.constant 176 : index
      %get3A_519 = tpu.vector_load %arg7[%get3A_516, %get3A_517, %get3A_518] {strides = array<i32>} : memref<2x4x208xf32, #tpu.memory_space<vmem>>, vector<16xf32>,
      %scatter3A_520 = arith.constant 0 : i32
      %scatter3A_521 = arith.constant 0 : i32
      %scatter3A_522 = arith.constant 0 : i32
      %scatter3A_523 = tpu.memref_slice %arg8[%scatter3A_520, %scatter3A_521, %scatter3A_522] : memref<2x4x10050xf32, #tpu.memory_space<vmem>> -> memref<1x4x10050xf32, #tpu.memory_space<vmem>>
      %scatter3A_524 = tpu.memref_squeeze %scatter3A_523 : memref<1x4x10050xf32, #tpu.memory_space<vmem>> -> memref<4x10050xf32, #tpu.memory_space<vmem>>
      tpu.vector_store_idx %scatter3A_524[%broadcast_in_dim3A_344, %get3A_513], %get3A_519 {add = true} : memref<4x10050xf32, #tpu.memory_space<vmem>>[vector<16xi32>, vector<16xi32>], vector<16xf32>,
      %get3A_525 = arith.constant 0 : i32
      %get3A_526 = arith.index_cast %get3A_525 : i32 to index
      %get3A_527 = arith.constant 192 : index
      %get3A_528 = tpu.vector_load %arg6[%get3A_526, %get3A_527] {strides = array<i32>} : memref<2x208xi32, #tpu.memory_space<vmem>>, vector<16xi32>,
      %get3A_529 = arith.constant 0 : i32
      %get3A_530 = arith.constant 1 : i32
      %get3A_531 = arith.index_cast %get3A_529 : i32 to index
      %get3A_532 = arith.index_cast %get3A_530 : i32 to index
      %get3A_533 = arith.constant 192 : index
      %get3A_534 = tpu.vector_load %arg7[%get3A_531, %get3A_532, %get3A_533] {strides = array<i32>} : memref<2x4x208xf32, #tpu.memory_space<vmem>>, vector<16xf32>,
      %scatter3A_535 = arith.constant 0 : i32
      %scatter3A_536 = arith.constant 0 : i32
      %scatter3A_537 = arith.constant 0 : i32
      %scatter3A_538 = tpu.memref_slice %arg8[%scatter3A_535, %scatter3A_536, %scatter3A_537] : memref<2x4x10050xf32, #tpu.memory_space<vmem>> -> memref<1x4x10050xf32, #tpu.memory_space<vmem>>
      %scatter3A_539 = tpu.memref_squeeze %scatter3A_538 : memref<1x4x10050xf32, #tpu.memory_space<vmem>> -> memref<4x10050xf32, #tpu.memory_space<vmem>>
      tpu.vector_store_idx %scatter3A_539[%broadcast_in_dim3A_344, %get3A_528], %get3A_534 {add = true} : memref<4x10050xf32, #tpu.memory_space<vmem>>[vector<16xi32>, vector<16xi32>], vector<16xf32>,
      %broadcast_in_dim3A_540 = arith.constant 2 : i32
      %broadcast_in_dim3A_541 = vector.broadcast %broadcast_in_dim3A_540 : i32 to vector<16xi32>
      %get3A_542 = arith.constant 0 : i32
      %get3A_543 = arith.index_cast %get3A_542 : i32 to index
      %get3A_544 = arith.constant 0 : index
      %get3A_545 = tpu.vector_load %arg6[%get3A_543, %get3A_544] {strides = array<i32>} : memref<2x208xi32, #tpu.memory_space<vmem>>, vector<16xi32>,
      %get3A_546 = arith.constant 0 : i32
      %get3A_547 = arith.constant 2 : i32
      %get3A_548 = arith.index_cast %get3A_546 : i32 to index
      %get3A_549 = arith.index_cast %get3A_547 : i32 to index
      %get3A_550 = arith.constant 0 : index
      %get3A_551 = tpu.vector_load %arg7[%get3A_548, %get3A_549, %get3A_550] {strides = array<i32>} : memref<2x4x208xf32, #tpu.memory_space<vmem>>, vector<16xf32>,
      %scatter3A_552 = arith.constant 0 : i32
      %scatter3A_553 = arith.constant 0 : i32
      %scatter3A_554 = arith.constant 0 : i32
      %scatter3A_555 = tpu.memref_slice %arg8[%scatter3A_552, %scatter3A_553, %scatter3A_554] : memref<2x4x10050xf32, #tpu.memory_space<vmem>> -> memref<1x4x10050xf32, #tpu.memory_space<vmem>>
      %scatter3A_556 = tpu.memref_squeeze %scatter3A_555 : memref<1x4x10050xf32, #tpu.memory_space<vmem>> -> memref<4x10050xf32, #tpu.memory_space<vmem>>
      tpu.vector_store_idx %scatter3A_556[%broadcast_in_dim3A_541, %get3A_545], %get3A_551 {add = true} : memref<4x10050xf32, #tpu.memory_space<vmem>>[vector<16xi32>, vector<16xi32>], vector<16xf32>,
      %get3A_557 = arith.constant 0 : i32
      %get3A_558 = arith.index_cast %get3A_557 : i32 to index
      %get3A_559 = arith.constant 16 : index
      %get3A_560 = tpu.vector_load %arg6[%get3A_558, %get3A_559] {strides = array<i32>} : memref<2x208xi32, #tpu.memory_space<vmem>>, vector<16xi32>,
      %get3A_561 = arith.constant 0 : i32
      %get3A_562 = arith.constant 2 : i32
      %get3A_563 = arith.index_cast %get3A_561 : i32 to index
      %get3A_564 = arith.index_cast %get3A_562 : i32 to index
      %get3A_565 = arith.constant 16 : index
      %get3A_566 = tpu.vector_load %arg7[%get3A_563, %get3A_564, %get3A_565] {strides = array<i32>} : memref<2x4x208xf32, #tpu.memory_space<vmem>>, vector<16xf32>,
      %scatter3A_567 = arith.constant 0 : i32
      %scatter3A_568 = arith.constant 0 : i32
      %scatter3A_569 = arith.constant 0 : i32
      %scatter3A_570 = tpu.memref_slice %arg8[%scatter3A_567, %scatter3A_568, %scatter3A_569] : memref<2x4x10050xf32, #tpu.memory_space<vmem>> -> memref<1x4x10050xf32, #tpu.memory_space<vmem>>
      %scatter3A_571 = tpu.memref_squeeze %scatter3A_570 : memref<1x4x10050xf32, #tpu.memory_space<vmem>> -> memref<4x10050xf32, #tpu.memory_space<vmem>>
      tpu.vector_store_idx %scatter3A_571[%broadcast_in_dim3A_541, %get3A_560], %get3A_566 {add = true} : memref<4x10050xf32, #tpu.memory_space<vmem>>[vector<16xi32>, vector<16xi32>], vector<16xf32>,
      %get3A_572 = arith.constant 0 : i32
      %get3A_573 = arith.index_cast %get3A_572 : i32 to index
      %get3A_574 = arith.constant 32 : index
      %get3A_575 = tpu.vector_load %arg6[%get3A_573, %get3A_574] {strides = array<i32>} : memref<2x208xi32, #tpu.memory_space<vmem>>, vector<16xi32>,
      %get3A_576 = arith.constant 0 : i32
      %get3A_577 = arith.constant 2 : i32
      %get3A_578 = arith.index_cast %get3A_576 : i32 to index
      %get3A_579 = arith.index_cast %get3A_577 : i32 to index
      %get3A_580 = arith.constant 32 : index
      %get3A_581 = tpu.vector_load %arg7[%get3A_578, %get3A_579, %get3A_580] {strides = array<i32>} : memref<2x4x208xf32, #tpu.memory_space<vmem>>, vector<16xf32>,
      %scatter3A_582 = arith.constant 0 : i32
      %scatter3A_583 = arith.constant 0 : i32
      %scatter3A_584 = arith.constant 0 : i32
      %scatter3A_585 = tpu.memref_slice %arg8[%scatter3A_582, %scatter3A_583, %scatter3A_584] : memref<2x4x10050xf32, #tpu.memory_space<vmem>> -> memref<1x4x10050xf32, #tpu.memory_space<vmem>>
      %scatter3A_586 = tpu.memref_squeeze %scatter3A_585 : memref<1x4x10050xf32, #tpu.memory_space<vmem>> -> memref<4x10050xf32, #tpu.memory_space<vmem>>
      tpu.vector_store_idx %scatter3A_586[%broadcast_in_dim3A_541, %get3A_575], %get3A_581 {add = true} : memref<4x10050xf32, #tpu.memory_space<vmem>>[vector<16xi32>, vector<16xi32>], vector<16xf32>,
      %get3A_587 = arith.constant 0 : i32
      %get3A_588 = arith.index_cast %get3A_587 : i32 to index
      %get3A_589 = arith.constant 48 : index
      %get3A_590 = tpu.vector_load %arg6[%get3A_588, %get3A_589] {strides = array<i32>} : memref<2x208xi32, #tpu.memory_space<vmem>>, vector<16xi32>,
      %get3A_591 = arith.constant 0 : i32
      %get3A_592 = arith.constant 2 : i32
      %get3A_593 = arith.index_cast %get3A_591 : i32 to index
      %get3A_594 = arith.index_cast %get3A_592 : i32 to index
      %get3A_595 = arith.constant 48 : index
      %get3A_596 = tpu.vector_load %arg7[%get3A_593, %get3A_594, %get3A_595] {strides = array<i32>} : memref<2x4x208xf32, #tpu.memory_space<vmem>>, vector<16xf32>,
      %scatter3A_597 = arith.constant 0 : i32
      %scatter3A_598 = arith.constant 0 : i32
      %scatter3A_599 = arith.constant 0 : i32
      %scatter3A_600 = tpu.memref_slice %arg8[%scatter3A_597, %scatter3A_598, %scatter3A_599] : memref<2x4x10050xf32, #tpu.memory_space<vmem>> -> memref<1x4x10050xf32, #tpu.memory_space<vmem>>
      %scatter3A_601 = tpu.memref_squeeze %scatter3A_600 : memref<1x4x10050xf32, #tpu.memory_space<vmem>> -> memref<4x10050xf32, #tpu.memory_space<vmem>>
      tpu.vector_store_idx %scatter3A_601[%broadcast_in_dim3A_541, %get3A_590], %get3A_596 {add = true} : memref<4x10050xf32, #tpu.memory_space<vmem>>[vector<16xi32>, vector<16xi32>], vector<16xf32>,
      %get3A_602 = arith.constant 0 : i32
      %get3A_603 = arith.index_cast %get3A_602 : i32 to index
      %get3A_604 = arith.constant 64 : index
      %get3A_605 = tpu.vector_load %arg6[%get3A_603, %get3A_604] {strides = array<i32>} : memref<2x208xi32, #tpu.memory_space<vmem>>, vector<16xi32>,
      %get3A_606 = arith.constant 0 : i32
      %get3A_607 = arith.constant 2 : i32
      %get3A_608 = arith.index_cast %get3A_606 : i32 to index
      %get3A_609 = arith.index_cast %get3A_607 : i32 to index
      %get3A_610 = arith.constant 64 : index
      %get3A_611 = tpu.vector_load %arg7[%get3A_608, %get3A_609, %get3A_610] {strides = array<i32>} : memref<2x4x208xf32, #tpu.memory_space<vmem>>, vector<16xf32>,
      %scatter3A_612 = arith.constant 0 : i32
      %scatter3A_613 = arith.constant 0 : i32
      %scatter3A_614 = arith.constant 0 : i32
      %scatter3A_615 = tpu.memref_slice %arg8[%scatter3A_612, %scatter3A_613, %scatter3A_614] : memref<2x4x10050xf32, #tpu.memory_space<vmem>> -> memref<1x4x10050xf32, #tpu.memory_space<vmem>>
      %scatter3A_616 = tpu.memref_squeeze %scatter3A_615 : memref<1x4x10050xf32, #tpu.memory_space<vmem>> -> memref<4x10050xf32, #tpu.memory_space<vmem>>
      tpu.vector_store_idx %scatter3A_616[%broadcast_in_dim3A_541, %get3A_605], %get3A_611 {add = true} : memref<4x10050xf32, #tpu.memory_space<vmem>>[vector<16xi32>, vector<16xi32>], vector<16xf32>,
      %get3A_617 = arith.constant 0 : i32
      %get3A_618 = arith.index_cast %get3A_617 : i32 to index
      %get3A_619 = arith.constant 80 : index
      %get3A_620 = tpu.vector_load %arg6[%get3A_618, %get3A_619] {strides = array<i32>} : memref<2x208xi32, #tpu.memory_space<vmem>>, vector<16xi32>,
      %get3A_621 = arith.constant 0 : i32
      %get3A_622 = arith.constant 2 : i32
      %get3A_623 = arith.index_cast %get3A_621 : i32 to index
      %get3A_624 = arith.index_cast %get3A_622 : i32 to index
      %get3A_625 = arith.constant 80 : index
      %get3A_626 = tpu.vector_load %arg7[%get3A_623, %get3A_624, %get3A_625] {strides = array<i32>} : memref<2x4x208xf32, #tpu.memory_space<vmem>>, vector<16xf32>,
      %scatter3A_627 = arith.constant 0 : i32
      %scatter3A_628 = arith.constant 0 : i32
      %scatter3A_629 = arith.constant 0 : i32
      %scatter3A_630 = tpu.memref_slice %arg8[%scatter3A_627, %scatter3A_628, %scatter3A_629] : memref<2x4x10050xf32, #tpu.memory_space<vmem>> -> memref<1x4x10050xf32, #tpu.memory_space<vmem>>
      %scatter3A_631 = tpu.memref_squeeze %scatter3A_630 : memref<1x4x10050xf32, #tpu.memory_space<vmem>> -> memref<4x10050xf32, #tpu.memory_space<vmem>>
      tpu.vector_store_idx %scatter3A_631[%broadcast_in_dim3A_541, %get3A_620], %get3A_626 {add = true} : memref<4x10050xf32, #tpu.memory_space<vmem>>[vector<16xi32>, vector<16xi32>], vector<16xf32>,
      %get3A_632 = arith.constant 0 : i32
      %get3A_633 = arith.index_cast %get3A_632 : i32 to index
      %get3A_634 = arith.constant 96 : index
      %get3A_635 = tpu.vector_load %arg6[%get3A_633, %get3A_634] {strides = array<i32>} : memref<2x208xi32, #tpu.memory_space<vmem>>, vector<16xi32>,
      %get3A_636 = arith.constant 0 : i32
      %get3A_637 = arith.constant 2 : i32
      %get3A_638 = arith.index_cast %get3A_636 : i32 to index
      %get3A_639 = arith.index_cast %get3A_637 : i32 to index
      %get3A_640 = arith.constant 96 : index
      %get3A_641 = tpu.vector_load %arg7[%get3A_638, %get3A_639, %get3A_640] {strides = array<i32>} : memref<2x4x208xf32, #tpu.memory_space<vmem>>, vector<16xf32>,
      %scatter3A_642 = arith.constant 0 : i32
      %scatter3A_643 = arith.constant 0 : i32
      %scatter3A_644 = arith.constant 0 : i32
      %scatter3A_645 = tpu.memref_slice %arg8[%scatter3A_642, %scatter3A_643, %scatter3A_644] : memref<2x4x10050xf32, #tpu.memory_space<vmem>> -> memref<1x4x10050xf32, #tpu.memory_space<vmem>>
      %scatter3A_646 = tpu.memref_squeeze %scatter3A_645 : memref<1x4x10050xf32, #tpu.memory_space<vmem>> -> memref<4x10050xf32, #tpu.memory_space<vmem>>
      tpu.vector_store_idx %scatter3A_646[%broadcast_in_dim3A_541, %get3A_635], %get3A_641 {add = true} : memref<4x10050xf32, #tpu.memory_space<vmem>>[vector<16xi32>, vector<16xi32>], vector<16xf32>,
      %get3A_647 = arith.constant 0 : i32
      %get3A_648 = arith.index_cast %get3A_647 : i32 to index
      %get3A_649 = arith.constant 112 : index
      %get3A_650 = tpu.vector_load %arg6[%get3A_648, %get3A_649] {strides = array<i32>} : memref<2x208xi32, #tpu.memory_space<vmem>>, vector<16xi32>,
      %get3A_651 = arith.constant 0 : i32
      %get3A_652 = arith.constant 2 : i32
      %get3A_653 = arith.index_cast %get3A_651 : i32 to index
      %get3A_654 = arith.index_cast %get3A_652 : i32 to index
      %get3A_655 = arith.constant 112 : index
      %get3A_656 = tpu.vector_load %arg7[%get3A_653, %get3A_654, %get3A_655] {strides = array<i32>} : memref<2x4x208xf32, #tpu.memory_space<vmem>>, vector<16xf32>,
      %scatter3A_657 = arith.constant 0 : i32
      %scatter3A_658 = arith.constant 0 : i32
      %scatter3A_659 = arith.constant 0 : i32
      %scatter3A_660 = tpu.memref_slice %arg8[%scatter3A_657, %scatter3A_658, %scatter3A_659] : memref<2x4x10050xf32, #tpu.memory_space<vmem>> -> memref<1x4x10050xf32, #tpu.memory_space<vmem>>
      %scatter3A_661 = tpu.memref_squeeze %scatter3A_660 : memref<1x4x10050xf32, #tpu.memory_space<vmem>> -> memref<4x10050xf32, #tpu.memory_space<vmem>>
      tpu.vector_store_idx %scatter3A_661[%broadcast_in_dim3A_541, %get3A_650], %get3A_656 {add = true} : memref<4x10050xf32, #tpu.memory_space<vmem>>[vector<16xi32>, vector<16xi32>], vector<16xf32>,
      %get3A_662 = arith.constant 0 : i32
      %get3A_663 = arith.index_cast %get3A_662 : i32 to index
      %get3A_664 = arith.constant 128 : index
      %get3A_665 = tpu.vector_load %arg6[%get3A_663, %get3A_664] {strides = array<i32>} : memref<2x208xi32, #tpu.memory_space<vmem>>, vector<16xi32>,
      %get3A_666 = arith.constant 0 : i32
      %get3A_667 = arith.constant 2 : i32
      %get3A_668 = arith.index_cast %get3A_666 : i32 to index
      %get3A_669 = arith.index_cast %get3A_667 : i32 to index
      %get3A_670 = arith.constant 128 : index
      %get3A_671 = tpu.vector_load %arg7[%get3A_668, %get3A_669, %get3A_670] {strides = array<i32>} : memref<2x4x208xf32, #tpu.memory_space<vmem>>, vector<16xf32>,
      %scatter3A_672 = arith.constant 0 : i32
      %scatter3A_673 = arith.constant 0 : i32
      %scatter3A_674 = arith.constant 0 : i32
      %scatter3A_675 = tpu.memref_slice %arg8[%scatter3A_672, %scatter3A_673, %scatter3A_674] : memref<2x4x10050xf32, #tpu.memory_space<vmem>> -> memref<1x4x10050xf32, #tpu.memory_space<vmem>>
      %scatter3A_676 = tpu.memref_squeeze %scatter3A_675 : memref<1x4x10050xf32, #tpu.memory_space<vmem>> -> memref<4x10050xf32, #tpu.memory_space<vmem>>
      tpu.vector_store_idx %scatter3A_676[%broadcast_in_dim3A_541, %get3A_665], %get3A_671 {add = true} : memref<4x10050xf32, #tpu.memory_space<vmem>>[vector<16xi32>, vector<16xi32>], vector<16xf32>,
      %get3A_677 = arith.constant 0 : i32
      %get3A_678 = arith.index_cast %get3A_677 : i32 to index
      %get3A_679 = arith.constant 144 : index
      %get3A_680 = tpu.vector_load %arg6[%get3A_678, %get3A_679] {strides = array<i32>} : memref<2x208xi32, #tpu.memory_space<vmem>>, vector<16xi32>,
      %get3A_681 = arith.constant 0 : i32
      %get3A_682 = arith.constant 2 : i32
      %get3A_683 = arith.index_cast %get3A_681 : i32 to index
      %get3A_684 = arith.index_cast %get3A_682 : i32 to index
      %get3A_685 = arith.constant 144 : index
      %get3A_686 = tpu.vector_load %arg7[%get3A_683, %get3A_684, %get3A_685] {strides = array<i32>} : memref<2x4x208xf32, #tpu.memory_space<vmem>>, vector<16xf32>,
      %scatter3A_687 = arith.constant 0 : i32
      %scatter3A_688 = arith.constant 0 : i32
      %scatter3A_689 = arith.constant 0 : i32
      %scatter3A_690 = tpu.memref_slice %arg8[%scatter3A_687, %scatter3A_688, %scatter3A_689] : memref<2x4x10050xf32, #tpu.memory_space<vmem>> -> memref<1x4x10050xf32, #tpu.memory_space<vmem>>
      %scatter3A_691 = tpu.memref_squeeze %scatter3A_690 : memref<1x4x10050xf32, #tpu.memory_space<vmem>> -> memref<4x10050xf32, #tpu.memory_space<vmem>>
      tpu.vector_store_idx %scatter3A_691[%broadcast_in_dim3A_541, %get3A_680], %get3A_686 {add = true} : memref<4x10050xf32, #tpu.memory_space<vmem>>[vector<16xi32>, vector<16xi32>], vector<16xf32>,
      %get3A_692 = arith.constant 0 : i32
      %get3A_693 = arith.index_cast %get3A_692 : i32 to index
      %get3A_694 = arith.constant 160 : index
      %get3A_695 = tpu.vector_load %arg6[%get3A_693, %get3A_694] {strides = array<i32>} : memref<2x208xi32, #tpu.memory_space<vmem>>, vector<16xi32>,
      %get3A_696 = arith.constant 0 : i32
      %get3A_697 = arith.constant 2 : i32
      %get3A_698 = arith.index_cast %get3A_696 : i32 to index
      %get3A_699 = arith.index_cast %get3A_697 : i32 to index
      %get3A_700 = arith.constant 160 : index
      %get3A_701 = tpu.vector_load %arg7[%get3A_698, %get3A_699, %get3A_700] {strides = array<i32>} : memref<2x4x208xf32, #tpu.memory_space<vmem>>, vector<16xf32>,
      %scatter3A_702 = arith.constant 0 : i32
      %scatter3A_703 = arith.constant 0 : i32
      %scatter3A_704 = arith.constant 0 : i32
      %scatter3A_705 = tpu.memref_slice %arg8[%scatter3A_702, %scatter3A_703, %scatter3A_704] : memref<2x4x10050xf32, #tpu.memory_space<vmem>> -> memref<1x4x10050xf32, #tpu.memory_space<vmem>>
      %scatter3A_706 = tpu.memref_squeeze %scatter3A_705 : memref<1x4x10050xf32, #tpu.memory_space<vmem>> -> memref<4x10050xf32, #tpu.memory_space<vmem>>
      tpu.vector_store_idx %scatter3A_706[%broadcast_in_dim3A_541, %get3A_695], %get3A_701 {add = true} : memref<4x10050xf32, #tpu.memory_space<vmem>>[vector<16xi32>, vector<16xi32>], vector<16xf32>,
      %get3A_707 = arith.constant 0 : i32
      %get3A_708 = arith.index_cast %get3A_707 : i32 to index
      %get3A_709 = arith.constant 176 : index
      %get3A_710 = tpu.vector_load %arg6[%get3A_708, %get3A_709] {strides = array<i32>} : memref<2x208xi32, #tpu.memory_space<vmem>>, vector<16xi32>,
      %get3A_711 = arith.constant 0 : i32
      %get3A_712 = arith.constant 2 : i32
      %get3A_713 = arith.index_cast %get3A_711 : i32 to index
      %get3A_714 = arith.index_cast %get3A_712 : i32 to index
      %get3A_715 = arith.constant 176 : index
      %get3A_716 = tpu.vector_load %arg7[%get3A_713, %get3A_714, %get3A_715] {strides = array<i32>} : memref<2x4x208xf32, #tpu.memory_space<vmem>>, vector<16xf32>,
      %scatter3A_717 = arith.constant 0 : i32
      %scatter3A_718 = arith.constant 0 : i32
      %scatter3A_719 = arith.constant 0 : i32
      %scatter3A_720 = tpu.memref_slice %arg8[%scatter3A_717, %scatter3A_718, %scatter3A_719] : memref<2x4x10050xf32, #tpu.memory_space<vmem>> -> memref<1x4x10050xf32, #tpu.memory_space<vmem>>
      %scatter3A_721 = tpu.memref_squeeze %scatter3A_720 : memref<1x4x10050xf32, #tpu.memory_space<vmem>> -> memref<4x10050xf32, #tpu.memory_space<vmem>>
      tpu.vector_store_idx %scatter3A_721[%broadcast_in_dim3A_541, %get3A_710], %get3A_716 {add = true} : memref<4x10050xf32, #tpu.memory_space<vmem>>[vector<16xi32>, vector<16xi32>], vector<16xf32>,
      %get3A_722 = arith.constant 0 : i32
      %get3A_723 = arith.index_cast %get3A_722 : i32 to index
      %get3A_724 = arith.constant 192 : index
      %get3A_725 = tpu.vector_load %arg6[%get3A_723, %get3A_724] {strides = array<i32>} : memref<2x208xi32, #tpu.memory_space<vmem>>, vector<16xi32>,
      %get3A_726 = arith.constant 0 : i32
      %get3A_727 = arith.constant 2 : i32
      %get3A_728 = arith.index_cast %get3A_726 : i32 to index
      %get3A_729 = arith.index_cast %get3A_727 : i32 to index
      %get3A_730 = arith.constant 192 : index
      %get3A_731 = tpu.vector_load %arg7[%get3A_728, %get3A_729, %get3A_730] {strides = array<i32>} : memref<2x4x208xf32, #tpu.memory_space<vmem>>, vector<16xf32>,
      %scatter3A_732 = arith.constant 0 : i32
      %scatter3A_733 = arith.constant 0 : i32
      %scatter3A_734 = arith.constant 0 : i32
      %scatter3A_735 = tpu.memref_slice %arg8[%scatter3A_732, %scatter3A_733, %scatter3A_734] : memref<2x4x10050xf32, #tpu.memory_space<vmem>> -> memref<1x4x10050xf32, #tpu.memory_space<vmem>>
      %scatter3A_736 = tpu.memref_squeeze %scatter3A_735 : memref<1x4x10050xf32, #tpu.memory_space<vmem>> -> memref<4x10050xf32, #tpu.memory_space<vmem>>
      tpu.vector_store_idx %scatter3A_736[%broadcast_in_dim3A_541, %get3A_725], %get3A_731 {add = true} : memref<4x10050xf32, #tpu.memory_space<vmem>>[vector<16xi32>, vector<16xi32>], vector<16xf32>,
      %broadcast_in_dim3A_737 = arith.constant 3 : i32
      %broadcast_in_dim3A_738 = vector.broadcast %broadcast_in_dim3A_737 : i32 to vector<16xi32>
      %get3A_739 = arith.constant 0 : i32
      %get3A_740 = arith.index_cast %get3A_739 : i32 to index
      %get3A_741 = arith.constant 0 : index
      %get3A_742 = tpu.vector_load %arg6[%get3A_740, %get3A_741] {strides = array<i32>} : memref<2x208xi32, #tpu.memory_space<vmem>>, vector<16xi32>,
      %get3A_743 = arith.constant 0 : i32
      %get3A_744 = arith.constant 3 : i32
      %get3A_745 = arith.index_cast %get3A_743 : i32 to index
      %get3A_746 = arith.index_cast %get3A_744 : i32 to index
      %get3A_747 = arith.constant 0 : index
      %get3A_748 = tpu.vector_load %arg7[%get3A_745, %get3A_746, %get3A_747] {strides = array<i32>} : memref<2x4x208xf32, #tpu.memory_space<vmem>>, vector<16xf32>,
      %scatter3A_749 = arith.constant 0 : i32
      %scatter3A_750 = arith.constant 0 : i32
      %scatter3A_751 = arith.constant 0 : i32
      %scatter3A_752 = tpu.memref_slice %arg8[%scatter3A_749, %scatter3A_750, %scatter3A_751] : memref<2x4x10050xf32, #tpu.memory_space<vmem>> -> memref<1x4x10050xf32, #tpu.memory_space<vmem>>
      %scatter3A_753 = tpu.memref_squeeze %scatter3A_752 : memref<1x4x10050xf32, #tpu.memory_space<vmem>> -> memref<4x10050xf32, #tpu.memory_space<vmem>>
      tpu.vector_store_idx %scatter3A_753[%broadcast_in_dim3A_738, %get3A_742], %get3A_748 {add = true} : memref<4x10050xf32, #tpu.memory_space<vmem>>[vector<16xi32>, vector<16xi32>], vector<16xf32>,
      %get3A_754 = arith.constant 0 : i32
      %get3A_755 = arith.index_cast %get3A_754 : i32 to index
      %get3A_756 = arith.constant 16 : index
      %get3A_757 = tpu.vector_load %arg6[%get3A_755, %get3A_756] {strides = array<i32>} : memref<2x208xi32, #tpu.memory_space<vmem>>, vector<16xi32>,
      %get3A_758 = arith.constant 0 : i32
      %get3A_759 = arith.constant 3 : i32
      %get3A_760 = arith.index_cast %get3A_758 : i32 to index
      %get3A_761 = arith.index_cast %get3A_759 : i32 to index
      %get3A_762 = arith.constant 16 : index
      %get3A_763 = tpu.vector_load %arg7[%get3A_760, %get3A_761, %get3A_762] {strides = array<i32>} : memref<2x4x208xf32, #tpu.memory_space<vmem>>, vector<16xf32>,
      %scatter3A_764 = arith.constant 0 : i32
      %scatter3A_765 = arith.constant 0 : i32
      %scatter3A_766 = arith.constant 0 : i32
      %scatter3A_767 = tpu.memref_slice %arg8[%scatter3A_764, %scatter3A_765, %scatter3A_766] : memref<2x4x10050xf32, #tpu.memory_space<vmem>> -> memref<1x4x10050xf32, #tpu.memory_space<vmem>>
      %scatter3A_768 = tpu.memref_squeeze %scatter3A_767 : memref<1x4x10050xf32, #tpu.memory_space<vmem>> -> memref<4x10050xf32, #tpu.memory_space<vmem>>
      tpu.vector_store_idx %scatter3A_768[%broadcast_in_dim3A_738, %get3A_757], %get3A_763 {add = true} : memref<4x10050xf32, #tpu.memory_space<vmem>>[vector<16xi32>, vector<16xi32>], vector<16xf32>,
      %get3A_769 = arith.constant 0 : i32
      %get3A_770 = arith.index_cast %get3A_769 : i32 to index
      %get3A_771 = arith.constant 32 : index
      %get3A_772 = tpu.vector_load %arg6[%get3A_770, %get3A_771] {strides = array<i32>} : memref<2x208xi32, #tpu.memory_space<vmem>>, vector<16xi32>,
      %get3A_773 = arith.constant 0 : i32
      %get3A_774 = arith.constant 3 : i32
      %get3A_775 = arith.index_cast %get3A_773 : i32 to index
      %get3A_776 = arith.index_cast %get3A_774 : i32 to index
      %get3A_777 = arith.constant 32 : index
      %get3A_778 = tpu.vector_load %arg7[%get3A_775, %get3A_776, %get3A_777] {strides = array<i32>} : memref<2x4x208xf32, #tpu.memory_space<vmem>>, vector<16xf32>,
      %scatter3A_779 = arith.constant 0 : i32
      %scatter3A_780 = arith.constant 0 : i32
      %scatter3A_781 = arith.constant 0 : i32
      %scatter3A_782 = tpu.memref_slice %arg8[%scatter3A_779, %scatter3A_780, %scatter3A_781] : memref<2x4x10050xf32, #tpu.memory_space<vmem>> -> memref<1x4x10050xf32, #tpu.memory_space<vmem>>
      %scatter3A_783 = tpu.memref_squeeze %scatter3A_782 : memref<1x4x10050xf32, #tpu.memory_space<vmem>> -> memref<4x10050xf32, #tpu.memory_space<vmem>>
      tpu.vector_store_idx %scatter3A_783[%broadcast_in_dim3A_738, %get3A_772], %get3A_778 {add = true} : memref<4x10050xf32, #tpu.memory_space<vmem>>[vector<16xi32>, vector<16xi32>], vector<16xf32>,
      %get3A_784 = arith.constant 0 : i32
      %get3A_785 = arith.index_cast %get3A_784 : i32 to index
      %get3A_786 = arith.constant 48 : index
      %get3A_787 = tpu.vector_load %arg6[%get3A_785, %get3A_786] {strides = array<i32>} : memref<2x208xi32, #tpu.memory_space<vmem>>, vector<16xi32>,
      %get3A_788 = arith.constant 0 : i32
      %get3A_789 = arith.constant 3 : i32
      %get3A_790 = arith.index_cast %get3A_788 : i32 to index
      %get3A_791 = arith.index_cast %get3A_789 : i32 to index
      %get3A_792 = arith.constant 48 : index
      %get3A_793 = tpu.vector_load %arg7[%get3A_790, %get3A_791, %get3A_792] {strides = array<i32>} : memref<2x4x208xf32, #tpu.memory_space<vmem>>, vector<16xf32>,
      %scatter3A_794 = arith.constant 0 : i32
      %scatter3A_795 = arith.constant 0 : i32
      %scatter3A_796 = arith.constant 0 : i32
      %scatter3A_797 = tpu.memref_slice %arg8[%scatter3A_794, %scatter3A_795, %scatter3A_796] : memref<2x4x10050xf32, #tpu.memory_space<vmem>> -> memref<1x4x10050xf32, #tpu.memory_space<vmem>>
      %scatter3A_798 = tpu.memref_squeeze %scatter3A_797 : memref<1x4x10050xf32, #tpu.memory_space<vmem>> -> memref<4x10050xf32, #tpu.memory_space<vmem>>
      tpu.vector_store_idx %scatter3A_798[%broadcast_in_dim3A_738, %get3A_787], %get3A_793 {add = true} : memref<4x10050xf32, #tpu.memory_space<vmem>>[vector<16xi32>, vector<16xi32>], vector<16xf32>,
      %get3A_799 = arith.constant 0 : i32
      %get3A_800 = arith.index_cast %get3A_799 : i32 to index
      %get3A_801 = arith.constant 64 : index
      %get3A_802 = tpu.vector_load %arg6[%get3A_800, %get3A_801] {strides = array<i32>} : memref<2x208xi32, #tpu.memory_space<vmem>>, vector<16xi32>,
      %get3A_803 = arith.constant 0 : i32
      %get3A_804 = arith.constant 3 : i32
      %get3A_805 = arith.index_cast %get3A_803 : i32 to index
      %get3A_806 = arith.index_cast %get3A_804 : i32 to index
      %get3A_807 = arith.constant 64 : index
      %get3A_808 = tpu.vector_load %arg7[%get3A_805, %get3A_806, %get3A_807] {strides = array<i32>} : memref<2x4x208xf32, #tpu.memory_space<vmem>>, vector<16xf32>,
      %scatter3A_809 = arith.constant 0 : i32
      %scatter3A_810 = arith.constant 0 : i32
      %scatter3A_811 = arith.constant 0 : i32
      %scatter3A_812 = tpu.memref_slice %arg8[%scatter3A_809, %scatter3A_810, %scatter3A_811] : memref<2x4x10050xf32, #tpu.memory_space<vmem>> -> memref<1x4x10050xf32, #tpu.memory_space<vmem>>
      %scatter3A_813 = tpu.memref_squeeze %scatter3A_812 : memref<1x4x10050xf32, #tpu.memory_space<vmem>> -> memref<4x10050xf32, #tpu.memory_space<vmem>>
      tpu.vector_store_idx %scatter3A_813[%broadcast_in_dim3A_738, %get3A_802], %get3A_808 {add = true} : memref<4x10050xf32, #tpu.memory_space<vmem>>[vector<16xi32>, vector<16xi32>], vector<16xf32>,
      %get3A_814 = arith.constant 0 : i32
      %get3A_815 = arith.index_cast %get3A_814 : i32 to index
      %get3A_816 = arith.constant 80 : index
      %get3A_817 = tpu.vector_load %arg6[%get3A_815, %get3A_816] {strides = array<i32>} : memref<2x208xi32, #tpu.memory_space<vmem>>, vector<16xi32>,
      %get3A_818 = arith.constant 0 : i32
      %get3A_819 = arith.constant 3 : i32
      %get3A_820 = arith.index_cast %get3A_818 : i32 to index
      %get3A_821 = arith.index_cast %get3A_819 : i32 to index
      %get3A_822 = arith.constant 80 : index
      %get3A_823 = tpu.vector_load %arg7[%get3A_820, %get3A_821, %get3A_822] {strides = array<i32>} : memref<2x4x208xf32, #tpu.memory_space<vmem>>, vector<16xf32>,
      %scatter3A_824 = arith.constant 0 : i32
      %scatter3A_825 = arith.constant 0 : i32
      %scatter3A_826 = arith.constant 0 : i32
      %scatter3A_827 = tpu.memref_slice %arg8[%scatter3A_824, %scatter3A_825, %scatter3A_826] : memref<2x4x10050xf32, #tpu.memory_space<vmem>> -> memref<1x4x10050xf32, #tpu.memory_space<vmem>>
      %scatter3A_828 = tpu.memref_squeeze %scatter3A_827 : memref<1x4x10050xf32, #tpu.memory_space<vmem>> -> memref<4x10050xf32, #tpu.memory_space<vmem>>
      tpu.vector_store_idx %scatter3A_828[%broadcast_in_dim3A_738, %get3A_817], %get3A_823 {add = true} : memref<4x10050xf32, #tpu.memory_space<vmem>>[vector<16xi32>, vector<16xi32>], vector<16xf32>,
      %get3A_829 = arith.constant 0 : i32
      %get3A_830 = arith.index_cast %get3A_829 : i32 to index
      %get3A_831 = arith.constant 96 : index
      %get3A_832 = tpu.vector_load %arg6[%get3A_830, %get3A_831] {strides = array<i32>} : memref<2x208xi32, #tpu.memory_space<vmem>>, vector<16xi32>,
      %get3A_833 = arith.constant 0 : i32
      %get3A_834 = arith.constant 3 : i32
      %get3A_835 = arith.index_cast %get3A_833 : i32 to index
      %get3A_836 = arith.index_cast %get3A_834 : i32 to index
      %get3A_837 = arith.constant 96 : index
      %get3A_838 = tpu.vector_load %arg7[%get3A_835, %get3A_836, %get3A_837] {strides = array<i32>} : memref<2x4x208xf32, #tpu.memory_space<vmem>>, vector<16xf32>,
      %scatter3A_839 = arith.constant 0 : i32
      %scatter3A_840 = arith.constant 0 : i32
      %scatter3A_841 = arith.constant 0 : i32
      %scatter3A_842 = tpu.memref_slice %arg8[%scatter3A_839, %scatter3A_840, %scatter3A_841] : memref<2x4x10050xf32, #tpu.memory_space<vmem>> -> memref<1x4x10050xf32, #tpu.memory_space<vmem>>
      %scatter3A_843 = tpu.memref_squeeze %scatter3A_842 : memref<1x4x10050xf32, #tpu.memory_space<vmem>> -> memref<4x10050xf32, #tpu.memory_space<vmem>>
      tpu.vector_store_idx %scatter3A_843[%broadcast_in_dim3A_738, %get3A_832], %get3A_838 {add = true} : memref<4x10050xf32, #tpu.memory_space<vmem>>[vector<16xi32>, vector<16xi32>], vector<16xf32>,
      %get3A_844 = arith.constant 0 : i32
      %get3A_845 = arith.index_cast %get3A_844 : i32 to index
      %get3A_846 = arith.constant 112 : index
      %get3A_847 = tpu.vector_load %arg6[%get3A_845, %get3A_846] {strides = array<i32>} : memref<2x208xi32, #tpu.memory_space<vmem>>, vector<16xi32>,
      %get3A_848 = arith.constant 0 : i32
      %get3A_849 = arith.constant 3 : i32
      %get3A_850 = arith.index_cast %get3A_848 : i32 to index
      %get3A_851 = arith.index_cast %get3A_849 : i32 to index
      %get3A_852 = arith.constant 112 : index
      %get3A_853 = tpu.vector_load %arg7[%get3A_850, %get3A_851, %get3A_852] {strides = array<i32>} : memref<2x4x208xf32, #tpu.memory_space<vmem>>, vector<16xf32>,
      %scatter3A_854 = arith.constant 0 : i32
      %scatter3A_855 = arith.constant 0 : i32
      %scatter3A_856 = arith.constant 0 : i32
      %scatter3A_857 = tpu.memref_slice %arg8[%scatter3A_854, %scatter3A_855, %scatter3A_856] : memref<2x4x10050xf32, #tpu.memory_space<vmem>> -> memref<1x4x10050xf32, #tpu.memory_space<vmem>>
      %scatter3A_858 = tpu.memref_squeeze %scatter3A_857 : memref<1x4x10050xf32, #tpu.memory_space<vmem>> -> memref<4x10050xf32, #tpu.memory_space<vmem>>
      tpu.vector_store_idx %scatter3A_858[%broadcast_in_dim3A_738, %get3A_847], %get3A_853 {add = true} : memref<4x10050xf32, #tpu.memory_space<vmem>>[vector<16xi32>, vector<16xi32>], vector<16xf32>,
      %get3A_859 = arith.constant 0 : i32
      %get3A_860 = arith.index_cast %get3A_859 : i32 to index
      %get3A_861 = arith.constant 128 : index
      %get3A_862 = tpu.vector_load %arg6[%get3A_860, %get3A_861] {strides = array<i32>} : memref<2x208xi32, #tpu.memory_space<vmem>>, vector<16xi32>,
      %get3A_863 = arith.constant 0 : i32
      %get3A_864 = arith.constant 3 : i32
      %get3A_865 = arith.index_cast %get3A_863 : i32 to index
      %get3A_866 = arith.index_cast %get3A_864 : i32 to index
      %get3A_867 = arith.constant 128 : index
      %get3A_868 = tpu.vector_load %arg7[%get3A_865, %get3A_866, %get3A_867] {strides = array<i32>} : memref<2x4x208xf32, #tpu.memory_space<vmem>>, vector<16xf32>,
      %scatter3A_869 = arith.constant 0 : i32
      %scatter3A_870 = arith.constant 0 : i32
      %scatter3A_871 = arith.constant 0 : i32
      %scatter3A_872 = tpu.memref_slice %arg8[%scatter3A_869, %scatter3A_870, %scatter3A_871] : memref<2x4x10050xf32, #tpu.memory_space<vmem>> -> memref<1x4x10050xf32, #tpu.memory_space<vmem>>
      %scatter3A_873 = tpu.memref_squeeze %scatter3A_872 : memref<1x4x10050xf32, #tpu.memory_space<vmem>> -> memref<4x10050xf32, #tpu.memory_space<vmem>>
      tpu.vector_store_idx %scatter3A_873[%broadcast_in_dim3A_738, %get3A_862], %get3A_868 {add = true} : memref<4x10050xf32, #tpu.memory_space<vmem>>[vector<16xi32>, vector<16xi32>], vector<16xf32>,
      %get3A_874 = arith.constant 0 : i32
      %get3A_875 = arith.index_cast %get3A_874 : i32 to index
      %get3A_876 = arith.constant 144 : index
      %get3A_877 = tpu.vector_load %arg6[%get3A_875, %get3A_876] {strides = array<i32>} : memref<2x208xi32, #tpu.memory_space<vmem>>, vector<16xi32>,
      %get3A_878 = arith.constant 0 : i32
      %get3A_879 = arith.constant 3 : i32
      %get3A_880 = arith.index_cast %get3A_878 : i32 to index
      %get3A_881 = arith.index_cast %get3A_879 : i32 to index
      %get3A_882 = arith.constant 144 : index
      %get3A_883 = tpu.vector_load %arg7[%get3A_880, %get3A_881, %get3A_882] {strides = array<i32>} : memref<2x4x208xf32, #tpu.memory_space<vmem>>, vector<16xf32>,
      %scatter3A_884 = arith.constant 0 : i32
      %scatter3A_885 = arith.constant 0 : i32
      %scatter3A_886 = arith.constant 0 : i32
      %scatter3A_887 = tpu.memref_slice %arg8[%scatter3A_884, %scatter3A_885, %scatter3A_886] : memref<2x4x10050xf32, #tpu.memory_space<vmem>> -> memref<1x4x10050xf32, #tpu.memory_space<vmem>>
      %scatter3A_888 = tpu.memref_squeeze %scatter3A_887 : memref<1x4x10050xf32, #tpu.memory_space<vmem>> -> memref<4x10050xf32, #tpu.memory_space<vmem>>
      tpu.vector_store_idx %scatter3A_888[%broadcast_in_dim3A_738, %get3A_877], %get3A_883 {add = true} : memref<4x10050xf32, #tpu.memory_space<vmem>>[vector<16xi32>, vector<16xi32>], vector<16xf32>,
      %get3A_889 = arith.constant 0 : i32
      %get3A_890 = arith.index_cast %get3A_889 : i32 to index
      %get3A_891 = arith.constant 160 : index
      %get3A_892 = tpu.vector_load %arg6[%get3A_890, %get3A_891] {strides = array<i32>} : memref<2x208xi32, #tpu.memory_space<vmem>>, vector<16xi32>,
      %get3A_893 = arith.constant 0 : i32
      %get3A_894 = arith.constant 3 : i32
      %get3A_895 = arith.index_cast %get3A_893 : i32 to index
      %get3A_896 = arith.index_cast %get3A_894 : i32 to index
      %get3A_897 = arith.constant 160 : index
      %get3A_898 = tpu.vector_load %arg7[%get3A_895, %get3A_896, %get3A_897] {strides = array<i32>} : memref<2x4x208xf32, #tpu.memory_space<vmem>>, vector<16xf32>,
      %scatter3A_899 = arith.constant 0 : i32
      %scatter3A_900 = arith.constant 0 : i32
      %scatter3A_901 = arith.constant 0 : i32
      %scatter3A_902 = tpu.memref_slice %arg8[%scatter3A_899, %scatter3A_900, %scatter3A_901] : memref<2x4x10050xf32, #tpu.memory_space<vmem>> -> memref<1x4x10050xf32, #tpu.memory_space<vmem>>
      %scatter3A_903 = tpu.memref_squeeze %scatter3A_902 : memref<1x4x10050xf32, #tpu.memory_space<vmem>> -> memref<4x10050xf32, #tpu.memory_space<vmem>>
      tpu.vector_store_idx %scatter3A_903[%broadcast_in_dim3A_738, %get3A_892], %get3A_898 {add = true} : memref<4x10050xf32, #tpu.memory_space<vmem>>[vector<16xi32>, vector<16xi32>], vector<16xf32>,
      %get3A_904 = arith.constant 0 : i32
      %get3A_905 = arith.index_cast %get3A_904 : i32 to index
      %get3A_906 = arith.constant 176 : index
      %get3A_907 = tpu.vector_load %arg6[%get3A_905, %get3A_906] {strides = array<i32>} : memref<2x208xi32, #tpu.memory_space<vmem>>, vector<16xi32>,
      %get3A_908 = arith.constant 0 : i32
      %get3A_909 = arith.constant 3 : i32
      %get3A_910 = arith.index_cast %get3A_908 : i32 to index
      %get3A_911 = arith.index_cast %get3A_909 : i32 to index
      %get3A_912 = arith.constant 176 : index
      %get3A_913 = tpu.vector_load %arg7[%get3A_910, %get3A_911, %get3A_912] {strides = array<i32>} : memref<2x4x208xf32, #tpu.memory_space<vmem>>, vector<16xf32>,
      %scatter3A_914 = arith.constant 0 : i32
      %scatter3A_915 = arith.constant 0 : i32
      %scatter3A_916 = arith.constant 0 : i32
      %scatter3A_917 = tpu.memref_slice %arg8[%scatter3A_914, %scatter3A_915, %scatter3A_916] : memref<2x4x10050xf32, #tpu.memory_space<vmem>> -> memref<1x4x10050xf32, #tpu.memory_space<vmem>>
      %scatter3A_918 = tpu.memref_squeeze %scatter3A_917 : memref<1x4x10050xf32, #tpu.memory_space<vmem>> -> memref<4x10050xf32, #tpu.memory_space<vmem>>
      tpu.vector_store_idx %scatter3A_918[%broadcast_in_dim3A_738, %get3A_907], %get3A_913 {add = true} : memref<4x10050xf32, #tpu.memory_space<vmem>>[vector<16xi32>, vector<16xi32>], vector<16xf32>,
      %get3A_919 = arith.constant 0 : i32
      %get3A_920 = arith.index_cast %get3A_919 : i32 to index
      %get3A_921 = arith.constant 192 : index
      %get3A_922 = tpu.vector_load %arg6[%get3A_920, %get3A_921] {strides = array<i32>} : memref<2x208xi32, #tpu.memory_space<vmem>>, vector<16xi32>,
      %get3A_923 = arith.constant 0 : i32
      %get3A_924 = arith.constant 3 : i32
      %get3A_925 = arith.index_cast %get3A_923 : i32 to index
      %get3A_926 = arith.index_cast %get3A_924 : i32 to index
      %get3A_927 = arith.constant 192 : index
      %get3A_928 = tpu.vector_load %arg7[%get3A_925, %get3A_926, %get3A_927] {strides = array<i32>} : memref<2x4x208xf32, #tpu.memory_space<vmem>>, vector<16xf32>,
      %scatter3A_929 = arith.constant 0 : i32
      %scatter3A_930 = arith.constant 0 : i32
      %scatter3A_931 = arith.constant 0 : i32
      %scatter3A_932 = tpu.memref_slice %arg8[%scatter3A_929, %scatter3A_930, %scatter3A_931] : memref<2x4x10050xf32, #tpu.memory_space<vmem>> -> memref<1x4x10050xf32, #tpu.memory_space<vmem>>
      %scatter3A_933 = tpu.memref_squeeze %scatter3A_932 : memref<1x4x10050xf32, #tpu.memory_space<vmem>> -> memref<4x10050xf32, #tpu.memory_space<vmem>>
      tpu.vector_store_idx %scatter3A_933[%broadcast_in_dim3A_738, %get3A_922], %get3A_928 {add = true} : memref<4x10050xf32, #tpu.memory_space<vmem>>[vector<16xi32>, vector<16xi32>], vector<16xf32>,
      %run_scoped3A = arith.constant 0 : i32
      "tpu.region"() ({
        %run_scoped3A_1774 = tpu.sem_alloc : memref<!tpu.dma_semaphore, #tpu.memory_space<semaphore_mem>>
        %dma_start3A_1775 = arith.constant 0 : i32
        %dma_start3A_1776 = arith.constant 0 : i32
        %dma_start3A_1777 = tpu.memref_slice %arg8[%run_scoped3A, %dma_start3A_1775, %dma_start3A_1776] : memref<2x4x10050xf32, #tpu.memory_space<vmem>> -> memref<1x4x10050xf32, #tpu.memory_space<vmem>>
        %dma_start3A_1778 = tpu.memref_squeeze %dma_start3A_1777 : memref<1x4x10050xf32, #tpu.memory_space<vmem>> -> memref<4x10050xf32, #tpu.memory_space<vmem>>
        %dma_start3A_1779 = arith.constant 0 : i32
        %dma_start3A_1780 = arith.constant 0 : i32
        %dma_start3A_1781 = tpu.memref_slice %arg5[%add3A_55, %dma_start3A_1779, %dma_start3A_1780] : memref<1024x8x10050xf32, #tpu.memory_space<hbm>> -> memref<1x4x10050xf32, #tpu.memory_space<hbm>>
        %dma_start3A_1782 = tpu.memref_squeeze %dma_start3A_1781 : memref<1x4x10050xf32, #tpu.memory_space<hbm>> -> memref<4x10050xf32, #tpu.memory_space<hbm>>
        %dma_start3A_1783 = arith.constant 0 : i32
        %dma_start3A_1784 = arith.constant 0 : i32
        %dma_start3A_1785 = tpu.memref_slice %arg5[%add3A_55, %dma_start3A_1783, %dma_start3A_1784] : memref<1024x8x10050xf32, #tpu.memory_space<hbm>> -> memref<1x4x10050xf32, #tpu.memory_space<hbm>>
        %dma_start3A_1786 = tpu.memref_squeeze %dma_start3A_1785 : memref<1x4x10050xf32, #tpu.memory_space<hbm>> -> memref<4x10050xf32, #tpu.memory_space<hbm>>
        %dma_start3A_1787 = arith.constant 0 : i32
        %dma_start3A_1788 = arith.constant 0 : i32
        %dma_start3A_1789 = tpu.memref_slice %arg8[%run_scoped3A, %dma_start3A_1787, %dma_start3A_1788] : memref<2x4x10050xf32, #tpu.memory_space<vmem>> -> memref<1x4x10050xf32, #tpu.memory_space<vmem>>
        %dma_start3A_1790 = tpu.memref_squeeze %dma_start3A_1789 : memref<1x4x10050xf32, #tpu.memory_space<vmem>> -> memref<4x10050xf32, #tpu.memory_space<vmem>>
        tpu.enqueue_dma source(%dma_start3A_1790 : memref<4x10050xf32, #tpu.memory_space<vmem>>) target(%dma_start3A_1786 : memref<4x10050xf32, #tpu.memory_space<hbm>>) target_semaphore(%run_scoped3A_1774 : memref<!tpu.dma_semaphore, #tpu.memory_space<semaphore_mem>>)
        %dma_wait3A_1791 = arith.constant 0 : i32
        %dma_wait3A_1792 = arith.constant 0 : i32
        %dma_wait3A_1793 = tpu.memref_slice %arg8[%run_scoped3A, %dma_wait3A_1791, %dma_wait3A_1792] : memref<2x4x10050xf32, #tpu.memory_space<vmem>> -> memref<1x4x10050xf32, #tpu.memory_space<vmem>>
        %dma_wait3A_1794 = tpu.memref_squeeze %dma_wait3A_1793 : memref<1x4x10050xf32, #tpu.memory_space<vmem>> -> memref<4x10050xf32, #tpu.memory_space<vmem>>
        %dma_wait3A_1795 = arith.constant 0 : i32
        %dma_wait3A_1796 = arith.constant 0 : i32
        %dma_wait3A_1797 = tpu.memref_slice %arg5[%add3A_55, %dma_wait3A_1795, %dma_wait3A_1796] : memref<1024x8x10050xf32, #tpu.memory_space<hbm>> -> memref<1x4x10050xf32, #tpu.memory_space<hbm>>
        %dma_wait3A_1798 = tpu.memref_squeeze %dma_wait3A_1797 : memref<1x4x10050xf32, #tpu.memory_space<hbm>> -> memref<4x10050xf32, #tpu.memory_space<hbm>>
        %dma_wait3A_1799 = arith.constant 0 : i32
        %dma_wait3A_1800 = arith.constant 0 : i32
        %dma_wait3A_1801 = tpu.memref_slice %arg5[%add3A_55, %dma_wait3A_1799, %dma_wait3A_1800] : memref<1024x8x10050xf32, #tpu.memory_space<hbm>> -> memref<1x4x10050xf32, #tpu.memory_space<hbm>>
        %dma_wait3A_1802 = tpu.memref_squeeze %dma_wait3A_1801 : memref<1x4x10050xf32, #tpu.memory_space<hbm>> -> memref<4x10050xf32, #tpu.memory_space<hbm>>
        %dma_wait3A_1803 = arith.constant 0 : i32
        %dma_wait3A_1804 = arith.constant 0 : i32
        %dma_wait3A_1805 = tpu.memref_slice %arg8[%run_scoped3A, %dma_wait3A_1803, %dma_wait3A_1804] : memref<2x4x10050xf32, #tpu.memory_space<vmem>> -> memref<1x4x10050xf32, #tpu.memory_space<vmem>>
        %dma_wait3A_1806 = tpu.memref_squeeze %dma_wait3A_1805 : memref<1x4x10050xf32, #tpu.memory_space<vmem>> -> memref<4x10050xf32, #tpu.memory_space<vmem>>
        tpu.wait_dma2 semaphore(%run_scoped3A_1774 : memref<!tpu.dma_semaphore, #tpu.memory_space<semaphore_mem>>) src(%dma_wait3A_1806 : memref<4x10050xf32, #tpu.memory_space<vmem>>) dst(%dma_wait3A_1802 : memref<4x10050xf32, #tpu.memory_space<hbm>>)
        tpu.yield
      }) : () -> ()
      %dma_wait3A_934 = arith.constant 1 : i32
      %dma_wait3A_935 = arith.constant 0 : i32
      %dma_wait3A_936 = tpu.memref_slice %arg6[%dma_wait3A_934, %dma_wait3A_935] : memref<2x208xi32, #tpu.memory_space<vmem>> -> memref<1x208xi32, #tpu.memory_space<vmem>>
      %dma_wait3A_937 = tpu.memref_squeeze %dma_wait3A_936 : memref<1x208xi32, #tpu.memory_space<vmem>> -> memref<208xi32, #tpu.memory_space<vmem>>
      %dma_wait3A_938 = arith.constant 0 : i32
      %dma_wait3A_939 = tpu.memref_slice %arg3[%add3A_55, %dma_wait3A_938] : memref<1024x208xi32, #tpu.memory_space<hbm>> -> memref<1x208xi32, #tpu.memory_space<hbm>>
      %dma_wait3A_940 = tpu.memref_squeeze %dma_wait3A_939 : memref<1x208xi32, #tpu.memory_space<hbm>> -> memref<208xi32, #tpu.memory_space<hbm>>
      %dma_wait3A_941 = arith.constant 0 : i32
      %dma_wait3A_942 = tpu.memref_slice %arg6[%dma_wait3A_934, %dma_wait3A_941] : memref<2x208xi32, #tpu.memory_space<vmem>> -> memref<1x208xi32, #tpu.memory_space<vmem>>
      %dma_wait3A_943 = tpu.memref_squeeze %dma_wait3A_942 : memref<1x208xi32, #tpu.memory_space<vmem>> -> memref<208xi32, #tpu.memory_space<vmem>>
      %dma_wait3A_944 = arith.constant 0 : i32
      %dma_wait3A_945 = tpu.memref_slice %arg3[%add3A_55, %dma_wait3A_944] : memref<1024x208xi32, #tpu.memory_space<hbm>> -> memref<1x208xi32, #tpu.memory_space<hbm>>
      %dma_wait3A_946 = tpu.memref_squeeze %dma_wait3A_945 : memref<1x208xi32, #tpu.memory_space<hbm>> -> memref<208xi32, #tpu.memory_space<hbm>>
      tpu.wait_dma2 semaphore(%arg10 : memref<!tpu.dma_semaphore, #tpu.memory_space<semaphore_mem>>) src(%dma_wait3A_946 : memref<208xi32, #tpu.memory_space<hbm>>) dst(%dma_wait3A_943 : memref<208xi32, #tpu.memory_space<vmem>>)
      %dma_wait3A_947 = arith.constant 1 : i32
      %dma_wait3A_948 = arith.constant 0 : i32
      %dma_wait3A_949 = arith.constant 0 : i32
      %dma_wait3A_950 = tpu.memref_slice %arg7[%dma_wait3A_947, %dma_wait3A_948, %dma_wait3A_949] : memref<2x4x208xf32, #tpu.memory_space<vmem>> -> memref<1x4x208xf32, #tpu.memory_space<vmem>>
      %dma_wait3A_951 = tpu.memref_squeeze %dma_wait3A_950 : memref<1x4x208xf32, #tpu.memory_space<vmem>> -> memref<4x208xf32, #tpu.memory_space<vmem>>
      %dma_wait3A_952 = arith.constant 4 : i32
      %dma_wait3A_953 = arith.constant 0 : i32
      %dma_wait3A_954 = tpu.memref_slice %arg4[%dma_wait3A_952, %add3A_55, %dma_wait3A_953] : memref<8x1024x208xf32, #tpu.memory_space<hbm>> -> memref<4x1x208xf32, #tpu.memory_space<hbm>>
      %dma_wait3A_955 = tpu.memref_squeeze %dma_wait3A_954 : memref<4x1x208xf32, #tpu.memory_space<hbm>> -> memref<4x208xf32, #tpu.memory_space<hbm>>
      %dma_wait3A_956 = arith.constant 0 : i32
      %dma_wait3A_957 = arith.constant 0 : i32
      %dma_wait3A_958 = tpu.memref_slice %arg7[%dma_wait3A_947, %dma_wait3A_956, %dma_wait3A_957] : memref<2x4x208xf32, #tpu.memory_space<vmem>> -> memref<1x4x208xf32, #tpu.memory_space<vmem>>
      %dma_wait3A_959 = tpu.memref_squeeze %dma_wait3A_958 : memref<1x4x208xf32, #tpu.memory_space<vmem>> -> memref<4x208xf32, #tpu.memory_space<vmem>>
      %dma_wait3A_960 = arith.constant 4 : i32
      %dma_wait3A_961 = arith.constant 0 : i32
      %dma_wait3A_962 = tpu.memref_slice %arg4[%dma_wait3A_960, %add3A_55, %dma_wait3A_961] : memref<8x1024x208xf32, #tpu.memory_space<hbm>> -> memref<4x1x208xf32, #tpu.memory_space<hbm>>
      %dma_wait3A_963 = tpu.memref_squeeze %dma_wait3A_962 : memref<4x1x208xf32, #tpu.memory_space<hbm>> -> memref<4x208xf32, #tpu.memory_space<hbm>>
      tpu.wait_dma2 semaphore(%arg10 : memref<!tpu.dma_semaphore, #tpu.memory_space<semaphore_mem>>) src(%dma_wait3A_963 : memref<4x208xf32, #tpu.memory_space<hbm>>) dst(%dma_wait3A_959 : memref<4x208xf32, #tpu.memory_space<vmem>>)
      %dma_wait3A_964 = arith.constant 1 : i32
      %dma_wait3A_965 = arith.constant 0 : i32
      %dma_wait3A_966 = arith.constant 0 : i32
      %dma_wait3A_967 = tpu.memref_slice %arg8[%dma_wait3A_964, %dma_wait3A_965, %dma_wait3A_966] : memref<2x4x10050xf32, #tpu.memory_space<vmem>> -> memref<1x4x10050xf32, #tpu.memory_space<vmem>>
      %dma_wait3A_968 = tpu.memref_squeeze %dma_wait3A_967 : memref<1x4x10050xf32, #tpu.memory_space<vmem>> -> memref<4x10050xf32, #tpu.memory_space<vmem>>
      %dma_wait3A_969 = arith.constant 4 : i32
      %dma_wait3A_970 = arith.constant 0 : i32
      %dma_wait3A_971 = tpu.memref_slice %arg2[%dma_wait3A_969, %add3A_55, %dma_wait3A_970] : memref<8x1024x10050xf32, #tpu.memory_space<hbm>> -> memref<4x1x10050xf32, #tpu.memory_space<hbm>>
      %dma_wait3A_972 = tpu.memref_squeeze %dma_wait3A_971 : memref<4x1x10050xf32, #tpu.memory_space<hbm>> -> memref<4x10050xf32, #tpu.memory_space<hbm>>
      %dma_wait3A_973 = arith.constant 0 : i32
      %dma_wait3A_974 = arith.constant 0 : i32
      %dma_wait3A_975 = tpu.memref_slice %arg8[%dma_wait3A_964, %dma_wait3A_973, %dma_wait3A_974] : memref<2x4x10050xf32, #tpu.memory_space<vmem>> -> memref<1x4x10050xf32, #tpu.memory_space<vmem>>
      %dma_wait3A_976 = tpu.memref_squeeze %dma_wait3A_975 : memref<1x4x10050xf32, #tpu.memory_space<vmem>> -> memref<4x10050xf32, #tpu.memory_space<vmem>>
      %dma_wait3A_977 = arith.constant 4 : i32
      %dma_wait3A_978 = arith.constant 0 : i32
      %dma_wait3A_979 = tpu.memref_slice %arg2[%dma_wait3A_977, %add3A_55, %dma_wait3A_978] : memref<8x1024x10050xf32, #tpu.memory_space<hbm>> -> memref<4x1x10050xf32, #tpu.memory_space<hbm>>
      %dma_wait3A_980 = tpu.memref_squeeze %dma_wait3A_979 : memref<4x1x10050xf32, #tpu.memory_space<hbm>> -> memref<4x10050xf32, #tpu.memory_space<hbm>>
      tpu.wait_dma2 semaphore(%arg10 : memref<!tpu.dma_semaphore, #tpu.memory_space<semaphore_mem>>) src(%dma_wait3A_980 : memref<4x10050xf32, #tpu.memory_space<hbm>>) dst(%dma_wait3A_976 : memref<4x10050xf32, #tpu.memory_space<vmem>>)
      %add3A_981 = arith.constant 1 : i32
      %add3A_982 = arith.addi %scan3A_54, %add3A_981 : i32
      %lt3A = arith.constant 32 : i32
      %lt3A_983 = arith.cmpi slt, %add3A_982, %lt3A : i32
      %convert_element_type3A = arith.extui %lt3A_983 : i1 to i32
      %cond3A = arith.constant 0 : i32
      %cond3A_984 = arith.cmpi ne, %convert_element_type3A, %cond3A : i32
      scf.if %cond3A_984 {
        %add3A_1774 = arith.constant 1 : i32
        %add3A_1775 = arith.addi %add3A_55, %add3A_1774 : i32
        %dma_start3A_1776 = arith.constant 0 : i32
        %dma_start3A_1777 = arith.constant 0 : i32
        %dma_start3A_1778 = tpu.memref_slice %arg6[%dma_start3A_1776, %dma_start3A_1777] : memref<2x208xi32, #tpu.memory_space<vmem>> -> memref<1x208xi32, #tpu.memory_space<vmem>>
        %dma_start3A_1779 = tpu.memref_squeeze %dma_start3A_1778 : memref<1x208xi32, #tpu.memory_space<vmem>> -> memref<208xi32, #tpu.memory_space<vmem>>
        %dma_start3A_1780 = arith.constant 0 : i32
        %dma_start3A_1781 = tpu.memref_slice %arg3[%add3A_1775, %dma_start3A_1780] : memref<1024x208xi32, #tpu.memory_space<hbm>> -> memref<1x208xi32, #tpu.memory_space<hbm>>
        %dma_start3A_1782 = tpu.memref_squeeze %dma_start3A_1781 : memref<1x208xi32, #tpu.memory_space<hbm>> -> memref<208xi32, #tpu.memory_space<hbm>>
        %dma_start3A_1783 = arith.constant 0 : i32
        %dma_start3A_1784 = tpu.memref_slice %arg6[%dma_start3A_1776, %dma_start3A_1783] : memref<2x208xi32, #tpu.memory_space<vmem>> -> memref<1x208xi32, #tpu.memory_space<vmem>>
        %dma_start3A_1785 = tpu.memref_squeeze %dma_start3A_1784 : memref<1x208xi32, #tpu.memory_space<vmem>> -> memref<208xi32, #tpu.memory_space<vmem>>
        %dma_start3A_1786 = arith.constant 0 : i32
        %dma_start3A_1787 = tpu.memref_slice %arg3[%add3A_1775, %dma_start3A_1786] : memref<1024x208xi32, #tpu.memory_space<hbm>> -> memref<1x208xi32, #tpu.memory_space<hbm>>
        %dma_start3A_1788 = tpu.memref_squeeze %dma_start3A_1787 : memref<1x208xi32, #tpu.memory_space<hbm>> -> memref<208xi32, #tpu.memory_space<hbm>>
        tpu.enqueue_dma source(%dma_start3A_1788 : memref<208xi32, #tpu.memory_space<hbm>>) target(%dma_start3A_1785 : memref<208xi32, #tpu.memory_space<vmem>>) target_semaphore(%arg9 : memref<!tpu.dma_semaphore, #tpu.memory_space<semaphore_mem>>)
        %dma_start3A_1789 = arith.constant 0 : i32
        %dma_start3A_1790 = arith.constant 0 : i32
        %dma_start3A_1791 = arith.constant 0 : i32
        %dma_start3A_1792 = tpu.memref_slice %arg7[%dma_start3A_1789, %dma_start3A_1790, %dma_start3A_1791] : memref<2x4x208xf32, #tpu.memory_space<vmem>> -> memref<1x4x208xf32, #tpu.memory_space<vmem>>
        %dma_start3A_1793 = tpu.memref_squeeze %dma_start3A_1792 : memref<1x4x208xf32, #tpu.memory_space<vmem>> -> memref<4x208xf32, #tpu.memory_space<vmem>>
        %dma_start3A_1794 = arith.constant 0 : i32
        %dma_start3A_1795 = arith.constant 0 : i32
        %dma_start3A_1796 = tpu.memref_slice %arg4[%dma_start3A_1794, %add3A_1775, %dma_start3A_1795] : memref<8x1024x208xf32, #tpu.memory_space<hbm>> -> memref<4x1x208xf32, #tpu.memory_space<hbm>>
        %dma_start3A_1797 = tpu.memref_squeeze %dma_start3A_1796 : memref<4x1x208xf32, #tpu.memory_space<hbm>> -> memref<4x208xf32, #tpu.memory_space<hbm>>
        %dma_start3A_1798 = arith.constant 0 : i32
        %dma_start3A_1799 = arith.constant 0 : i32
        %dma_start3A_1800 = tpu.memref_slice %arg7[%dma_start3A_1789, %dma_start3A_1798, %dma_start3A_1799] : memref<2x4x208xf32, #tpu.memory_space<vmem>> -> memref<1x4x208xf32, #tpu.memory_space<vmem>>
        %dma_start3A_1801 = tpu.memref_squeeze %dma_start3A_1800 : memref<1x4x208xf32, #tpu.memory_space<vmem>> -> memref<4x208xf32, #tpu.memory_space<vmem>>
        %dma_start3A_1802 = arith.constant 0 : i32
        %dma_start3A_1803 = arith.constant 0 : i32
        %dma_start3A_1804 = tpu.memref_slice %arg4[%dma_start3A_1802, %add3A_1775, %dma_start3A_1803] : memref<8x1024x208xf32, #tpu.memory_space<hbm>> -> memref<4x1x208xf32, #tpu.memory_space<hbm>>
        %dma_start3A_1805 = tpu.memref_squeeze %dma_start3A_1804 : memref<4x1x208xf32, #tpu.memory_space<hbm>> -> memref<4x208xf32, #tpu.memory_space<hbm>>
        tpu.enqueue_dma source(%dma_start3A_1805 : memref<4x208xf32, #tpu.memory_space<hbm>>) target(%dma_start3A_1801 : memref<4x208xf32, #tpu.memory_space<vmem>>) target_semaphore(%arg9 : memref<!tpu.dma_semaphore, #tpu.memory_space<semaphore_mem>>)
        %dma_start3A_1806 = arith.constant 0 : i32
        %dma_start3A_1807 = arith.constant 0 : i32
        %dma_start3A_1808 = arith.constant 0 : i32
        %dma_start3A_1809 = tpu.memref_slice %arg8[%dma_start3A_1806, %dma_start3A_1807, %dma_start3A_1808] : memref<2x4x10050xf32, #tpu.memory_space<vmem>> -> memref<1x4x10050xf32, #tpu.memory_space<vmem>>
        %dma_start3A_1810 = tpu.memref_squeeze %dma_start3A_1809 : memref<1x4x10050xf32, #tpu.memory_space<vmem>> -> memref<4x10050xf32, #tpu.memory_space<vmem>>
        %dma_start3A_1811 = arith.constant 0 : i32
        %dma_start3A_1812 = arith.constant 0 : i32
        %dma_start3A_1813 = tpu.memref_slice %arg2[%dma_start3A_1811, %add3A_1775, %dma_start3A_1812] : memref<8x1024x10050xf32, #tpu.memory_space<hbm>> -> memref<4x1x10050xf32, #tpu.memory_space<hbm>>
        %dma_start3A_1814 = tpu.memref_squeeze %dma_start3A_1813 : memref<4x1x10050xf32, #tpu.memory_space<hbm>> -> memref<4x10050xf32, #tpu.memory_space<hbm>>
        %dma_start3A_1815 = arith.constant 0 : i32
        %dma_start3A_1816 = arith.constant 0 : i32
        %dma_start3A_1817 = tpu.memref_slice %arg8[%dma_start3A_1806, %dma_start3A_1815, %dma_start3A_1816] : memref<2x4x10050xf32, #tpu.memory_space<vmem>> -> memref<1x4x10050xf32, #tpu.memory_space<vmem>>
        %dma_start3A_1818 = tpu.memref_squeeze %dma_start3A_1817 : memref<1x4x10050xf32, #tpu.memory_space<vmem>> -> memref<4x10050xf32, #tpu.memory_space<vmem>>
        %dma_start3A_1819 = arith.constant 0 : i32
        %dma_start3A_1820 = arith.constant 0 : i32
        %dma_start3A_1821 = tpu.memref_slice %arg2[%dma_start3A_1819, %add3A_1775, %dma_start3A_1820] : memref<8x1024x10050xf32, #tpu.memory_space<hbm>> -> memref<4x1x10050xf32, #tpu.memory_space<hbm>>
        %dma_start3A_1822 = tpu.memref_squeeze %dma_start3A_1821 : memref<4x1x10050xf32, #tpu.memory_space<hbm>> -> memref<4x10050xf32, #tpu.memory_space<hbm>>
        tpu.enqueue_dma source(%dma_start3A_1822 : memref<4x10050xf32, #tpu.memory_space<hbm>>) target(%dma_start3A_1818 : memref<4x10050xf32, #tpu.memory_space<vmem>>) target_semaphore(%arg9 : memref<!tpu.dma_semaphore, #tpu.memory_space<semaphore_mem>>)
      } else {
      }
      %broadcast_in_dim3A_985 = arith.constant 0 : i32
      %broadcast_in_dim3A_986 = vector.broadcast %broadcast_in_dim3A_985 : i32 to vector<16xi32>
      %get3A_987 = arith.constant 1 : i32
      %get3A_988 = arith.index_cast %get3A_987 : i32 to index
      %get3A_989 = arith.constant 0 : index
      %get3A_990 = tpu.vector_load %arg6[%get3A_988, %get3A_989] {strides = array<i32>} : memref<2x208xi32, #tpu.memory_space<vmem>>, vector<16xi32>,
      %get3A_991 = arith.constant 1 : i32
      %get3A_992 = arith.constant 0 : i32
      %get3A_993 = arith.index_cast %get3A_991 : i32 to index
      %get3A_994 = arith.index_cast %get3A_992 : i32 to index
      %get3A_995 = arith.constant 0 : index
      %get3A_996 = tpu.vector_load %arg7[%get3A_993, %get3A_994, %get3A_995] {strides = array<i32>} : memref<2x4x208xf32, #tpu.memory_space<vmem>>, vector<16xf32>,
      %scatter3A_997 = arith.constant 1 : i32
      %scatter3A_998 = arith.constant 0 : i32
      %scatter3A_999 = arith.constant 0 : i32
      %scatter3A_1000 = tpu.memref_slice %arg8[%scatter3A_997, %scatter3A_998, %scatter3A_999] : memref<2x4x10050xf32, #tpu.memory_space<vmem>> -> memref<1x4x10050xf32, #tpu.memory_space<vmem>>
      %scatter3A_1001 = tpu.memref_squeeze %scatter3A_1000 : memref<1x4x10050xf32, #tpu.memory_space<vmem>> -> memref<4x10050xf32, #tpu.memory_space<vmem>>
      tpu.vector_store_idx %scatter3A_1001[%broadcast_in_dim3A_986, %get3A_990], %get3A_996 {add = true} : memref<4x10050xf32, #tpu.memory_space<vmem>>[vector<16xi32>, vector<16xi32>], vector<16xf32>,
      %get3A_1002 = arith.constant 1 : i32
      %get3A_1003 = arith.index_cast %get3A_1002 : i32 to index
      %get3A_1004 = arith.constant 16 : index
      %get3A_1005 = tpu.vector_load %arg6[%get3A_1003, %get3A_1004] {strides = array<i32>} : memref<2x208xi32, #tpu.memory_space<vmem>>, vector<16xi32>,
      %get3A_1006 = arith.constant 1 : i32
      %get3A_1007 = arith.constant 0 : i32
      %get3A_1008 = arith.index_cast %get3A_1006 : i32 to index
      %get3A_1009 = arith.index_cast %get3A_1007 : i32 to index
      %get3A_1010 = arith.constant 16 : index
      %get3A_1011 = tpu.vector_load %arg7[%get3A_1008, %get3A_1009, %get3A_1010] {strides = array<i32>} : memref<2x4x208xf32, #tpu.memory_space<vmem>>, vector<16xf32>,
      %scatter3A_1012 = arith.constant 1 : i32
      %scatter3A_1013 = arith.constant 0 : i32
      %scatter3A_1014 = arith.constant 0 : i32
      %scatter3A_1015 = tpu.memref_slice %arg8[%scatter3A_1012, %scatter3A_1013, %scatter3A_1014] : memref<2x4x10050xf32, #tpu.memory_space<vmem>> -> memref<1x4x10050xf32, #tpu.memory_space<vmem>>
      %scatter3A_1016 = tpu.memref_squeeze %scatter3A_1015 : memref<1x4x10050xf32, #tpu.memory_space<vmem>> -> memref<4x10050xf32, #tpu.memory_space<vmem>>
      tpu.vector_store_idx %scatter3A_1016[%broadcast_in_dim3A_986, %get3A_1005], %get3A_1011 {add = true} : memref<4x10050xf32, #tpu.memory_space<vmem>>[vector<16xi32>, vector<16xi32>], vector<16xf32>,
      %get3A_1017 = arith.constant 1 : i32
      %get3A_1018 = arith.index_cast %get3A_1017 : i32 to index
      %get3A_1019 = arith.constant 32 : index
      %get3A_1020 = tpu.vector_load %arg6[%get3A_1018, %get3A_1019] {strides = array<i32>} : memref<2x208xi32, #tpu.memory_space<vmem>>, vector<16xi32>,
      %get3A_1021 = arith.constant 1 : i32
      %get3A_1022 = arith.constant 0 : i32
      %get3A_1023 = arith.index_cast %get3A_1021 : i32 to index
      %get3A_1024 = arith.index_cast %get3A_1022 : i32 to index
      %get3A_1025 = arith.constant 32 : index
      %get3A_1026 = tpu.vector_load %arg7[%get3A_1023, %get3A_1024, %get3A_1025] {strides = array<i32>} : memref<2x4x208xf32, #tpu.memory_space<vmem>>, vector<16xf32>,
      %scatter3A_1027 = arith.constant 1 : i32
      %scatter3A_1028 = arith.constant 0 : i32
      %scatter3A_1029 = arith.constant 0 : i32
      %scatter3A_1030 = tpu.memref_slice %arg8[%scatter3A_1027, %scatter3A_1028, %scatter3A_1029] : memref<2x4x10050xf32, #tpu.memory_space<vmem>> -> memref<1x4x10050xf32, #tpu.memory_space<vmem>>
      %scatter3A_1031 = tpu.memref_squeeze %scatter3A_1030 : memref<1x4x10050xf32, #tpu.memory_space<vmem>> -> memref<4x10050xf32, #tpu.memory_space<vmem>>
      tpu.vector_store_idx %scatter3A_1031[%broadcast_in_dim3A_986, %get3A_1020], %get3A_1026 {add = true} : memref<4x10050xf32, #tpu.memory_space<vmem>>[vector<16xi32>, vector<16xi32>], vector<16xf32>,
      %get3A_1032 = arith.constant 1 : i32
      %get3A_1033 = arith.index_cast %get3A_1032 : i32 to index
      %get3A_1034 = arith.constant 48 : index
      %get3A_1035 = tpu.vector_load %arg6[%get3A_1033, %get3A_1034] {strides = array<i32>} : memref<2x208xi32, #tpu.memory_space<vmem>>, vector<16xi32>,
      %get3A_1036 = arith.constant 1 : i32
      %get3A_1037 = arith.constant 0 : i32
      %get3A_1038 = arith.index_cast %get3A_1036 : i32 to index
      %get3A_1039 = arith.index_cast %get3A_1037 : i32 to index
      %get3A_1040 = arith.constant 48 : index
      %get3A_1041 = tpu.vector_load %arg7[%get3A_1038, %get3A_1039, %get3A_1040] {strides = array<i32>} : memref<2x4x208xf32, #tpu.memory_space<vmem>>, vector<16xf32>,
      %scatter3A_1042 = arith.constant 1 : i32
      %scatter3A_1043 = arith.constant 0 : i32
      %scatter3A_1044 = arith.constant 0 : i32
      %scatter3A_1045 = tpu.memref_slice %arg8[%scatter3A_1042, %scatter3A_1043, %scatter3A_1044] : memref<2x4x10050xf32, #tpu.memory_space<vmem>> -> memref<1x4x10050xf32, #tpu.memory_space<vmem>>
      %scatter3A_1046 = tpu.memref_squeeze %scatter3A_1045 : memref<1x4x10050xf32, #tpu.memory_space<vmem>> -> memref<4x10050xf32, #tpu.memory_space<vmem>>
      tpu.vector_store_idx %scatter3A_1046[%broadcast_in_dim3A_986, %get3A_1035], %get3A_1041 {add = true} : memref<4x10050xf32, #tpu.memory_space<vmem>>[vector<16xi32>, vector<16xi32>], vector<16xf32>,
      %get3A_1047 = arith.constant 1 : i32
      %get3A_1048 = arith.index_cast %get3A_1047 : i32 to index
      %get3A_1049 = arith.constant 64 : index
      %get3A_1050 = tpu.vector_load %arg6[%get3A_1048, %get3A_1049] {strides = array<i32>} : memref<2x208xi32, #tpu.memory_space<vmem>>, vector<16xi32>,
      %get3A_1051 = arith.constant 1 : i32
      %get3A_1052 = arith.constant 0 : i32
      %get3A_1053 = arith.index_cast %get3A_1051 : i32 to index
      %get3A_1054 = arith.index_cast %get3A_1052 : i32 to index
      %get3A_1055 = arith.constant 64 : index
      %get3A_1056 = tpu.vector_load %arg7[%get3A_1053, %get3A_1054, %get3A_1055] {strides = array<i32>} : memref<2x4x208xf32, #tpu.memory_space<vmem>>, vector<16xf32>,
      %scatter3A_1057 = arith.constant 1 : i32
      %scatter3A_1058 = arith.constant 0 : i32
      %scatter3A_1059 = arith.constant 0 : i32
      %scatter3A_1060 = tpu.memref_slice %arg8[%scatter3A_1057, %scatter3A_1058, %scatter3A_1059] : memref<2x4x10050xf32, #tpu.memory_space<vmem>> -> memref<1x4x10050xf32, #tpu.memory_space<vmem>>
      %scatter3A_1061 = tpu.memref_squeeze %scatter3A_1060 : memref<1x4x10050xf32, #tpu.memory_space<vmem>> -> memref<4x10050xf32, #tpu.memory_space<vmem>>
      tpu.vector_store_idx %scatter3A_1061[%broadcast_in_dim3A_986, %get3A_1050], %get3A_1056 {add = true} : memref<4x10050xf32, #tpu.memory_space<vmem>>[vector<16xi32>, vector<16xi32>], vector<16xf32>,
      %get3A_1062 = arith.constant 1 : i32
      %get3A_1063 = arith.index_cast %get3A_1062 : i32 to index
      %get3A_1064 = arith.constant 80 : index
      %get3A_1065 = tpu.vector_load %arg6[%get3A_1063, %get3A_1064] {strides = array<i32>} : memref<2x208xi32, #tpu.memory_space<vmem>>, vector<16xi32>,
      %get3A_1066 = arith.constant 1 : i32
      %get3A_1067 = arith.constant 0 : i32
      %get3A_1068 = arith.index_cast %get3A_1066 : i32 to index
      %get3A_1069 = arith.index_cast %get3A_1067 : i32 to index
      %get3A_1070 = arith.constant 80 : index
      %get3A_1071 = tpu.vector_load %arg7[%get3A_1068, %get3A_1069, %get3A_1070] {strides = array<i32>} : memref<2x4x208xf32, #tpu.memory_space<vmem>>, vector<16xf32>,
      %scatter3A_1072 = arith.constant 1 : i32
      %scatter3A_1073 = arith.constant 0 : i32
      %scatter3A_1074 = arith.constant 0 : i32
      %scatter3A_1075 = tpu.memref_slice %arg8[%scatter3A_1072, %scatter3A_1073, %scatter3A_1074] : memref<2x4x10050xf32, #tpu.memory_space<vmem>> -> memref<1x4x10050xf32, #tpu.memory_space<vmem>>
      %scatter3A_1076 = tpu.memref_squeeze %scatter3A_1075 : memref<1x4x10050xf32, #tpu.memory_space<vmem>> -> memref<4x10050xf32, #tpu.memory_space<vmem>>
      tpu.vector_store_idx %scatter3A_1076[%broadcast_in_dim3A_986, %get3A_1065], %get3A_1071 {add = true} : memref<4x10050xf32, #tpu.memory_space<vmem>>[vector<16xi32>, vector<16xi32>], vector<16xf32>,
      %get3A_1077 = arith.constant 1 : i32
      %get3A_1078 = arith.index_cast %get3A_1077 : i32 to index
      %get3A_1079 = arith.constant 96 : index
      %get3A_1080 = tpu.vector_load %arg6[%get3A_1078, %get3A_1079] {strides = array<i32>} : memref<2x208xi32, #tpu.memory_space<vmem>>, vector<16xi32>,
      %get3A_1081 = arith.constant 1 : i32
      %get3A_1082 = arith.constant 0 : i32
      %get3A_1083 = arith.index_cast %get3A_1081 : i32 to index
      %get3A_1084 = arith.index_cast %get3A_1082 : i32 to index
      %get3A_1085 = arith.constant 96 : index
      %get3A_1086 = tpu.vector_load %arg7[%get3A_1083, %get3A_1084, %get3A_1085] {strides = array<i32>} : memref<2x4x208xf32, #tpu.memory_space<vmem>>, vector<16xf32>,
      %scatter3A_1087 = arith.constant 1 : i32
      %scatter3A_1088 = arith.constant 0 : i32
      %scatter3A_1089 = arith.constant 0 : i32
      %scatter3A_1090 = tpu.memref_slice %arg8[%scatter3A_1087, %scatter3A_1088, %scatter3A_1089] : memref<2x4x10050xf32, #tpu.memory_space<vmem>> -> memref<1x4x10050xf32, #tpu.memory_space<vmem>>
      %scatter3A_1091 = tpu.memref_squeeze %scatter3A_1090 : memref<1x4x10050xf32, #tpu.memory_space<vmem>> -> memref<4x10050xf32, #tpu.memory_space<vmem>>
      tpu.vector_store_idx %scatter3A_1091[%broadcast_in_dim3A_986, %get3A_1080], %get3A_1086 {add = true} : memref<4x10050xf32, #tpu.memory_space<vmem>>[vector<16xi32>, vector<16xi32>], vector<16xf32>,
      %get3A_1092 = arith.constant 1 : i32
      %get3A_1093 = arith.index_cast %get3A_1092 : i32 to index
      %get3A_1094 = arith.constant 112 : index
      %get3A_1095 = tpu.vector_load %arg6[%get3A_1093, %get3A_1094] {strides = array<i32>} : memref<2x208xi32, #tpu.memory_space<vmem>>, vector<16xi32>,
      %get3A_1096 = arith.constant 1 : i32
      %get3A_1097 = arith.constant 0 : i32
      %get3A_1098 = arith.index_cast %get3A_1096 : i32 to index
      %get3A_1099 = arith.index_cast %get3A_1097 : i32 to index
      %get3A_1100 = arith.constant 112 : index
      %get3A_1101 = tpu.vector_load %arg7[%get3A_1098, %get3A_1099, %get3A_1100] {strides = array<i32>} : memref<2x4x208xf32, #tpu.memory_space<vmem>>, vector<16xf32>,
      %scatter3A_1102 = arith.constant 1 : i32
      %scatter3A_1103 = arith.constant 0 : i32
      %scatter3A_1104 = arith.constant 0 : i32
      %scatter3A_1105 = tpu.memref_slice %arg8[%scatter3A_1102, %scatter3A_1103, %scatter3A_1104] : memref<2x4x10050xf32, #tpu.memory_space<vmem>> -> memref<1x4x10050xf32, #tpu.memory_space<vmem>>
      %scatter3A_1106 = tpu.memref_squeeze %scatter3A_1105 : memref<1x4x10050xf32, #tpu.memory_space<vmem>> -> memref<4x10050xf32, #tpu.memory_space<vmem>>
      tpu.vector_store_idx %scatter3A_1106[%broadcast_in_dim3A_986, %get3A_1095], %get3A_1101 {add = true} : memref<4x10050xf32, #tpu.memory_space<vmem>>[vector<16xi32>, vector<16xi32>], vector<16xf32>,
      %get3A_1107 = arith.constant 1 : i32
      %get3A_1108 = arith.index_cast %get3A_1107 : i32 to index
      %get3A_1109 = arith.constant 128 : index
      %get3A_1110 = tpu.vector_load %arg6[%get3A_1108, %get3A_1109] {strides = array<i32>} : memref<2x208xi32, #tpu.memory_space<vmem>>, vector<16xi32>,
      %get3A_1111 = arith.constant 1 : i32
      %get3A_1112 = arith.constant 0 : i32
      %get3A_1113 = arith.index_cast %get3A_1111 : i32 to index
      %get3A_1114 = arith.index_cast %get3A_1112 : i32 to index
      %get3A_1115 = arith.constant 128 : index
      %get3A_1116 = tpu.vector_load %arg7[%get3A_1113, %get3A_1114, %get3A_1115] {strides = array<i32>} : memref<2x4x208xf32, #tpu.memory_space<vmem>>, vector<16xf32>,
      %scatter3A_1117 = arith.constant 1 : i32
      %scatter3A_1118 = arith.constant 0 : i32
      %scatter3A_1119 = arith.constant 0 : i32
      %scatter3A_1120 = tpu.memref_slice %arg8[%scatter3A_1117, %scatter3A_1118, %scatter3A_1119] : memref<2x4x10050xf32, #tpu.memory_space<vmem>> -> memref<1x4x10050xf32, #tpu.memory_space<vmem>>
      %scatter3A_1121 = tpu.memref_squeeze %scatter3A_1120 : memref<1x4x10050xf32, #tpu.memory_space<vmem>> -> memref<4x10050xf32, #tpu.memory_space<vmem>>
      tpu.vector_store_idx %scatter3A_1121[%broadcast_in_dim3A_986, %get3A_1110], %get3A_1116 {add = true} : memref<4x10050xf32, #tpu.memory_space<vmem>>[vector<16xi32>, vector<16xi32>], vector<16xf32>,
      %get3A_1122 = arith.constant 1 : i32
      %get3A_1123 = arith.index_cast %get3A_1122 : i32 to index
      %get3A_1124 = arith.constant 144 : index
      %get3A_1125 = tpu.vector_load %arg6[%get3A_1123, %get3A_1124] {strides = array<i32>} : memref<2x208xi32, #tpu.memory_space<vmem>>, vector<16xi32>,
      %get3A_1126 = arith.constant 1 : i32
      %get3A_1127 = arith.constant 0 : i32
      %get3A_1128 = arith.index_cast %get3A_1126 : i32 to index
      %get3A_1129 = arith.index_cast %get3A_1127 : i32 to index
      %get3A_1130 = arith.constant 144 : index
      %get3A_1131 = tpu.vector_load %arg7[%get3A_1128, %get3A_1129, %get3A_1130] {strides = array<i32>} : memref<2x4x208xf32, #tpu.memory_space<vmem>>, vector<16xf32>,
      %scatter3A_1132 = arith.constant 1 : i32
      %scatter3A_1133 = arith.constant 0 : i32
      %scatter3A_1134 = arith.constant 0 : i32
      %scatter3A_1135 = tpu.memref_slice %arg8[%scatter3A_1132, %scatter3A_1133, %scatter3A_1134] : memref<2x4x10050xf32, #tpu.memory_space<vmem>> -> memref<1x4x10050xf32, #tpu.memory_space<vmem>>
      %scatter3A_1136 = tpu.memref_squeeze %scatter3A_1135 : memref<1x4x10050xf32, #tpu.memory_space<vmem>> -> memref<4x10050xf32, #tpu.memory_space<vmem>>
      tpu.vector_store_idx %scatter3A_1136[%broadcast_in_dim3A_986, %get3A_1125], %get3A_1131 {add = true} : memref<4x10050xf32, #tpu.memory_space<vmem>>[vector<16xi32>, vector<16xi32>], vector<16xf32>,
      %get3A_1137 = arith.constant 1 : i32
      %get3A_1138 = arith.index_cast %get3A_1137 : i32 to index
      %get3A_1139 = arith.constant 160 : index
      %get3A_1140 = tpu.vector_load %arg6[%get3A_1138, %get3A_1139] {strides = array<i32>} : memref<2x208xi32, #tpu.memory_space<vmem>>, vector<16xi32>,
      %get3A_1141 = arith.constant 1 : i32
      %get3A_1142 = arith.constant 0 : i32
      %get3A_1143 = arith.index_cast %get3A_1141 : i32 to index
      %get3A_1144 = arith.index_cast %get3A_1142 : i32 to index
      %get3A_1145 = arith.constant 160 : index
      %get3A_1146 = tpu.vector_load %arg7[%get3A_1143, %get3A_1144, %get3A_1145] {strides = array<i32>} : memref<2x4x208xf32, #tpu.memory_space<vmem>>, vector<16xf32>,
      %scatter3A_1147 = arith.constant 1 : i32
      %scatter3A_1148 = arith.constant 0 : i32
      %scatter3A_1149 = arith.constant 0 : i32
      %scatter3A_1150 = tpu.memref_slice %arg8[%scatter3A_1147, %scatter3A_1148, %scatter3A_1149] : memref<2x4x10050xf32, #tpu.memory_space<vmem>> -> memref<1x4x10050xf32, #tpu.memory_space<vmem>>
      %scatter3A_1151 = tpu.memref_squeeze %scatter3A_1150 : memref<1x4x10050xf32, #tpu.memory_space<vmem>> -> memref<4x10050xf32, #tpu.memory_space<vmem>>
      tpu.vector_store_idx %scatter3A_1151[%broadcast_in_dim3A_986, %get3A_1140], %get3A_1146 {add = true} : memref<4x10050xf32, #tpu.memory_space<vmem>>[vector<16xi32>, vector<16xi32>], vector<16xf32>,
      %get3A_1152 = arith.constant 1 : i32
      %get3A_1153 = arith.index_cast %get3A_1152 : i32 to index
      %get3A_1154 = arith.constant 176 : index
      %get3A_1155 = tpu.vector_load %arg6[%get3A_1153, %get3A_1154] {strides = array<i32>} : memref<2x208xi32, #tpu.memory_space<vmem>>, vector<16xi32>,
      %get3A_1156 = arith.constant 1 : i32
      %get3A_1157 = arith.constant 0 : i32
      %get3A_1158 = arith.index_cast %get3A_1156 : i32 to index
      %get3A_1159 = arith.index_cast %get3A_1157 : i32 to index
      %get3A_1160 = arith.constant 176 : index
      %get3A_1161 = tpu.vector_load %arg7[%get3A_1158, %get3A_1159, %get3A_1160] {strides = array<i32>} : memref<2x4x208xf32, #tpu.memory_space<vmem>>, vector<16xf32>,
      %scatter3A_1162 = arith.constant 1 : i32
      %scatter3A_1163 = arith.constant 0 : i32
      %scatter3A_1164 = arith.constant 0 : i32
      %scatter3A_1165 = tpu.memref_slice %arg8[%scatter3A_1162, %scatter3A_1163, %scatter3A_1164] : memref<2x4x10050xf32, #tpu.memory_space<vmem>> -> memref<1x4x10050xf32, #tpu.memory_space<vmem>>
      %scatter3A_1166 = tpu.memref_squeeze %scatter3A_1165 : memref<1x4x10050xf32, #tpu.memory_space<vmem>> -> memref<4x10050xf32, #tpu.memory_space<vmem>>
      tpu.vector_store_idx %scatter3A_1166[%broadcast_in_dim3A_986, %get3A_1155], %get3A_1161 {add = true} : memref<4x10050xf32, #tpu.memory_space<vmem>>[vector<16xi32>, vector<16xi32>], vector<16xf32>,
      %get3A_1167 = arith.constant 1 : i32
      %get3A_1168 = arith.index_cast %get3A_1167 : i32 to index
      %get3A_1169 = arith.constant 192 : index
      %get3A_1170 = tpu.vector_load %arg6[%get3A_1168, %get3A_1169] {strides = array<i32>} : memref<2x208xi32, #tpu.memory_space<vmem>>, vector<16xi32>,
      %get3A_1171 = arith.constant 1 : i32
      %get3A_1172 = arith.constant 0 : i32
      %get3A_1173 = arith.index_cast %get3A_1171 : i32 to index
      %get3A_1174 = arith.index_cast %get3A_1172 : i32 to index
      %get3A_1175 = arith.constant 192 : index
      %get3A_1176 = tpu.vector_load %arg7[%get3A_1173, %get3A_1174, %get3A_1175] {strides = array<i32>} : memref<2x4x208xf32, #tpu.memory_space<vmem>>, vector<16xf32>,
      %scatter3A_1177 = arith.constant 1 : i32
      %scatter3A_1178 = arith.constant 0 : i32
      %scatter3A_1179 = arith.constant 0 : i32
      %scatter3A_1180 = tpu.memref_slice %arg8[%scatter3A_1177, %scatter3A_1178, %scatter3A_1179] : memref<2x4x10050xf32, #tpu.memory_space<vmem>> -> memref<1x4x10050xf32, #tpu.memory_space<vmem>>
      %scatter3A_1181 = tpu.memref_squeeze %scatter3A_1180 : memref<1x4x10050xf32, #tpu.memory_space<vmem>> -> memref<4x10050xf32, #tpu.memory_space<vmem>>
      tpu.vector_store_idx %scatter3A_1181[%broadcast_in_dim3A_986, %get3A_1170], %get3A_1176 {add = true} : memref<4x10050xf32, #tpu.memory_space<vmem>>[vector<16xi32>, vector<16xi32>], vector<16xf32>,
      %broadcast_in_dim3A_1182 = arith.constant 1 : i32
      %broadcast_in_dim3A_1183 = vector.broadcast %broadcast_in_dim3A_1182 : i32 to vector<16xi32>
      %get3A_1184 = arith.constant 1 : i32
      %get3A_1185 = arith.index_cast %get3A_1184 : i32 to index
      %get3A_1186 = arith.constant 0 : index
      %get3A_1187 = tpu.vector_load %arg6[%get3A_1185, %get3A_1186] {strides = array<i32>} : memref<2x208xi32, #tpu.memory_space<vmem>>, vector<16xi32>,
      %get3A_1188 = arith.constant 1 : i32
      %get3A_1189 = arith.constant 1 : i32
      %get3A_1190 = arith.index_cast %get3A_1188 : i32 to index
      %get3A_1191 = arith.index_cast %get3A_1189 : i32 to index
      %get3A_1192 = arith.constant 0 : index
      %get3A_1193 = tpu.vector_load %arg7[%get3A_1190, %get3A_1191, %get3A_1192] {strides = array<i32>} : memref<2x4x208xf32, #tpu.memory_space<vmem>>, vector<16xf32>,
      %scatter3A_1194 = arith.constant 1 : i32
      %scatter3A_1195 = arith.constant 0 : i32
      %scatter3A_1196 = arith.constant 0 : i32
      %scatter3A_1197 = tpu.memref_slice %arg8[%scatter3A_1194, %scatter3A_1195, %scatter3A_1196] : memref<2x4x10050xf32, #tpu.memory_space<vmem>> -> memref<1x4x10050xf32, #tpu.memory_space<vmem>>
      %scatter3A_1198 = tpu.memref_squeeze %scatter3A_1197 : memref<1x4x10050xf32, #tpu.memory_space<vmem>> -> memref<4x10050xf32, #tpu.memory_space<vmem>>
      tpu.vector_store_idx %scatter3A_1198[%broadcast_in_dim3A_1183, %get3A_1187], %get3A_1193 {add = true} : memref<4x10050xf32, #tpu.memory_space<vmem>>[vector<16xi32>, vector<16xi32>], vector<16xf32>,
      %get3A_1199 = arith.constant 1 : i32
      %get3A_1200 = arith.index_cast %get3A_1199 : i32 to index
      %get3A_1201 = arith.constant 16 : index
      %get3A_1202 = tpu.vector_load %arg6[%get3A_1200, %get3A_1201] {strides = array<i32>} : memref<2x208xi32, #tpu.memory_space<vmem>>, vector<16xi32>,
      %get3A_1203 = arith.constant 1 : i32
      %get3A_1204 = arith.constant 1 : i32
      %get3A_1205 = arith.index_cast %get3A_1203 : i32 to index
      %get3A_1206 = arith.index_cast %get3A_1204 : i32 to index
      %get3A_1207 = arith.constant 16 : index
      %get3A_1208 = tpu.vector_load %arg7[%get3A_1205, %get3A_1206, %get3A_1207] {strides = array<i32>} : memref<2x4x208xf32, #tpu.memory_space<vmem>>, vector<16xf32>,
      %scatter3A_1209 = arith.constant 1 : i32
      %scatter3A_1210 = arith.constant 0 : i32
      %scatter3A_1211 = arith.constant 0 : i32
      %scatter3A_1212 = tpu.memref_slice %arg8[%scatter3A_1209, %scatter3A_1210, %scatter3A_1211] : memref<2x4x10050xf32, #tpu.memory_space<vmem>> -> memref<1x4x10050xf32, #tpu.memory_space<vmem>>
      %scatter3A_1213 = tpu.memref_squeeze %scatter3A_1212 : memref<1x4x10050xf32, #tpu.memory_space<vmem>> -> memref<4x10050xf32, #tpu.memory_space<vmem>>
      tpu.vector_store_idx %scatter3A_1213[%broadcast_in_dim3A_1183, %get3A_1202], %get3A_1208 {add = true} : memref<4x10050xf32, #tpu.memory_space<vmem>>[vector<16xi32>, vector<16xi32>], vector<16xf32>,
      %get3A_1214 = arith.constant 1 : i32
      %get3A_1215 = arith.index_cast %get3A_1214 : i32 to index
      %get3A_1216 = arith.constant 32 : index
      %get3A_1217 = tpu.vector_load %arg6[%get3A_1215, %get3A_1216] {strides = array<i32>} : memref<2x208xi32, #tpu.memory_space<vmem>>, vector<16xi32>,
      %get3A_1218 = arith.constant 1 : i32
      %get3A_1219 = arith.constant 1 : i32
      %get3A_1220 = arith.index_cast %get3A_1218 : i32 to index
      %get3A_1221 = arith.index_cast %get3A_1219 : i32 to index
      %get3A_1222 = arith.constant 32 : index
      %get3A_1223 = tpu.vector_load %arg7[%get3A_1220, %get3A_1221, %get3A_1222] {strides = array<i32>} : memref<2x4x208xf32, #tpu.memory_space<vmem>>, vector<16xf32>,
      %scatter3A_1224 = arith.constant 1 : i32
      %scatter3A_1225 = arith.constant 0 : i32
      %scatter3A_1226 = arith.constant 0 : i32
      %scatter3A_1227 = tpu.memref_slice %arg8[%scatter3A_1224, %scatter3A_1225, %scatter3A_1226] : memref<2x4x10050xf32, #tpu.memory_space<vmem>> -> memref<1x4x10050xf32, #tpu.memory_space<vmem>>
      %scatter3A_1228 = tpu.memref_squeeze %scatter3A_1227 : memref<1x4x10050xf32, #tpu.memory_space<vmem>> -> memref<4x10050xf32, #tpu.memory_space<vmem>>
      tpu.vector_store_idx %scatter3A_1228[%broadcast_in_dim3A_1183, %get3A_1217], %get3A_1223 {add = true} : memref<4x10050xf32, #tpu.memory_space<vmem>>[vector<16xi32>, vector<16xi32>], vector<16xf32>,
      %get3A_1229 = arith.constant 1 : i32
      %get3A_1230 = arith.index_cast %get3A_1229 : i32 to index
      %get3A_1231 = arith.constant 48 : index
      %get3A_1232 = tpu.vector_load %arg6[%get3A_1230, %get3A_1231] {strides = array<i32>} : memref<2x208xi32, #tpu.memory_space<vmem>>, vector<16xi32>,
      %get3A_1233 = arith.constant 1 : i32
      %get3A_1234 = arith.constant 1 : i32
      %get3A_1235 = arith.index_cast %get3A_1233 : i32 to index
      %get3A_1236 = arith.index_cast %get3A_1234 : i32 to index
      %get3A_1237 = arith.constant 48 : index
      %get3A_1238 = tpu.vector_load %arg7[%get3A_1235, %get3A_1236, %get3A_1237] {strides = array<i32>} : memref<2x4x208xf32, #tpu.memory_space<vmem>>, vector<16xf32>,
      %scatter3A_1239 = arith.constant 1 : i32
      %scatter3A_1240 = arith.constant 0 : i32
      %scatter3A_1241 = arith.constant 0 : i32
      %scatter3A_1242 = tpu.memref_slice %arg8[%scatter3A_1239, %scatter3A_1240, %scatter3A_1241] : memref<2x4x10050xf32, #tpu.memory_space<vmem>> -> memref<1x4x10050xf32, #tpu.memory_space<vmem>>
      %scatter3A_1243 = tpu.memref_squeeze %scatter3A_1242 : memref<1x4x10050xf32, #tpu.memory_space<vmem>> -> memref<4x10050xf32, #tpu.memory_space<vmem>>
      tpu.vector_store_idx %scatter3A_1243[%broadcast_in_dim3A_1183, %get3A_1232], %get3A_1238 {add = true} : memref<4x10050xf32, #tpu.memory_space<vmem>>[vector<16xi32>, vector<16xi32>], vector<16xf32>,
      %get3A_1244 = arith.constant 1 : i32
      %get3A_1245 = arith.index_cast %get3A_1244 : i32 to index
      %get3A_1246 = arith.constant 64 : index
      %get3A_1247 = tpu.vector_load %arg6[%get3A_1245, %get3A_1246] {strides = array<i32>} : memref<2x208xi32, #tpu.memory_space<vmem>>, vector<16xi32>,
      %get3A_1248 = arith.constant 1 : i32
      %get3A_1249 = arith.constant 1 : i32
      %get3A_1250 = arith.index_cast %get3A_1248 : i32 to index
      %get3A_1251 = arith.index_cast %get3A_1249 : i32 to index
      %get3A_1252 = arith.constant 64 : index
      %get3A_1253 = tpu.vector_load %arg7[%get3A_1250, %get3A_1251, %get3A_1252] {strides = array<i32>} : memref<2x4x208xf32, #tpu.memory_space<vmem>>, vector<16xf32>,
      %scatter3A_1254 = arith.constant 1 : i32
      %scatter3A_1255 = arith.constant 0 : i32
      %scatter3A_1256 = arith.constant 0 : i32
      %scatter3A_1257 = tpu.memref_slice %arg8[%scatter3A_1254, %scatter3A_1255, %scatter3A_1256] : memref<2x4x10050xf32, #tpu.memory_space<vmem>> -> memref<1x4x10050xf32, #tpu.memory_space<vmem>>
      %scatter3A_1258 = tpu.memref_squeeze %scatter3A_1257 : memref<1x4x10050xf32, #tpu.memory_space<vmem>> -> memref<4x10050xf32, #tpu.memory_space<vmem>>
      tpu.vector_store_idx %scatter3A_1258[%broadcast_in_dim3A_1183, %get3A_1247], %get3A_1253 {add = true} : memref<4x10050xf32, #tpu.memory_space<vmem>>[vector<16xi32>, vector<16xi32>], vector<16xf32>,
      %get3A_1259 = arith.constant 1 : i32
      %get3A_1260 = arith.index_cast %get3A_1259 : i32 to index
      %get3A_1261 = arith.constant 80 : index
      %get3A_1262 = tpu.vector_load %arg6[%get3A_1260, %get3A_1261] {strides = array<i32>} : memref<2x208xi32, #tpu.memory_space<vmem>>, vector<16xi32>,
      %get3A_1263 = arith.constant 1 : i32
      %get3A_1264 = arith.constant 1 : i32
      %get3A_1265 = arith.index_cast %get3A_1263 : i32 to index
      %get3A_1266 = arith.index_cast %get3A_1264 : i32 to index
      %get3A_1267 = arith.constant 80 : index
      %get3A_1268 = tpu.vector_load %arg7[%get3A_1265, %get3A_1266, %get3A_1267] {strides = array<i32>} : memref<2x4x208xf32, #tpu.memory_space<vmem>>, vector<16xf32>,
      %scatter3A_1269 = arith.constant 1 : i32
      %scatter3A_1270 = arith.constant 0 : i32
      %scatter3A_1271 = arith.constant 0 : i32
      %scatter3A_1272 = tpu.memref_slice %arg8[%scatter3A_1269, %scatter3A_1270, %scatter3A_1271] : memref<2x4x10050xf32, #tpu.memory_space<vmem>> -> memref<1x4x10050xf32, #tpu.memory_space<vmem>>
      %scatter3A_1273 = tpu.memref_squeeze %scatter3A_1272 : memref<1x4x10050xf32, #tpu.memory_space<vmem>> -> memref<4x10050xf32, #tpu.memory_space<vmem>>
      tpu.vector_store_idx %scatter3A_1273[%broadcast_in_dim3A_1183, %get3A_1262], %get3A_1268 {add = true} : memref<4x10050xf32, #tpu.memory_space<vmem>>[vector<16xi32>, vector<16xi32>], vector<16xf32>,
      %get3A_1274 = arith.constant 1 : i32
      %get3A_1275 = arith.index_cast %get3A_1274 : i32 to index
      %get3A_1276 = arith.constant 96 : index
      %get3A_1277 = tpu.vector_load %arg6[%get3A_1275, %get3A_1276] {strides = array<i32>} : memref<2x208xi32, #tpu.memory_space<vmem>>, vector<16xi32>,
      %get3A_1278 = arith.constant 1 : i32
      %get3A_1279 = arith.constant 1 : i32
      %get3A_1280 = arith.index_cast %get3A_1278 : i32 to index
      %get3A_1281 = arith.index_cast %get3A_1279 : i32 to index
      %get3A_1282 = arith.constant 96 : index
      %get3A_1283 = tpu.vector_load %arg7[%get3A_1280, %get3A_1281, %get3A_1282] {strides = array<i32>} : memref<2x4x208xf32, #tpu.memory_space<vmem>>, vector<16xf32>,
      %scatter3A_1284 = arith.constant 1 : i32
      %scatter3A_1285 = arith.constant 0 : i32
      %scatter3A_1286 = arith.constant 0 : i32
      %scatter3A_1287 = tpu.memref_slice %arg8[%scatter3A_1284, %scatter3A_1285, %scatter3A_1286] : memref<2x4x10050xf32, #tpu.memory_space<vmem>> -> memref<1x4x10050xf32, #tpu.memory_space<vmem>>
      %scatter3A_1288 = tpu.memref_squeeze %scatter3A_1287 : memref<1x4x10050xf32, #tpu.memory_space<vmem>> -> memref<4x10050xf32, #tpu.memory_space<vmem>>
      tpu.vector_store_idx %scatter3A_1288[%broadcast_in_dim3A_1183, %get3A_1277], %get3A_1283 {add = true} : memref<4x10050xf32, #tpu.memory_space<vmem>>[vector<16xi32>, vector<16xi32>], vector<16xf32>,
      %get3A_1289 = arith.constant 1 : i32
      %get3A_1290 = arith.index_cast %get3A_1289 : i32 to index
      %get3A_1291 = arith.constant 112 : index
      %get3A_1292 = tpu.vector_load %arg6[%get3A_1290, %get3A_1291] {strides = array<i32>} : memref<2x208xi32, #tpu.memory_space<vmem>>, vector<16xi32>,
      %get3A_1293 = arith.constant 1 : i32
      %get3A_1294 = arith.constant 1 : i32
      %get3A_1295 = arith.index_cast %get3A_1293 : i32 to index
      %get3A_1296 = arith.index_cast %get3A_1294 : i32 to index
      %get3A_1297 = arith.constant 112 : index
      %get3A_1298 = tpu.vector_load %arg7[%get3A_1295, %get3A_1296, %get3A_1297] {strides = array<i32>} : memref<2x4x208xf32, #tpu.memory_space<vmem>>, vector<16xf32>,
      %scatter3A_1299 = arith.constant 1 : i32
      %scatter3A_1300 = arith.constant 0 : i32
      %scatter3A_1301 = arith.constant 0 : i32
      %scatter3A_1302 = tpu.memref_slice %arg8[%scatter3A_1299, %scatter3A_1300, %scatter3A_1301] : memref<2x4x10050xf32, #tpu.memory_space<vmem>> -> memref<1x4x10050xf32, #tpu.memory_space<vmem>>
      %scatter3A_1303 = tpu.memref_squeeze %scatter3A_1302 : memref<1x4x10050xf32, #tpu.memory_space<vmem>> -> memref<4x10050xf32, #tpu.memory_space<vmem>>
      tpu.vector_store_idx %scatter3A_1303[%broadcast_in_dim3A_1183, %get3A_1292], %get3A_1298 {add = true} : memref<4x10050xf32, #tpu.memory_space<vmem>>[vector<16xi32>, vector<16xi32>], vector<16xf32>,
      %get3A_1304 = arith.constant 1 : i32
      %get3A_1305 = arith.index_cast %get3A_1304 : i32 to index
      %get3A_1306 = arith.constant 128 : index
      %get3A_1307 = tpu.vector_load %arg6[%get3A_1305, %get3A_1306] {strides = array<i32>} : memref<2x208xi32, #tpu.memory_space<vmem>>, vector<16xi32>,
      %get3A_1308 = arith.constant 1 : i32
      %get3A_1309 = arith.constant 1 : i32
      %get3A_1310 = arith.index_cast %get3A_1308 : i32 to index
      %get3A_1311 = arith.index_cast %get3A_1309 : i32 to index
      %get3A_1312 = arith.constant 128 : index
      %get3A_1313 = tpu.vector_load %arg7[%get3A_1310, %get3A_1311, %get3A_1312] {strides = array<i32>} : memref<2x4x208xf32, #tpu.memory_space<vmem>>, vector<16xf32>,
      %scatter3A_1314 = arith.constant 1 : i32
      %scatter3A_1315 = arith.constant 0 : i32
      %scatter3A_1316 = arith.constant 0 : i32
      %scatter3A_1317 = tpu.memref_slice %arg8[%scatter3A_1314, %scatter3A_1315, %scatter3A_1316] : memref<2x4x10050xf32, #tpu.memory_space<vmem>> -> memref<1x4x10050xf32, #tpu.memory_space<vmem>>
      %scatter3A_1318 = tpu.memref_squeeze %scatter3A_1317 : memref<1x4x10050xf32, #tpu.memory_space<vmem>> -> memref<4x10050xf32, #tpu.memory_space<vmem>>
      tpu.vector_store_idx %scatter3A_1318[%broadcast_in_dim3A_1183, %get3A_1307], %get3A_1313 {add = true} : memref<4x10050xf32, #tpu.memory_space<vmem>>[vector<16xi32>, vector<16xi32>], vector<16xf32>,
      %get3A_1319 = arith.constant 1 : i32
      %get3A_1320 = arith.index_cast %get3A_1319 : i32 to index
      %get3A_1321 = arith.constant 144 : index
      %get3A_1322 = tpu.vector_load %arg6[%get3A_1320, %get3A_1321] {strides = array<i32>} : memref<2x208xi32, #tpu.memory_space<vmem>>, vector<16xi32>,
      %get3A_1323 = arith.constant 1 : i32
      %get3A_1324 = arith.constant 1 : i32
      %get3A_1325 = arith.index_cast %get3A_1323 : i32 to index
      %get3A_1326 = arith.index_cast %get3A_1324 : i32 to index
      %get3A_1327 = arith.constant 144 : index
      %get3A_1328 = tpu.vector_load %arg7[%get3A_1325, %get3A_1326, %get3A_1327] {strides = array<i32>} : memref<2x4x208xf32, #tpu.memory_space<vmem>>, vector<16xf32>,
      %scatter3A_1329 = arith.constant 1 : i32
      %scatter3A_1330 = arith.constant 0 : i32
      %scatter3A_1331 = arith.constant 0 : i32
      %scatter3A_1332 = tpu.memref_slice %arg8[%scatter3A_1329, %scatter3A_1330, %scatter3A_1331] : memref<2x4x10050xf32, #tpu.memory_space<vmem>> -> memref<1x4x10050xf32, #tpu.memory_space<vmem>>
      %scatter3A_1333 = tpu.memref_squeeze %scatter3A_1332 : memref<1x4x10050xf32, #tpu.memory_space<vmem>> -> memref<4x10050xf32, #tpu.memory_space<vmem>>
      tpu.vector_store_idx %scatter3A_1333[%broadcast_in_dim3A_1183, %get3A_1322], %get3A_1328 {add = true} : memref<4x10050xf32, #tpu.memory_space<vmem>>[vector<16xi32>, vector<16xi32>], vector<16xf32>,
      %get3A_1334 = arith.constant 1 : i32
      %get3A_1335 = arith.index_cast %get3A_1334 : i32 to index
      %get3A_1336 = arith.constant 160 : index
      %get3A_1337 = tpu.vector_load %arg6[%get3A_1335, %get3A_1336] {strides = array<i32>} : memref<2x208xi32, #tpu.memory_space<vmem>>, vector<16xi32>,
      %get3A_1338 = arith.constant 1 : i32
      %get3A_1339 = arith.constant 1 : i32
      %get3A_1340 = arith.index_cast %get3A_1338 : i32 to index
      %get3A_1341 = arith.index_cast %get3A_1339 : i32 to index
      %get3A_1342 = arith.constant 160 : index
      %get3A_1343 = tpu.vector_load %arg7[%get3A_1340, %get3A_1341, %get3A_1342] {strides = array<i32>} : memref<2x4x208xf32, #tpu.memory_space<vmem>>, vector<16xf32>,
      %scatter3A_1344 = arith.constant 1 : i32
      %scatter3A_1345 = arith.constant 0 : i32
      %scatter3A_1346 = arith.constant 0 : i32
      %scatter3A_1347 = tpu.memref_slice %arg8[%scatter3A_1344, %scatter3A_1345, %scatter3A_1346] : memref<2x4x10050xf32, #tpu.memory_space<vmem>> -> memref<1x4x10050xf32, #tpu.memory_space<vmem>>
      %scatter3A_1348 = tpu.memref_squeeze %scatter3A_1347 : memref<1x4x10050xf32, #tpu.memory_space<vmem>> -> memref<4x10050xf32, #tpu.memory_space<vmem>>
      tpu.vector_store_idx %scatter3A_1348[%broadcast_in_dim3A_1183, %get3A_1337], %get3A_1343 {add = true} : memref<4x10050xf32, #tpu.memory_space<vmem>>[vector<16xi32>, vector<16xi32>], vector<16xf32>,
      %get3A_1349 = arith.constant 1 : i32
      %get3A_1350 = arith.index_cast %get3A_1349 : i32 to index
      %get3A_1351 = arith.constant 176 : index
      %get3A_1352 = tpu.vector_load %arg6[%get3A_1350, %get3A_1351] {strides = array<i32>} : memref<2x208xi32, #tpu.memory_space<vmem>>, vector<16xi32>,
      %get3A_1353 = arith.constant 1 : i32
      %get3A_1354 = arith.constant 1 : i32
      %get3A_1355 = arith.index_cast %get3A_1353 : i32 to index
      %get3A_1356 = arith.index_cast %get3A_1354 : i32 to index
      %get3A_1357 = arith.constant 176 : index
      %get3A_1358 = tpu.vector_load %arg7[%get3A_1355, %get3A_1356, %get3A_1357] {strides = array<i32>} : memref<2x4x208xf32, #tpu.memory_space<vmem>>, vector<16xf32>,
      %scatter3A_1359 = arith.constant 1 : i32
      %scatter3A_1360 = arith.constant 0 : i32
      %scatter3A_1361 = arith.constant 0 : i32
      %scatter3A_1362 = tpu.memref_slice %arg8[%scatter3A_1359, %scatter3A_1360, %scatter3A_1361] : memref<2x4x10050xf32, #tpu.memory_space<vmem>> -> memref<1x4x10050xf32, #tpu.memory_space<vmem>>
      %scatter3A_1363 = tpu.memref_squeeze %scatter3A_1362 : memref<1x4x10050xf32, #tpu.memory_space<vmem>> -> memref<4x10050xf32, #tpu.memory_space<vmem>>
      tpu.vector_store_idx %scatter3A_1363[%broadcast_in_dim3A_1183, %get3A_1352], %get3A_1358 {add = true} : memref<4x10050xf32, #tpu.memory_space<vmem>>[vector<16xi32>, vector<16xi32>], vector<16xf32>,
      %get3A_1364 = arith.constant 1 : i32
      %get3A_1365 = arith.index_cast %get3A_1364 : i32 to index
      %get3A_1366 = arith.constant 192 : index
      %get3A_1367 = tpu.vector_load %arg6[%get3A_1365, %get3A_1366] {strides = array<i32>} : memref<2x208xi32, #tpu.memory_space<vmem>>, vector<16xi32>,
      %get3A_1368 = arith.constant 1 : i32
      %get3A_1369 = arith.constant 1 : i32
      %get3A_1370 = arith.index_cast %get3A_1368 : i32 to index
      %get3A_1371 = arith.index_cast %get3A_1369 : i32 to index
      %get3A_1372 = arith.constant 192 : index
      %get3A_1373 = tpu.vector_load %arg7[%get3A_1370, %get3A_1371, %get3A_1372] {strides = array<i32>} : memref<2x4x208xf32, #tpu.memory_space<vmem>>, vector<16xf32>,
      %scatter3A_1374 = arith.constant 1 : i32
      %scatter3A_1375 = arith.constant 0 : i32
      %scatter3A_1376 = arith.constant 0 : i32
      %scatter3A_1377 = tpu.memref_slice %arg8[%scatter3A_1374, %scatter3A_1375, %scatter3A_1376] : memref<2x4x10050xf32, #tpu.memory_space<vmem>> -> memref<1x4x10050xf32, #tpu.memory_space<vmem>>
      %scatter3A_1378 = tpu.memref_squeeze %scatter3A_1377 : memref<1x4x10050xf32, #tpu.memory_space<vmem>> -> memref<4x10050xf32, #tpu.memory_space<vmem>>
      tpu.vector_store_idx %scatter3A_1378[%broadcast_in_dim3A_1183, %get3A_1367], %get3A_1373 {add = true} : memref<4x10050xf32, #tpu.memory_space<vmem>>[vector<16xi32>, vector<16xi32>], vector<16xf32>,
      %broadcast_in_dim3A_1379 = arith.constant 2 : i32
      %broadcast_in_dim3A_1380 = vector.broadcast %broadcast_in_dim3A_1379 : i32 to vector<16xi32>
      %get3A_1381 = arith.constant 1 : i32
      %get3A_1382 = arith.index_cast %get3A_1381 : i32 to index
      %get3A_1383 = arith.constant 0 : index
      %get3A_1384 = tpu.vector_load %arg6[%get3A_1382, %get3A_1383] {strides = array<i32>} : memref<2x208xi32, #tpu.memory_space<vmem>>, vector<16xi32>,
      %get3A_1385 = arith.constant 1 : i32
      %get3A_1386 = arith.constant 2 : i32
      %get3A_1387 = arith.index_cast %get3A_1385 : i32 to index
      %get3A_1388 = arith.index_cast %get3A_1386 : i32 to index
      %get3A_1389 = arith.constant 0 : index
      %get3A_1390 = tpu.vector_load %arg7[%get3A_1387, %get3A_1388, %get3A_1389] {strides = array<i32>} : memref<2x4x208xf32, #tpu.memory_space<vmem>>, vector<16xf32>,
      %scatter3A_1391 = arith.constant 1 : i32
      %scatter3A_1392 = arith.constant 0 : i32
      %scatter3A_1393 = arith.constant 0 : i32
      %scatter3A_1394 = tpu.memref_slice %arg8[%scatter3A_1391, %scatter3A_1392, %scatter3A_1393] : memref<2x4x10050xf32, #tpu.memory_space<vmem>> -> memref<1x4x10050xf32, #tpu.memory_space<vmem>>
      %scatter3A_1395 = tpu.memref_squeeze %scatter3A_1394 : memref<1x4x10050xf32, #tpu.memory_space<vmem>> -> memref<4x10050xf32, #tpu.memory_space<vmem>>
      tpu.vector_store_idx %scatter3A_1395[%broadcast_in_dim3A_1380, %get3A_1384], %get3A_1390 {add = true} : memref<4x10050xf32, #tpu.memory_space<vmem>>[vector<16xi32>, vector<16xi32>], vector<16xf32>,
      %get3A_1396 = arith.constant 1 : i32
      %get3A_1397 = arith.index_cast %get3A_1396 : i32 to index
      %get3A_1398 = arith.constant 16 : index
      %get3A_1399 = tpu.vector_load %arg6[%get3A_1397, %get3A_1398] {strides = array<i32>} : memref<2x208xi32, #tpu.memory_space<vmem>>, vector<16xi32>,
      %get3A_1400 = arith.constant 1 : i32
      %get3A_1401 = arith.constant 2 : i32
      %get3A_1402 = arith.index_cast %get3A_1400 : i32 to index
      %get3A_1403 = arith.index_cast %get3A_1401 : i32 to index
      %get3A_1404 = arith.constant 16 : index
      %get3A_1405 = tpu.vector_load %arg7[%get3A_1402, %get3A_1403, %get3A_1404] {strides = array<i32>} : memref<2x4x208xf32, #tpu.memory_space<vmem>>, vector<16xf32>,
      %scatter3A_1406 = arith.constant 1 : i32
      %scatter3A_1407 = arith.constant 0 : i32
      %scatter3A_1408 = arith.constant 0 : i32
      %scatter3A_1409 = tpu.memref_slice %arg8[%scatter3A_1406, %scatter3A_1407, %scatter3A_1408] : memref<2x4x10050xf32, #tpu.memory_space<vmem>> -> memref<1x4x10050xf32, #tpu.memory_space<vmem>>
      %scatter3A_1410 = tpu.memref_squeeze %scatter3A_1409 : memref<1x4x10050xf32, #tpu.memory_space<vmem>> -> memref<4x10050xf32, #tpu.memory_space<vmem>>
      tpu.vector_store_idx %scatter3A_1410[%broadcast_in_dim3A_1380, %get3A_1399], %get3A_1405 {add = true} : memref<4x10050xf32, #tpu.memory_space<vmem>>[vector<16xi32>, vector<16xi32>], vector<16xf32>,
      %get3A_1411 = arith.constant 1 : i32
      %get3A_1412 = arith.index_cast %get3A_1411 : i32 to index
      %get3A_1413 = arith.constant 32 : index
      %get3A_1414 = tpu.vector_load %arg6[%get3A_1412, %get3A_1413] {strides = array<i32>} : memref<2x208xi32, #tpu.memory_space<vmem>>, vector<16xi32>,
      %get3A_1415 = arith.constant 1 : i32
      %get3A_1416 = arith.constant 2 : i32
      %get3A_1417 = arith.index_cast %get3A_1415 : i32 to index
      %get3A_1418 = arith.index_cast %get3A_1416 : i32 to index
      %get3A_1419 = arith.constant 32 : index
      %get3A_1420 = tpu.vector_load %arg7[%get3A_1417, %get3A_1418, %get3A_1419] {strides = array<i32>} : memref<2x4x208xf32, #tpu.memory_space<vmem>>, vector<16xf32>,
      %scatter3A_1421 = arith.constant 1 : i32
      %scatter3A_1422 = arith.constant 0 : i32
      %scatter3A_1423 = arith.constant 0 : i32
      %scatter3A_1424 = tpu.memref_slice %arg8[%scatter3A_1421, %scatter3A_1422, %scatter3A_1423] : memref<2x4x10050xf32, #tpu.memory_space<vmem>> -> memref<1x4x10050xf32, #tpu.memory_space<vmem>>
      %scatter3A_1425 = tpu.memref_squeeze %scatter3A_1424 : memref<1x4x10050xf32, #tpu.memory_space<vmem>> -> memref<4x10050xf32, #tpu.memory_space<vmem>>
      tpu.vector_store_idx %scatter3A_1425[%broadcast_in_dim3A_1380, %get3A_1414], %get3A_1420 {add = true} : memref<4x10050xf32, #tpu.memory_space<vmem>>[vector<16xi32>, vector<16xi32>], vector<16xf32>,
      %get3A_1426 = arith.constant 1 : i32
      %get3A_1427 = arith.index_cast %get3A_1426 : i32 to index
      %get3A_1428 = arith.constant 48 : index
      %get3A_1429 = tpu.vector_load %arg6[%get3A_1427, %get3A_1428] {strides = array<i32>} : memref<2x208xi32, #tpu.memory_space<vmem>>, vector<16xi32>,
      %get3A_1430 = arith.constant 1 : i32
      %get3A_1431 = arith.constant 2 : i32
      %get3A_1432 = arith.index_cast %get3A_1430 : i32 to index
      %get3A_1433 = arith.index_cast %get3A_1431 : i32 to index
      %get3A_1434 = arith.constant 48 : index
      %get3A_1435 = tpu.vector_load %arg7[%get3A_1432, %get3A_1433, %get3A_1434] {strides = array<i32>} : memref<2x4x208xf32, #tpu.memory_space<vmem>>, vector<16xf32>,
      %scatter3A_1436 = arith.constant 1 : i32
      %scatter3A_1437 = arith.constant 0 : i32
      %scatter3A_1438 = arith.constant 0 : i32
      %scatter3A_1439 = tpu.memref_slice %arg8[%scatter3A_1436, %scatter3A_1437, %scatter3A_1438] : memref<2x4x10050xf32, #tpu.memory_space<vmem>> -> memref<1x4x10050xf32, #tpu.memory_space<vmem>>
      %scatter3A_1440 = tpu.memref_squeeze %scatter3A_1439 : memref<1x4x10050xf32, #tpu.memory_space<vmem>> -> memref<4x10050xf32, #tpu.memory_space<vmem>>
      tpu.vector_store_idx %scatter3A_1440[%broadcast_in_dim3A_1380, %get3A_1429], %get3A_1435 {add = true} : memref<4x10050xf32, #tpu.memory_space<vmem>>[vector<16xi32>, vector<16xi32>], vector<16xf32>,
      %get3A_1441 = arith.constant 1 : i32
      %get3A_1442 = arith.index_cast %get3A_1441 : i32 to index
      %get3A_1443 = arith.constant 64 : index
      %get3A_1444 = tpu.vector_load %arg6[%get3A_1442, %get3A_1443] {strides = array<i32>} : memref<2x208xi32, #tpu.memory_space<vmem>>, vector<16xi32>,
      %get3A_1445 = arith.constant 1 : i32
      %get3A_1446 = arith.constant 2 : i32
      %get3A_1447 = arith.index_cast %get3A_1445 : i32 to index
      %get3A_1448 = arith.index_cast %get3A_1446 : i32 to index
      %get3A_1449 = arith.constant 64 : index
      %get3A_1450 = tpu.vector_load %arg7[%get3A_1447, %get3A_1448, %get3A_1449] {strides = array<i32>} : memref<2x4x208xf32, #tpu.memory_space<vmem>>, vector<16xf32>,
      %scatter3A_1451 = arith.constant 1 : i32
      %scatter3A_1452 = arith.constant 0 : i32
      %scatter3A_1453 = arith.constant 0 : i32
      %scatter3A_1454 = tpu.memref_slice %arg8[%scatter3A_1451, %scatter3A_1452, %scatter3A_1453] : memref<2x4x10050xf32, #tpu.memory_space<vmem>> -> memref<1x4x10050xf32, #tpu.memory_space<vmem>>
      %scatter3A_1455 = tpu.memref_squeeze %scatter3A_1454 : memref<1x4x10050xf32, #tpu.memory_space<vmem>> -> memref<4x10050xf32, #tpu.memory_space<vmem>>
      tpu.vector_store_idx %scatter3A_1455[%broadcast_in_dim3A_1380, %get3A_1444], %get3A_1450 {add = true} : memref<4x10050xf32, #tpu.memory_space<vmem>>[vector<16xi32>, vector<16xi32>], vector<16xf32>,
      %get3A_1456 = arith.constant 1 : i32
      %get3A_1457 = arith.index_cast %get3A_1456 : i32 to index
      %get3A_1458 = arith.constant 80 : index
      %get3A_1459 = tpu.vector_load %arg6[%get3A_1457, %get3A_1458] {strides = array<i32>} : memref<2x208xi32, #tpu.memory_space<vmem>>, vector<16xi32>,
      %get3A_1460 = arith.constant 1 : i32
      %get3A_1461 = arith.constant 2 : i32
      %get3A_1462 = arith.index_cast %get3A_1460 : i32 to index
      %get3A_1463 = arith.index_cast %get3A_1461 : i32 to index
      %get3A_1464 = arith.constant 80 : index
      %get3A_1465 = tpu.vector_load %arg7[%get3A_1462, %get3A_1463, %get3A_1464] {strides = array<i32>} : memref<2x4x208xf32, #tpu.memory_space<vmem>>, vector<16xf32>,
      %scatter3A_1466 = arith.constant 1 : i32
      %scatter3A_1467 = arith.constant 0 : i32
      %scatter3A_1468 = arith.constant 0 : i32
      %scatter3A_1469 = tpu.memref_slice %arg8[%scatter3A_1466, %scatter3A_1467, %scatter3A_1468] : memref<2x4x10050xf32, #tpu.memory_space<vmem>> -> memref<1x4x10050xf32, #tpu.memory_space<vmem>>
      %scatter3A_1470 = tpu.memref_squeeze %scatter3A_1469 : memref<1x4x10050xf32, #tpu.memory_space<vmem>> -> memref<4x10050xf32, #tpu.memory_space<vmem>>
      tpu.vector_store_idx %scatter3A_1470[%broadcast_in_dim3A_1380, %get3A_1459], %get3A_1465 {add = true} : memref<4x10050xf32, #tpu.memory_space<vmem>>[vector<16xi32>, vector<16xi32>], vector<16xf32>,
      %get3A_1471 = arith.constant 1 : i32
      %get3A_1472 = arith.index_cast %get3A_1471 : i32 to index
      %get3A_1473 = arith.constant 96 : index
      %get3A_1474 = tpu.vector_load %arg6[%get3A_1472, %get3A_1473] {strides = array<i32>} : memref<2x208xi32, #tpu.memory_space<vmem>>, vector<16xi32>,
      %get3A_1475 = arith.constant 1 : i32
      %get3A_1476 = arith.constant 2 : i32
      %get3A_1477 = arith.index_cast %get3A_1475 : i32 to index
      %get3A_1478 = arith.index_cast %get3A_1476 : i32 to index
      %get3A_1479 = arith.constant 96 : index
      %get3A_1480 = tpu.vector_load %arg7[%get3A_1477, %get3A_1478, %get3A_1479] {strides = array<i32>} : memref<2x4x208xf32, #tpu.memory_space<vmem>>, vector<16xf32>,
      %scatter3A_1481 = arith.constant 1 : i32
      %scatter3A_1482 = arith.constant 0 : i32
      %scatter3A_1483 = arith.constant 0 : i32
      %scatter3A_1484 = tpu.memref_slice %arg8[%scatter3A_1481, %scatter3A_1482, %scatter3A_1483] : memref<2x4x10050xf32, #tpu.memory_space<vmem>> -> memref<1x4x10050xf32, #tpu.memory_space<vmem>>
      %scatter3A_1485 = tpu.memref_squeeze %scatter3A_1484 : memref<1x4x10050xf32, #tpu.memory_space<vmem>> -> memref<4x10050xf32, #tpu.memory_space<vmem>>
      tpu.vector_store_idx %scatter3A_1485[%broadcast_in_dim3A_1380, %get3A_1474], %get3A_1480 {add = true} : memref<4x10050xf32, #tpu.memory_space<vmem>>[vector<16xi32>, vector<16xi32>], vector<16xf32>,
      %get3A_1486 = arith.constant 1 : i32
      %get3A_1487 = arith.index_cast %get3A_1486 : i32 to index
      %get3A_1488 = arith.constant 112 : index
      %get3A_1489 = tpu.vector_load %arg6[%get3A_1487, %get3A_1488] {strides = array<i32>} : memref<2x208xi32, #tpu.memory_space<vmem>>, vector<16xi32>,
      %get3A_1490 = arith.constant 1 : i32
      %get3A_1491 = arith.constant 2 : i32
      %get3A_1492 = arith.index_cast %get3A_1490 : i32 to index
      %get3A_1493 = arith.index_cast %get3A_1491 : i32 to index
      %get3A_1494 = arith.constant 112 : index
      %get3A_1495 = tpu.vector_load %arg7[%get3A_1492, %get3A_1493, %get3A_1494] {strides = array<i32>} : memref<2x4x208xf32, #tpu.memory_space<vmem>>, vector<16xf32>,
      %scatter3A_1496 = arith.constant 1 : i32
      %scatter3A_1497 = arith.constant 0 : i32
      %scatter3A_1498 = arith.constant 0 : i32
      %scatter3A_1499 = tpu.memref_slice %arg8[%scatter3A_1496, %scatter3A_1497, %scatter3A_1498] : memref<2x4x10050xf32, #tpu.memory_space<vmem>> -> memref<1x4x10050xf32, #tpu.memory_space<vmem>>
      %scatter3A_1500 = tpu.memref_squeeze %scatter3A_1499 : memref<1x4x10050xf32, #tpu.memory_space<vmem>> -> memref<4x10050xf32, #tpu.memory_space<vmem>>
      tpu.vector_store_idx %scatter3A_1500[%broadcast_in_dim3A_1380, %get3A_1489], %get3A_1495 {add = true} : memref<4x10050xf32, #tpu.memory_space<vmem>>[vector<16xi32>, vector<16xi32>], vector<16xf32>,
      %get3A_1501 = arith.constant 1 : i32
      %get3A_1502 = arith.index_cast %get3A_1501 : i32 to index
      %get3A_1503 = arith.constant 128 : index
      %get3A_1504 = tpu.vector_load %arg6[%get3A_1502, %get3A_1503] {strides = array<i32>} : memref<2x208xi32, #tpu.memory_space<vmem>>, vector<16xi32>,
      %get3A_1505 = arith.constant 1 : i32
      %get3A_1506 = arith.constant 2 : i32
      %get3A_1507 = arith.index_cast %get3A_1505 : i32 to index
      %get3A_1508 = arith.index_cast %get3A_1506 : i32 to index
      %get3A_1509 = arith.constant 128 : index
      %get3A_1510 = tpu.vector_load %arg7[%get3A_1507, %get3A_1508, %get3A_1509] {strides = array<i32>} : memref<2x4x208xf32, #tpu.memory_space<vmem>>, vector<16xf32>,
      %scatter3A_1511 = arith.constant 1 : i32
      %scatter3A_1512 = arith.constant 0 : i32
      %scatter3A_1513 = arith.constant 0 : i32
      %scatter3A_1514 = tpu.memref_slice %arg8[%scatter3A_1511, %scatter3A_1512, %scatter3A_1513] : memref<2x4x10050xf32, #tpu.memory_space<vmem>> -> memref<1x4x10050xf32, #tpu.memory_space<vmem>>
      %scatter3A_1515 = tpu.memref_squeeze %scatter3A_1514 : memref<1x4x10050xf32, #tpu.memory_space<vmem>> -> memref<4x10050xf32, #tpu.memory_space<vmem>>
      tpu.vector_store_idx %scatter3A_1515[%broadcast_in_dim3A_1380, %get3A_1504], %get3A_1510 {add = true} : memref<4x10050xf32, #tpu.memory_space<vmem>>[vector<16xi32>, vector<16xi32>], vector<16xf32>,
      %get3A_1516 = arith.constant 1 : i32
      %get3A_1517 = arith.index_cast %get3A_1516 : i32 to index
      %get3A_1518 = arith.constant 144 : index
      %get3A_1519 = tpu.vector_load %arg6[%get3A_1517, %get3A_1518] {strides = array<i32>} : memref<2x208xi32, #tpu.memory_space<vmem>>, vector<16xi32>,
      %get3A_1520 = arith.constant 1 : i32
      %get3A_1521 = arith.constant 2 : i32
      %get3A_1522 = arith.index_cast %get3A_1520 : i32 to index
      %get3A_1523 = arith.index_cast %get3A_1521 : i32 to index
      %get3A_1524 = arith.constant 144 : index
      %get3A_1525 = tpu.vector_load %arg7[%get3A_1522, %get3A_1523, %get3A_1524] {strides = array<i32>} : memref<2x4x208xf32, #tpu.memory_space<vmem>>, vector<16xf32>,
      %scatter3A_1526 = arith.constant 1 : i32
      %scatter3A_1527 = arith.constant 0 : i32
      %scatter3A_1528 = arith.constant 0 : i32
      %scatter3A_1529 = tpu.memref_slice %arg8[%scatter3A_1526, %scatter3A_1527, %scatter3A_1528] : memref<2x4x10050xf32, #tpu.memory_space<vmem>> -> memref<1x4x10050xf32, #tpu.memory_space<vmem>>
      %scatter3A_1530 = tpu.memref_squeeze %scatter3A_1529 : memref<1x4x10050xf32, #tpu.memory_space<vmem>> -> memref<4x10050xf32, #tpu.memory_space<vmem>>
      tpu.vector_store_idx %scatter3A_1530[%broadcast_in_dim3A_1380, %get3A_1519], %get3A_1525 {add = true} : memref<4x10050xf32, #tpu.memory_space<vmem>>[vector<16xi32>, vector<16xi32>], vector<16xf32>,
      %get3A_1531 = arith.constant 1 : i32
      %get3A_1532 = arith.index_cast %get3A_1531 : i32 to index
      %get3A_1533 = arith.constant 160 : index
      %get3A_1534 = tpu.vector_load %arg6[%get3A_1532, %get3A_1533] {strides = array<i32>} : memref<2x208xi32, #tpu.memory_space<vmem>>, vector<16xi32>,
      %get3A_1535 = arith.constant 1 : i32
      %get3A_1536 = arith.constant 2 : i32
      %get3A_1537 = arith.index_cast %get3A_1535 : i32 to index
      %get3A_1538 = arith.index_cast %get3A_1536 : i32 to index
      %get3A_1539 = arith.constant 160 : index
      %get3A_1540 = tpu.vector_load %arg7[%get3A_1537, %get3A_1538, %get3A_1539] {strides = array<i32>} : memref<2x4x208xf32, #tpu.memory_space<vmem>>, vector<16xf32>,
      %scatter3A_1541 = arith.constant 1 : i32
      %scatter3A_1542 = arith.constant 0 : i32
      %scatter3A_1543 = arith.constant 0 : i32
      %scatter3A_1544 = tpu.memref_slice %arg8[%scatter3A_1541, %scatter3A_1542, %scatter3A_1543] : memref<2x4x10050xf32, #tpu.memory_space<vmem>> -> memref<1x4x10050xf32, #tpu.memory_space<vmem>>
      %scatter3A_1545 = tpu.memref_squeeze %scatter3A_1544 : memref<1x4x10050xf32, #tpu.memory_space<vmem>> -> memref<4x10050xf32, #tpu.memory_space<vmem>>
      tpu.vector_store_idx %scatter3A_1545[%broadcast_in_dim3A_1380, %get3A_1534], %get3A_1540 {add = true} : memref<4x10050xf32, #tpu.memory_space<vmem>>[vector<16xi32>, vector<16xi32>], vector<16xf32>,
      %get3A_1546 = arith.constant 1 : i32
      %get3A_1547 = arith.index_cast %get3A_1546 : i32 to index
      %get3A_1548 = arith.constant 176 : index
      %get3A_1549 = tpu.vector_load %arg6[%get3A_1547, %get3A_1548] {strides = array<i32>} : memref<2x208xi32, #tpu.memory_space<vmem>>, vector<16xi32>,
      %get3A_1550 = arith.constant 1 : i32
      %get3A_1551 = arith.constant 2 : i32
      %get3A_1552 = arith.index_cast %get3A_1550 : i32 to index
      %get3A_1553 = arith.index_cast %get3A_1551 : i32 to index
      %get3A_1554 = arith.constant 176 : index
      %get3A_1555 = tpu.vector_load %arg7[%get3A_1552, %get3A_1553, %get3A_1554] {strides = array<i32>} : memref<2x4x208xf32, #tpu.memory_space<vmem>>, vector<16xf32>,
      %scatter3A_1556 = arith.constant 1 : i32
      %scatter3A_1557 = arith.constant 0 : i32
      %scatter3A_1558 = arith.constant 0 : i32
      %scatter3A_1559 = tpu.memref_slice %arg8[%scatter3A_1556, %scatter3A_1557, %scatter3A_1558] : memref<2x4x10050xf32, #tpu.memory_space<vmem>> -> memref<1x4x10050xf32, #tpu.memory_space<vmem>>
      %scatter3A_1560 = tpu.memref_squeeze %scatter3A_1559 : memref<1x4x10050xf32, #tpu.memory_space<vmem>> -> memref<4x10050xf32, #tpu.memory_space<vmem>>
      tpu.vector_store_idx %scatter3A_1560[%broadcast_in_dim3A_1380, %get3A_1549], %get3A_1555 {add = true} : memref<4x10050xf32, #tpu.memory_space<vmem>>[vector<16xi32>, vector<16xi32>], vector<16xf32>,
      %get3A_1561 = arith.constant 1 : i32
      %get3A_1562 = arith.index_cast %get3A_1561 : i32 to index
      %get3A_1563 = arith.constant 192 : index
      %get3A_1564 = tpu.vector_load %arg6[%get3A_1562, %get3A_1563] {strides = array<i32>} : memref<2x208xi32, #tpu.memory_space<vmem>>, vector<16xi32>,
      %get3A_1565 = arith.constant 1 : i32
      %get3A_1566 = arith.constant 2 : i32
      %get3A_1567 = arith.index_cast %get3A_1565 : i32 to index
      %get3A_1568 = arith.index_cast %get3A_1566 : i32 to index
      %get3A_1569 = arith.constant 192 : index
      %get3A_1570 = tpu.vector_load %arg7[%get3A_1567, %get3A_1568, %get3A_1569] {strides = array<i32>} : memref<2x4x208xf32, #tpu.memory_space<vmem>>, vector<16xf32>,
      %scatter3A_1571 = arith.constant 1 : i32
      %scatter3A_1572 = arith.constant 0 : i32
      %scatter3A_1573 = arith.constant 0 : i32
      %scatter3A_1574 = tpu.memref_slice %arg8[%scatter3A_1571, %scatter3A_1572, %scatter3A_1573] : memref<2x4x10050xf32, #tpu.memory_space<vmem>> -> memref<1x4x10050xf32, #tpu.memory_space<vmem>>
      %scatter3A_1575 = tpu.memref_squeeze %scatter3A_1574 : memref<1x4x10050xf32, #tpu.memory_space<vmem>> -> memref<4x10050xf32, #tpu.memory_space<vmem>>
      tpu.vector_store_idx %scatter3A_1575[%broadcast_in_dim3A_1380, %get3A_1564], %get3A_1570 {add = true} : memref<4x10050xf32, #tpu.memory_space<vmem>>[vector<16xi32>, vector<16xi32>], vector<16xf32>,
      %broadcast_in_dim3A_1576 = arith.constant 3 : i32
      %broadcast_in_dim3A_1577 = vector.broadcast %broadcast_in_dim3A_1576 : i32 to vector<16xi32>
      %get3A_1578 = arith.constant 1 : i32
      %get3A_1579 = arith.index_cast %get3A_1578 : i32 to index
      %get3A_1580 = arith.constant 0 : index
      %get3A_1581 = tpu.vector_load %arg6[%get3A_1579, %get3A_1580] {strides = array<i32>} : memref<2x208xi32, #tpu.memory_space<vmem>>, vector<16xi32>,
      %get3A_1582 = arith.constant 1 : i32
      %get3A_1583 = arith.constant 3 : i32
      %get3A_1584 = arith.index_cast %get3A_1582 : i32 to index
      %get3A_1585 = arith.index_cast %get3A_1583 : i32 to index
      %get3A_1586 = arith.constant 0 : index
      %get3A_1587 = tpu.vector_load %arg7[%get3A_1584, %get3A_1585, %get3A_1586] {strides = array<i32>} : memref<2x4x208xf32, #tpu.memory_space<vmem>>, vector<16xf32>,
      %scatter3A_1588 = arith.constant 1 : i32
      %scatter3A_1589 = arith.constant 0 : i32
      %scatter3A_1590 = arith.constant 0 : i32
      %scatter3A_1591 = tpu.memref_slice %arg8[%scatter3A_1588, %scatter3A_1589, %scatter3A_1590] : memref<2x4x10050xf32, #tpu.memory_space<vmem>> -> memref<1x4x10050xf32, #tpu.memory_space<vmem>>
      %scatter3A_1592 = tpu.memref_squeeze %scatter3A_1591 : memref<1x4x10050xf32, #tpu.memory_space<vmem>> -> memref<4x10050xf32, #tpu.memory_space<vmem>>
      tpu.vector_store_idx %scatter3A_1592[%broadcast_in_dim3A_1577, %get3A_1581], %get3A_1587 {add = true} : memref<4x10050xf32, #tpu.memory_space<vmem>>[vector<16xi32>, vector<16xi32>], vector<16xf32>,
      %get3A_1593 = arith.constant 1 : i32
      %get3A_1594 = arith.index_cast %get3A_1593 : i32 to index
      %get3A_1595 = arith.constant 16 : index
      %get3A_1596 = tpu.vector_load %arg6[%get3A_1594, %get3A_1595] {strides = array<i32>} : memref<2x208xi32, #tpu.memory_space<vmem>>, vector<16xi32>,
      %get3A_1597 = arith.constant 1 : i32
      %get3A_1598 = arith.constant 3 : i32
      %get3A_1599 = arith.index_cast %get3A_1597 : i32 to index
      %get3A_1600 = arith.index_cast %get3A_1598 : i32 to index
      %get3A_1601 = arith.constant 16 : index
      %get3A_1602 = tpu.vector_load %arg7[%get3A_1599, %get3A_1600, %get3A_1601] {strides = array<i32>} : memref<2x4x208xf32, #tpu.memory_space<vmem>>, vector<16xf32>,
      %scatter3A_1603 = arith.constant 1 : i32
      %scatter3A_1604 = arith.constant 0 : i32
      %scatter3A_1605 = arith.constant 0 : i32
      %scatter3A_1606 = tpu.memref_slice %arg8[%scatter3A_1603, %scatter3A_1604, %scatter3A_1605] : memref<2x4x10050xf32, #tpu.memory_space<vmem>> -> memref<1x4x10050xf32, #tpu.memory_space<vmem>>
      %scatter3A_1607 = tpu.memref_squeeze %scatter3A_1606 : memref<1x4x10050xf32, #tpu.memory_space<vmem>> -> memref<4x10050xf32, #tpu.memory_space<vmem>>
      tpu.vector_store_idx %scatter3A_1607[%broadcast_in_dim3A_1577, %get3A_1596], %get3A_1602 {add = true} : memref<4x10050xf32, #tpu.memory_space<vmem>>[vector<16xi32>, vector<16xi32>], vector<16xf32>,
      %get3A_1608 = arith.constant 1 : i32
      %get3A_1609 = arith.index_cast %get3A_1608 : i32 to index
      %get3A_1610 = arith.constant 32 : index
      %get3A_1611 = tpu.vector_load %arg6[%get3A_1609, %get3A_1610] {strides = array<i32>} : memref<2x208xi32, #tpu.memory_space<vmem>>, vector<16xi32>,
      %get3A_1612 = arith.constant 1 : i32
      %get3A_1613 = arith.constant 3 : i32
      %get3A_1614 = arith.index_cast %get3A_1612 : i32 to index
      %get3A_1615 = arith.index_cast %get3A_1613 : i32 to index
      %get3A_1616 = arith.constant 32 : index
      %get3A_1617 = tpu.vector_load %arg7[%get3A_1614, %get3A_1615, %get3A_1616] {strides = array<i32>} : memref<2x4x208xf32, #tpu.memory_space<vmem>>, vector<16xf32>,
      %scatter3A_1618 = arith.constant 1 : i32
      %scatter3A_1619 = arith.constant 0 : i32
      %scatter3A_1620 = arith.constant 0 : i32
      %scatter3A_1621 = tpu.memref_slice %arg8[%scatter3A_1618, %scatter3A_1619, %scatter3A_1620] : memref<2x4x10050xf32, #tpu.memory_space<vmem>> -> memref<1x4x10050xf32, #tpu.memory_space<vmem>>
      %scatter3A_1622 = tpu.memref_squeeze %scatter3A_1621 : memref<1x4x10050xf32, #tpu.memory_space<vmem>> -> memref<4x10050xf32, #tpu.memory_space<vmem>>
      tpu.vector_store_idx %scatter3A_1622[%broadcast_in_dim3A_1577, %get3A_1611], %get3A_1617 {add = true} : memref<4x10050xf32, #tpu.memory_space<vmem>>[vector<16xi32>, vector<16xi32>], vector<16xf32>,
      %get3A_1623 = arith.constant 1 : i32
      %get3A_1624 = arith.index_cast %get3A_1623 : i32 to index
      %get3A_1625 = arith.constant 48 : index
      %get3A_1626 = tpu.vector_load %arg6[%get3A_1624, %get3A_1625] {strides = array<i32>} : memref<2x208xi32, #tpu.memory_space<vmem>>, vector<16xi32>,
      %get3A_1627 = arith.constant 1 : i32
      %get3A_1628 = arith.constant 3 : i32
      %get3A_1629 = arith.index_cast %get3A_1627 : i32 to index
      %get3A_1630 = arith.index_cast %get3A_1628 : i32 to index
      %get3A_1631 = arith.constant 48 : index
      %get3A_1632 = tpu.vector_load %arg7[%get3A_1629, %get3A_1630, %get3A_1631] {strides = array<i32>} : memref<2x4x208xf32, #tpu.memory_space<vmem>>, vector<16xf32>,
      %scatter3A_1633 = arith.constant 1 : i32
      %scatter3A_1634 = arith.constant 0 : i32
      %scatter3A_1635 = arith.constant 0 : i32
      %scatter3A_1636 = tpu.memref_slice %arg8[%scatter3A_1633, %scatter3A_1634, %scatter3A_1635] : memref<2x4x10050xf32, #tpu.memory_space<vmem>> -> memref<1x4x10050xf32, #tpu.memory_space<vmem>>
      %scatter3A_1637 = tpu.memref_squeeze %scatter3A_1636 : memref<1x4x10050xf32, #tpu.memory_space<vmem>> -> memref<4x10050xf32, #tpu.memory_space<vmem>>
      tpu.vector_store_idx %scatter3A_1637[%broadcast_in_dim3A_1577, %get3A_1626], %get3A_1632 {add = true} : memref<4x10050xf32, #tpu.memory_space<vmem>>[vector<16xi32>, vector<16xi32>], vector<16xf32>,
      %get3A_1638 = arith.constant 1 : i32
      %get3A_1639 = arith.index_cast %get3A_1638 : i32 to index
      %get3A_1640 = arith.constant 64 : index
      %get3A_1641 = tpu.vector_load %arg6[%get3A_1639, %get3A_1640] {strides = array<i32>} : memref<2x208xi32, #tpu.memory_space<vmem>>, vector<16xi32>,
      %get3A_1642 = arith.constant 1 : i32
      %get3A_1643 = arith.constant 3 : i32
      %get3A_1644 = arith.index_cast %get3A_1642 : i32 to index
      %get3A_1645 = arith.index_cast %get3A_1643 : i32 to index
      %get3A_1646 = arith.constant 64 : index
      %get3A_1647 = tpu.vector_load %arg7[%get3A_1644, %get3A_1645, %get3A_1646] {strides = array<i32>} : memref<2x4x208xf32, #tpu.memory_space<vmem>>, vector<16xf32>,
      %scatter3A_1648 = arith.constant 1 : i32
      %scatter3A_1649 = arith.constant 0 : i32
      %scatter3A_1650 = arith.constant 0 : i32
      %scatter3A_1651 = tpu.memref_slice %arg8[%scatter3A_1648, %scatter3A_1649, %scatter3A_1650] : memref<2x4x10050xf32, #tpu.memory_space<vmem>> -> memref<1x4x10050xf32, #tpu.memory_space<vmem>>
      %scatter3A_1652 = tpu.memref_squeeze %scatter3A_1651 : memref<1x4x10050xf32, #tpu.memory_space<vmem>> -> memref<4x10050xf32, #tpu.memory_space<vmem>>
      tpu.vector_store_idx %scatter3A_1652[%broadcast_in_dim3A_1577, %get3A_1641], %get3A_1647 {add = true} : memref<4x10050xf32, #tpu.memory_space<vmem>>[vector<16xi32>, vector<16xi32>], vector<16xf32>,
      %get3A_1653 = arith.constant 1 : i32
      %get3A_1654 = arith.index_cast %get3A_1653 : i32 to index
      %get3A_1655 = arith.constant 80 : index
      %get3A_1656 = tpu.vector_load %arg6[%get3A_1654, %get3A_1655] {strides = array<i32>} : memref<2x208xi32, #tpu.memory_space<vmem>>, vector<16xi32>,
      %get3A_1657 = arith.constant 1 : i32
      %get3A_1658 = arith.constant 3 : i32
      %get3A_1659 = arith.index_cast %get3A_1657 : i32 to index
      %get3A_1660 = arith.index_cast %get3A_1658 : i32 to index
      %get3A_1661 = arith.constant 80 : index
      %get3A_1662 = tpu.vector_load %arg7[%get3A_1659, %get3A_1660, %get3A_1661] {strides = array<i32>} : memref<2x4x208xf32, #tpu.memory_space<vmem>>, vector<16xf32>,
      %scatter3A_1663 = arith.constant 1 : i32
      %scatter3A_1664 = arith.constant 0 : i32
      %scatter3A_1665 = arith.constant 0 : i32
      %scatter3A_1666 = tpu.memref_slice %arg8[%scatter3A_1663, %scatter3A_1664, %scatter3A_1665] : memref<2x4x10050xf32, #tpu.memory_space<vmem>> -> memref<1x4x10050xf32, #tpu.memory_space<vmem>>
      %scatter3A_1667 = tpu.memref_squeeze %scatter3A_1666 : memref<1x4x10050xf32, #tpu.memory_space<vmem>> -> memref<4x10050xf32, #tpu.memory_space<vmem>>
      tpu.vector_store_idx %scatter3A_1667[%broadcast_in_dim3A_1577, %get3A_1656], %get3A_1662 {add = true} : memref<4x10050xf32, #tpu.memory_space<vmem>>[vector<16xi32>, vector<16xi32>], vector<16xf32>,
      %get3A_1668 = arith.constant 1 : i32
      %get3A_1669 = arith.index_cast %get3A_1668 : i32 to index
      %get3A_1670 = arith.constant 96 : index
      %get3A_1671 = tpu.vector_load %arg6[%get3A_1669, %get3A_1670] {strides = array<i32>} : memref<2x208xi32, #tpu.memory_space<vmem>>, vector<16xi32>,
      %get3A_1672 = arith.constant 1 : i32
      %get3A_1673 = arith.constant 3 : i32
      %get3A_1674 = arith.index_cast %get3A_1672 : i32 to index
      %get3A_1675 = arith.index_cast %get3A_1673 : i32 to index
      %get3A_1676 = arith.constant 96 : index
      %get3A_1677 = tpu.vector_load %arg7[%get3A_1674, %get3A_1675, %get3A_1676] {strides = array<i32>} : memref<2x4x208xf32, #tpu.memory_space<vmem>>, vector<16xf32>,
      %scatter3A_1678 = arith.constant 1 : i32
      %scatter3A_1679 = arith.constant 0 : i32
      %scatter3A_1680 = arith.constant 0 : i32
      %scatter3A_1681 = tpu.memref_slice %arg8[%scatter3A_1678, %scatter3A_1679, %scatter3A_1680] : memref<2x4x10050xf32, #tpu.memory_space<vmem>> -> memref<1x4x10050xf32, #tpu.memory_space<vmem>>
      %scatter3A_1682 = tpu.memref_squeeze %scatter3A_1681 : memref<1x4x10050xf32, #tpu.memory_space<vmem>> -> memref<4x10050xf32, #tpu.memory_space<vmem>>
      tpu.vector_store_idx %scatter3A_1682[%broadcast_in_dim3A_1577, %get3A_1671], %get3A_1677 {add = true} : memref<4x10050xf32, #tpu.memory_space<vmem>>[vector<16xi32>, vector<16xi32>], vector<16xf32>,
      %get3A_1683 = arith.constant 1 : i32
      %get3A_1684 = arith.index_cast %get3A_1683 : i32 to index
      %get3A_1685 = arith.constant 112 : index
      %get3A_1686 = tpu.vector_load %arg6[%get3A_1684, %get3A_1685] {strides = array<i32>} : memref<2x208xi32, #tpu.memory_space<vmem>>, vector<16xi32>,
      %get3A_1687 = arith.constant 1 : i32
      %get3A_1688 = arith.constant 3 : i32
      %get3A_1689 = arith.index_cast %get3A_1687 : i32 to index
      %get3A_1690 = arith.index_cast %get3A_1688 : i32 to index
      %get3A_1691 = arith.constant 112 : index
      %get3A_1692 = tpu.vector_load %arg7[%get3A_1689, %get3A_1690, %get3A_1691] {strides = array<i32>} : memref<2x4x208xf32, #tpu.memory_space<vmem>>, vector<16xf32>,
      %scatter3A_1693 = arith.constant 1 : i32
      %scatter3A_1694 = arith.constant 0 : i32
      %scatter3A_1695 = arith.constant 0 : i32
      %scatter3A_1696 = tpu.memref_slice %arg8[%scatter3A_1693, %scatter3A_1694, %scatter3A_1695] : memref<2x4x10050xf32, #tpu.memory_space<vmem>> -> memref<1x4x10050xf32, #tpu.memory_space<vmem>>
      %scatter3A_1697 = tpu.memref_squeeze %scatter3A_1696 : memref<1x4x10050xf32, #tpu.memory_space<vmem>> -> memref<4x10050xf32, #tpu.memory_space<vmem>>
      tpu.vector_store_idx %scatter3A_1697[%broadcast_in_dim3A_1577, %get3A_1686], %get3A_1692 {add = true} : memref<4x10050xf32, #tpu.memory_space<vmem>>[vector<16xi32>, vector<16xi32>], vector<16xf32>,
      %get3A_1698 = arith.constant 1 : i32
      %get3A_1699 = arith.index_cast %get3A_1698 : i32 to index
      %get3A_1700 = arith.constant 128 : index
      %get3A_1701 = tpu.vector_load %arg6[%get3A_1699, %get3A_1700] {strides = array<i32>} : memref<2x208xi32, #tpu.memory_space<vmem>>, vector<16xi32>,
      %get3A_1702 = arith.constant 1 : i32
      %get3A_1703 = arith.constant 3 : i32
      %get3A_1704 = arith.index_cast %get3A_1702 : i32 to index
      %get3A_1705 = arith.index_cast %get3A_1703 : i32 to index
      %get3A_1706 = arith.constant 128 : index
      %get3A_1707 = tpu.vector_load %arg7[%get3A_1704, %get3A_1705, %get3A_1706] {strides = array<i32>} : memref<2x4x208xf32, #tpu.memory_space<vmem>>, vector<16xf32>,
      %scatter3A_1708 = arith.constant 1 : i32
      %scatter3A_1709 = arith.constant 0 : i32
      %scatter3A_1710 = arith.constant 0 : i32
      %scatter3A_1711 = tpu.memref_slice %arg8[%scatter3A_1708, %scatter3A_1709, %scatter3A_1710] : memref<2x4x10050xf32, #tpu.memory_space<vmem>> -> memref<1x4x10050xf32, #tpu.memory_space<vmem>>
      %scatter3A_1712 = tpu.memref_squeeze %scatter3A_1711 : memref<1x4x10050xf32, #tpu.memory_space<vmem>> -> memref<4x10050xf32, #tpu.memory_space<vmem>>
      tpu.vector_store_idx %scatter3A_1712[%broadcast_in_dim3A_1577, %get3A_1701], %get3A_1707 {add = true} : memref<4x10050xf32, #tpu.memory_space<vmem>>[vector<16xi32>, vector<16xi32>], vector<16xf32>,
      %get3A_1713 = arith.constant 1 : i32
      %get3A_1714 = arith.index_cast %get3A_1713 : i32 to index
      %get3A_1715 = arith.constant 144 : index
      %get3A_1716 = tpu.vector_load %arg6[%get3A_1714, %get3A_1715] {strides = array<i32>} : memref<2x208xi32, #tpu.memory_space<vmem>>, vector<16xi32>,
      %get3A_1717 = arith.constant 1 : i32
      %get3A_1718 = arith.constant 3 : i32
      %get3A_1719 = arith.index_cast %get3A_1717 : i32 to index
      %get3A_1720 = arith.index_cast %get3A_1718 : i32 to index
      %get3A_1721 = arith.constant 144 : index
      %get3A_1722 = tpu.vector_load %arg7[%get3A_1719, %get3A_1720, %get3A_1721] {strides = array<i32>} : memref<2x4x208xf32, #tpu.memory_space<vmem>>, vector<16xf32>,
      %scatter3A_1723 = arith.constant 1 : i32
      %scatter3A_1724 = arith.constant 0 : i32
      %scatter3A_1725 = arith.constant 0 : i32
      %scatter3A_1726 = tpu.memref_slice %arg8[%scatter3A_1723, %scatter3A_1724, %scatter3A_1725] : memref<2x4x10050xf32, #tpu.memory_space<vmem>> -> memref<1x4x10050xf32, #tpu.memory_space<vmem>>
      %scatter3A_1727 = tpu.memref_squeeze %scatter3A_1726 : memref<1x4x10050xf32, #tpu.memory_space<vmem>> -> memref<4x10050xf32, #tpu.memory_space<vmem>>
      tpu.vector_store_idx %scatter3A_1727[%broadcast_in_dim3A_1577, %get3A_1716], %get3A_1722 {add = true} : memref<4x10050xf32, #tpu.memory_space<vmem>>[vector<16xi32>, vector<16xi32>], vector<16xf32>,
      %get3A_1728 = arith.constant 1 : i32
      %get3A_1729 = arith.index_cast %get3A_1728 : i32 to index
      %get3A_1730 = arith.constant 160 : index
      %get3A_1731 = tpu.vector_load %arg6[%get3A_1729, %get3A_1730] {strides = array<i32>} : memref<2x208xi32, #tpu.memory_space<vmem>>, vector<16xi32>,
      %get3A_1732 = arith.constant 1 : i32
      %get3A_1733 = arith.constant 3 : i32
      %get3A_1734 = arith.index_cast %get3A_1732 : i32 to index
      %get3A_1735 = arith.index_cast %get3A_1733 : i32 to index
      %get3A_1736 = arith.constant 160 : index
      %get3A_1737 = tpu.vector_load %arg7[%get3A_1734, %get3A_1735, %get3A_1736] {strides = array<i32>} : memref<2x4x208xf32, #tpu.memory_space<vmem>>, vector<16xf32>,
      %scatter3A_1738 = arith.constant 1 : i32
      %scatter3A_1739 = arith.constant 0 : i32
      %scatter3A_1740 = arith.constant 0 : i32
      %scatter3A_1741 = tpu.memref_slice %arg8[%scatter3A_1738, %scatter3A_1739, %scatter3A_1740] : memref<2x4x10050xf32, #tpu.memory_space<vmem>> -> memref<1x4x10050xf32, #tpu.memory_space<vmem>>
      %scatter3A_1742 = tpu.memref_squeeze %scatter3A_1741 : memref<1x4x10050xf32, #tpu.memory_space<vmem>> -> memref<4x10050xf32, #tpu.memory_space<vmem>>
      tpu.vector_store_idx %scatter3A_1742[%broadcast_in_dim3A_1577, %get3A_1731], %get3A_1737 {add = true} : memref<4x10050xf32, #tpu.memory_space<vmem>>[vector<16xi32>, vector<16xi32>], vector<16xf32>,
      %get3A_1743 = arith.constant 1 : i32
      %get3A_1744 = arith.index_cast %get3A_1743 : i32 to index
      %get3A_1745 = arith.constant 176 : index
      %get3A_1746 = tpu.vector_load %arg6[%get3A_1744, %get3A_1745] {strides = array<i32>} : memref<2x208xi32, #tpu.memory_space<vmem>>, vector<16xi32>,
      %get3A_1747 = arith.constant 1 : i32
      %get3A_1748 = arith.constant 3 : i32
      %get3A_1749 = arith.index_cast %get3A_1747 : i32 to index
      %get3A_1750 = arith.index_cast %get3A_1748 : i32 to index
      %get3A_1751 = arith.constant 176 : index
      %get3A_1752 = tpu.vector_load %arg7[%get3A_1749, %get3A_1750, %get3A_1751] {strides = array<i32>} : memref<2x4x208xf32, #tpu.memory_space<vmem>>, vector<16xf32>,
      %scatter3A_1753 = arith.constant 1 : i32
      %scatter3A_1754 = arith.constant 0 : i32
      %scatter3A_1755 = arith.constant 0 : i32
      %scatter3A_1756 = tpu.memref_slice %arg8[%scatter3A_1753, %scatter3A_1754, %scatter3A_1755] : memref<2x4x10050xf32, #tpu.memory_space<vmem>> -> memref<1x4x10050xf32, #tpu.memory_space<vmem>>
      %scatter3A_1757 = tpu.memref_squeeze %scatter3A_1756 : memref<1x4x10050xf32, #tpu.memory_space<vmem>> -> memref<4x10050xf32, #tpu.memory_space<vmem>>
      tpu.vector_store_idx %scatter3A_1757[%broadcast_in_dim3A_1577, %get3A_1746], %get3A_1752 {add = true} : memref<4x10050xf32, #tpu.memory_space<vmem>>[vector<16xi32>, vector<16xi32>], vector<16xf32>,
      %get3A_1758 = arith.constant 1 : i32
      %get3A_1759 = arith.index_cast %get3A_1758 : i32 to index
      %get3A_1760 = arith.constant 192 : index
      %get3A_1761 = tpu.vector_load %arg6[%get3A_1759, %get3A_1760] {strides = array<i32>} : memref<2x208xi32, #tpu.memory_space<vmem>>, vector<16xi32>,
      %get3A_1762 = arith.constant 1 : i32
      %get3A_1763 = arith.constant 3 : i32
      %get3A_1764 = arith.index_cast %get3A_1762 : i32 to index
      %get3A_1765 = arith.index_cast %get3A_1763 : i32 to index
      %get3A_1766 = arith.constant 192 : index
      %get3A_1767 = tpu.vector_load %arg7[%get3A_1764, %get3A_1765, %get3A_1766] {strides = array<i32>} : memref<2x4x208xf32, #tpu.memory_space<vmem>>, vector<16xf32>,
      %scatter3A_1768 = arith.constant 1 : i32
      %scatter3A_1769 = arith.constant 0 : i32
      %scatter3A_1770 = arith.constant 0 : i32
      %scatter3A_1771 = tpu.memref_slice %arg8[%scatter3A_1768, %scatter3A_1769, %scatter3A_1770] : memref<2x4x10050xf32, #tpu.memory_space<vmem>> -> memref<1x4x10050xf32, #tpu.memory_space<vmem>>
      %scatter3A_1772 = tpu.memref_squeeze %scatter3A_1771 : memref<1x4x10050xf32, #tpu.memory_space<vmem>> -> memref<4x10050xf32, #tpu.memory_space<vmem>>
      tpu.vector_store_idx %scatter3A_1772[%broadcast_in_dim3A_1577, %get3A_1761], %get3A_1767 {add = true} : memref<4x10050xf32, #tpu.memory_space<vmem>>[vector<16xi32>, vector<16xi32>], vector<16xf32>,
      %run_scoped3A_1773 = arith.constant 1 : i32
      "tpu.region"() ({
        %run_scoped3A_1774 = tpu.sem_alloc : memref<!tpu.dma_semaphore, #tpu.memory_space<semaphore_mem>>
        %dma_start3A_1775 = arith.constant 0 : i32
        %dma_start3A_1776 = arith.constant 0 : i32
        %dma_start3A_1777 = tpu.memref_slice %arg8[%run_scoped3A_1773, %dma_start3A_1775, %dma_start3A_1776] : memref<2x4x10050xf32, #tpu.memory_space<vmem>> -> memref<1x4x10050xf32, #tpu.memory_space<vmem>>
        %dma_start3A_1778 = tpu.memref_squeeze %dma_start3A_1777 : memref<1x4x10050xf32, #tpu.memory_space<vmem>> -> memref<4x10050xf32, #tpu.memory_space<vmem>>
        %dma_start3A_1779 = arith.constant 4 : i32
        %dma_start3A_1780 = arith.constant 0 : i32
        %dma_start3A_1781 = tpu.memref_slice %arg5[%add3A_55, %dma_start3A_1779, %dma_start3A_1780] : memref<1024x8x10050xf32, #tpu.memory_space<hbm>> -> memref<1x4x10050xf32, #tpu.memory_space<hbm>>
        %dma_start3A_1782 = tpu.memref_squeeze %dma_start3A_1781 : memref<1x4x10050xf32, #tpu.memory_space<hbm>> -> memref<4x10050xf32, #tpu.memory_space<hbm>>
        %dma_start3A_1783 = arith.constant 4 : i32
        %dma_start3A_1784 = arith.constant 0 : i32
        %dma_start3A_1785 = tpu.memref_slice %arg5[%add3A_55, %dma_start3A_1783, %dma_start3A_1784] : memref<1024x8x10050xf32, #tpu.memory_space<hbm>> -> memref<1x4x10050xf32, #tpu.memory_space<hbm>>
        %dma_start3A_1786 = tpu.memref_squeeze %dma_start3A_1785 : memref<1x4x10050xf32, #tpu.memory_space<hbm>> -> memref<4x10050xf32, #tpu.memory_space<hbm>>
        %dma_start3A_1787 = arith.constant 0 : i32
        %dma_start3A_1788 = arith.constant 0 : i32
        %dma_start3A_1789 = tpu.memref_slice %arg8[%run_scoped3A_1773, %dma_start3A_1787, %dma_start3A_1788] : memref<2x4x10050xf32, #tpu.memory_space<vmem>> -> memref<1x4x10050xf32, #tpu.memory_space<vmem>>
        %dma_start3A_1790 = tpu.memref_squeeze %dma_start3A_1789 : memref<1x4x10050xf32, #tpu.memory_space<vmem>> -> memref<4x10050xf32, #tpu.memory_space<vmem>>
        tpu.enqueue_dma source(%dma_start3A_1790 : memref<4x10050xf32, #tpu.memory_space<vmem>>) target(%dma_start3A_1786 : memref<4x10050xf32, #tpu.memory_space<hbm>>) target_semaphore(%run_scoped3A_1774 : memref<!tpu.dma_semaphore, #tpu.memory_space<semaphore_mem>>)
        %dma_wait3A_1791 = arith.constant 0 : i32
        %dma_wait3A_1792 = arith.constant 0 : i32
        %dma_wait3A_1793 = tpu.memref_slice %arg8[%run_scoped3A_1773, %dma_wait3A_1791, %dma_wait3A_1792] : memref<2x4x10050xf32, #tpu.memory_space<vmem>> -> memref<1x4x10050xf32, #tpu.memory_space<vmem>>
        %dma_wait3A_1794 = tpu.memref_squeeze %dma_wait3A_1793 : memref<1x4x10050xf32, #tpu.memory_space<vmem>> -> memref<4x10050xf32, #tpu.memory_space<vmem>>
        %dma_wait3A_1795 = arith.constant 4 : i32
        %dma_wait3A_1796 = arith.constant 0 : i32
        %dma_wait3A_1797 = tpu.memref_slice %arg5[%add3A_55, %dma_wait3A_1795, %dma_wait3A_1796] : memref<1024x8x10050xf32, #tpu.memory_space<hbm>> -> memref<1x4x10050xf32, #tpu.memory_space<hbm>>
        %dma_wait3A_1798 = tpu.memref_squeeze %dma_wait3A_1797 : memref<1x4x10050xf32, #tpu.memory_space<hbm>> -> memref<4x10050xf32, #tpu.memory_space<hbm>>
        %dma_wait3A_1799 = arith.constant 4 : i32
        %dma_wait3A_1800 = arith.constant 0 : i32
        %dma_wait3A_1801 = tpu.memref_slice %arg5[%add3A_55, %dma_wait3A_1799, %dma_wait3A_1800] : memref<1024x8x10050xf32, #tpu.memory_space<hbm>> -> memref<1x4x10050xf32, #tpu.memory_space<hbm>>
        %dma_wait3A_1802 = tpu.memref_squeeze %dma_wait3A_1801 : memref<1x4x10050xf32, #tpu.memory_space<hbm>> -> memref<4x10050xf32, #tpu.memory_space<hbm>>
        %dma_wait3A_1803 = arith.constant 0 : i32
        %dma_wait3A_1804 = arith.constant 0 : i32
        %dma_wait3A_1805 = tpu.memref_slice %arg8[%run_scoped3A_1773, %dma_wait3A_1803, %dma_wait3A_1804] : memref<2x4x10050xf32, #tpu.memory_space<vmem>> -> memref<1x4x10050xf32, #tpu.memory_space<vmem>>
        %dma_wait3A_1806 = tpu.memref_squeeze %dma_wait3A_1805 : memref<1x4x10050xf32, #tpu.memory_space<vmem>> -> memref<4x10050xf32, #tpu.memory_space<vmem>>
        tpu.wait_dma2 semaphore(%run_scoped3A_1774 : memref<!tpu.dma_semaphore, #tpu.memory_space<semaphore_mem>>) src(%dma_wait3A_1806 : memref<4x10050xf32, #tpu.memory_space<vmem>>) dst(%dma_wait3A_1802 : memref<4x10050xf32, #tpu.memory_space<hbm>>)
        tpu.yield
      }) : () -> ()
    }
    %scan3A_53 = arith.constant 32 : i32
    return
  }
}

#map = affine_map<(d0, d1) -> (0, 0)>
#map1 = affine_map<(d0, d1) -> (0, 0, 0)>
module attributes {stable_mosaic.version = 14 : i64} {
  func.func @_emb_gather_body(%arg0: i32, %arg1: i32, %arg2: memref<10000x128xf32, #tpu.memory_space<hbm>>, %arg3: memref<32x2x128xi32, #tpu.memory_space<hbm>>, %arg4: memref<8192x128xf32, #tpu.memory_space<hbm>>, %arg5: memref<2x128xi32, #tpu.memory_space<vmem>>, %arg6: memref<256x128xf32, #tpu.memory_space<vmem>>, %arg7: memref<!tpu.dma_semaphore, #tpu.memory_space<semaphore_mem>>) attributes {dimension_semantics = [#tpu.dimension_semantics<core_parallel>, #tpu.dimension_semantics<subcore_parallel>], iteration_bounds = array<i64: 2, 16>, scalar_prefetch = 0 : i64, scratch_operands = 3 : i64, tpu.core_type = #tpu.core_type<sc_vector_subcore>, window_params = [{transform_indices = #map}, {transform_indices = #map1}, {transform_indices = #map}]} {
    %mul3A = arith.constant 2 : i32
    %mul3A_0 = arith.muli %arg1, %mul3A : i32
    %add3A = arith.addi %mul3A_0, %arg0 : i32
    "tpu.region"() ({
      %run_scoped3A = tpu.sem_alloc : memref<!tpu.dma_semaphore, #tpu.memory_space<semaphore_mem>>
      %dma_start3A_41 = arith.constant 0 : i32
      %dma_start3A_42 = arith.constant 0 : i32
      %dma_start3A_43 = tpu.memref_slice %arg3[%add3A, %dma_start3A_41, %dma_start3A_42] : memref<32x2x128xi32, #tpu.memory_space<hbm>> -> memref<1x2x128xi32, #tpu.memory_space<hbm>>
      %dma_start3A_44 = tpu.memref_squeeze %dma_start3A_43 : memref<1x2x128xi32, #tpu.memory_space<hbm>> -> memref<2x128xi32, #tpu.memory_space<hbm>>
      %dma_start3A_45 = arith.constant 0 : i32
      %dma_start3A_46 = arith.constant 0 : i32
      %dma_start3A_47 = tpu.memref_slice %arg3[%add3A, %dma_start3A_45, %dma_start3A_46] : memref<32x2x128xi32, #tpu.memory_space<hbm>> -> memref<1x2x128xi32, #tpu.memory_space<hbm>>
      %dma_start3A_48 = tpu.memref_squeeze %dma_start3A_47 : memref<1x2x128xi32, #tpu.memory_space<hbm>> -> memref<2x128xi32, #tpu.memory_space<hbm>>
      tpu.enqueue_dma source(%dma_start3A_48 : memref<2x128xi32, #tpu.memory_space<hbm>>) target(%arg5 : memref<2x128xi32, #tpu.memory_space<vmem>>) target_semaphore(%run_scoped3A : memref<!tpu.dma_semaphore, #tpu.memory_space<semaphore_mem>>)
      %dma_wait3A_49 = arith.constant 0 : i32
      %dma_wait3A_50 = arith.constant 0 : i32
      %dma_wait3A_51 = tpu.memref_slice %arg3[%add3A, %dma_wait3A_49, %dma_wait3A_50] : memref<32x2x128xi32, #tpu.memory_space<hbm>> -> memref<1x2x128xi32, #tpu.memory_space<hbm>>
      %dma_wait3A_52 = tpu.memref_squeeze %dma_wait3A_51 : memref<1x2x128xi32, #tpu.memory_space<hbm>> -> memref<2x128xi32, #tpu.memory_space<hbm>>
      %dma_wait3A_53 = arith.constant 0 : i32
      %dma_wait3A_54 = arith.constant 0 : i32
      %dma_wait3A_55 = tpu.memref_slice %arg3[%add3A, %dma_wait3A_53, %dma_wait3A_54] : memref<32x2x128xi32, #tpu.memory_space<hbm>> -> memref<1x2x128xi32, #tpu.memory_space<hbm>>
      %dma_wait3A_56 = tpu.memref_squeeze %dma_wait3A_55 : memref<1x2x128xi32, #tpu.memory_space<hbm>> -> memref<2x128xi32, #tpu.memory_space<hbm>>
      tpu.wait_dma2 semaphore(%run_scoped3A : memref<!tpu.dma_semaphore, #tpu.memory_space<semaphore_mem>>) src(%dma_wait3A_56 : memref<2x128xi32, #tpu.memory_space<hbm>>) dst(%arg5 : memref<2x128xi32, #tpu.memory_space<vmem>>)
      tpu.yield
    }) : () -> ()
    %dma_start3A = arith.constant 0 : i32
    %dma_start3A_1 = arith.constant 0 : i32
    %dma_start3A_2 = arith.constant 0 : i32
    %dma_start3A_3 = tpu.memref_slice %arg6[%dma_start3A_1, %dma_start3A_2] : memref<256x128xf32, #tpu.memory_space<vmem>> -> memref<128x128xf32, #tpu.memory_space<vmem>>
    %dma_start3A_4 = arith.constant 0 : i32
    %dma_start3A_5 = tpu.memref_slice %arg5[%dma_start3A, %dma_start3A_4] : memref<2x128xi32, #tpu.memory_space<vmem>> -> memref<1x128xi32, #tpu.memory_space<vmem>>
    %dma_start3A_6 = tpu.memref_squeeze %dma_start3A_5 : memref<1x128xi32, #tpu.memory_space<vmem>> -> memref<128xi32, #tpu.memory_space<vmem>>
    %dma_start3A_7 = arith.constant 0 : i32
    %dma_start3A_8 = arith.constant 0 : i32
    %dma_start3A_9 = tpu.memref_slice %arg2[%dma_start3A_7, %dma_start3A_8] : memref<10000x128xf32, #tpu.memory_space<hbm>> -> memref<10000x128xf32, #tpu.memory_space<hbm>>
    tpu.enqueue_indirect_dma source(%dma_start3A_9 : memref<10000x128xf32, #tpu.memory_space<hbm>>) target(%dma_start3A_3 : memref<128x128xf32, #tpu.memory_space<vmem>>) offsets(%dma_start3A_6 : memref<128xi32, #tpu.memory_space<vmem>>) semaphore(%arg7 : memref<!tpu.dma_semaphore, #tpu.memory_space<semaphore_mem>>)
    %dma_wait3A = arith.constant 0 : i32
    %dma_wait3A_10 = arith.constant 0 : i32
    %dma_wait3A_11 = arith.constant 0 : i32
    %dma_wait3A_12 = tpu.memref_slice %arg6[%dma_wait3A_10, %dma_wait3A_11] : memref<256x128xf32, #tpu.memory_space<vmem>> -> memref<128x128xf32, #tpu.memory_space<vmem>>
    %dma_wait3A_13 = arith.constant 0 : i32
    %dma_wait3A_14 = tpu.memref_slice %arg5[%dma_wait3A, %dma_wait3A_13] : memref<2x128xi32, #tpu.memory_space<vmem>> -> memref<1x128xi32, #tpu.memory_space<vmem>>
    %dma_wait3A_15 = tpu.memref_squeeze %dma_wait3A_14 : memref<1x128xi32, #tpu.memory_space<vmem>> -> memref<128xi32, #tpu.memory_space<vmem>>
    %dma_wait3A_16 = arith.constant 0 : i32
    %dma_wait3A_17 = arith.constant 0 : i32
    %dma_wait3A_18 = tpu.memref_slice %arg2[%dma_wait3A_16, %dma_wait3A_17] : memref<10000x128xf32, #tpu.memory_space<hbm>> -> memref<10000x128xf32, #tpu.memory_space<hbm>>
    tpu.wait_indirect_dma semaphore(%arg7 : memref<!tpu.dma_semaphore, #tpu.memory_space<semaphore_mem>>) src(%dma_wait3A_18 : memref<10000x128xf32, #tpu.memory_space<hbm>>) dst(%dma_wait3A_12 : memref<128x128xf32, #tpu.memory_space<vmem>>)
    %dma_start3A_19 = arith.constant 1 : i32
    %dma_start3A_20 = arith.constant 128 : i32
    %dma_start3A_21 = arith.constant 0 : i32
    %dma_start3A_22 = tpu.memref_slice %arg6[%dma_start3A_20, %dma_start3A_21] : memref<256x128xf32, #tpu.memory_space<vmem>> -> memref<128x128xf32, #tpu.memory_space<vmem>>
    %dma_start3A_23 = arith.constant 0 : i32
    %dma_start3A_24 = tpu.memref_slice %arg5[%dma_start3A_19, %dma_start3A_23] : memref<2x128xi32, #tpu.memory_space<vmem>> -> memref<1x128xi32, #tpu.memory_space<vmem>>
    %dma_start3A_25 = tpu.memref_squeeze %dma_start3A_24 : memref<1x128xi32, #tpu.memory_space<vmem>> -> memref<128xi32, #tpu.memory_space<vmem>>
    %dma_start3A_26 = arith.constant 0 : i32
    %dma_start3A_27 = arith.constant 0 : i32
    %dma_start3A_28 = tpu.memref_slice %arg2[%dma_start3A_26, %dma_start3A_27] : memref<10000x128xf32, #tpu.memory_space<hbm>> -> memref<10000x128xf32, #tpu.memory_space<hbm>>
    tpu.enqueue_indirect_dma source(%dma_start3A_28 : memref<10000x128xf32, #tpu.memory_space<hbm>>) target(%dma_start3A_22 : memref<128x128xf32, #tpu.memory_space<vmem>>) offsets(%dma_start3A_25 : memref<128xi32, #tpu.memory_space<vmem>>) semaphore(%arg7 : memref<!tpu.dma_semaphore, #tpu.memory_space<semaphore_mem>>)
    %dma_wait3A_29 = arith.constant 1 : i32
    %dma_wait3A_30 = arith.constant 128 : i32
    %dma_wait3A_31 = arith.constant 0 : i32
    %dma_wait3A_32 = tpu.memref_slice %arg6[%dma_wait3A_30, %dma_wait3A_31] : memref<256x128xf32, #tpu.memory_space<vmem>> -> memref<128x128xf32, #tpu.memory_space<vmem>>
    %dma_wait3A_33 = arith.constant 0 : i32
    %dma_wait3A_34 = tpu.memref_slice %arg5[%dma_wait3A_29, %dma_wait3A_33] : memref<2x128xi32, #tpu.memory_space<vmem>> -> memref<1x128xi32, #tpu.memory_space<vmem>>
    %dma_wait3A_35 = tpu.memref_squeeze %dma_wait3A_34 : memref<1x128xi32, #tpu.memory_space<vmem>> -> memref<128xi32, #tpu.memory_space<vmem>>
    %dma_wait3A_36 = arith.constant 0 : i32
    %dma_wait3A_37 = arith.constant 0 : i32
    %dma_wait3A_38 = tpu.memref_slice %arg2[%dma_wait3A_36, %dma_wait3A_37] : memref<10000x128xf32, #tpu.memory_space<hbm>> -> memref<10000x128xf32, #tpu.memory_space<hbm>>
    tpu.wait_indirect_dma semaphore(%arg7 : memref<!tpu.dma_semaphore, #tpu.memory_space<semaphore_mem>>) src(%dma_wait3A_38 : memref<10000x128xf32, #tpu.memory_space<hbm>>) dst(%dma_wait3A_32 : memref<128x128xf32, #tpu.memory_space<vmem>>)
    %mul3A_39 = arith.constant 256 : i32
    %mul3A_40 = arith.muli %add3A, %mul3A_39 : i32
    "tpu.region"() ({
      %run_scoped3A = tpu.sem_alloc : memref<!tpu.dma_semaphore, #tpu.memory_space<semaphore_mem>>
      %dma_start3A_41 = arith.constant 0 : i32
      %dma_start3A_42 = tpu.memref_slice %arg4[%mul3A_40, %dma_start3A_41] : memref<8192x128xf32, #tpu.memory_space<hbm>> -> memref<256x128xf32, #tpu.memory_space<hbm>>
      %dma_start3A_43 = arith.constant 0 : i32
      %dma_start3A_44 = tpu.memref_slice %arg4[%mul3A_40, %dma_start3A_43] : memref<8192x128xf32, #tpu.memory_space<hbm>> -> memref<256x128xf32, #tpu.memory_space<hbm>>
      tpu.enqueue_dma source(%arg6 : memref<256x128xf32, #tpu.memory_space<vmem>>) target(%dma_start3A_44 : memref<256x128xf32, #tpu.memory_space<hbm>>) target_semaphore(%run_scoped3A : memref<!tpu.dma_semaphore, #tpu.memory_space<semaphore_mem>>)
      %dma_wait3A_45 = arith.constant 0 : i32
      %dma_wait3A_46 = tpu.memref_slice %arg4[%mul3A_40, %dma_wait3A_45] : memref<8192x128xf32, #tpu.memory_space<hbm>> -> memref<256x128xf32, #tpu.memory_space<hbm>>
      %dma_wait3A_47 = arith.constant 0 : i32
      %dma_wait3A_48 = tpu.memref_slice %arg4[%mul3A_40, %dma_wait3A_47] : memref<8192x128xf32, #tpu.memory_space<hbm>> -> memref<256x128xf32, #tpu.memory_space<hbm>>
      tpu.wait_dma2 semaphore(%run_scoped3A : memref<!tpu.dma_semaphore, #tpu.memory_space<semaphore_mem>>) src(%arg6 : memref<256x128xf32, #tpu.memory_space<vmem>>) dst(%dma_wait3A_48 : memref<256x128xf32, #tpu.memory_space<hbm>>)
      tpu.yield
    }) : () -> ()
    return
  }
}

module attributes {stable_mosaic.version = 14 : i64} {
  func.func @_tc_body(%arg0: i32, %arg1: i32, %arg2: memref<64x208xi32, #tpu.memory_space<vmem>>, %arg3: memref<1x64x1xi32, #tpu.memory_space<vmem>>, %arg4: memref<1x64x128xf32, #tpu.memory_space<vmem>>, %arg5: memref<1024x200x256xf32, #tpu.memory_space<any>>, %arg6: memref<256x128xf32, #tpu.memory_space<vmem>>, %arg7: memref<1x128xf32, #tpu.memory_space<vmem>>, %arg8: memref<256x128xf32, #tpu.memory_space<vmem>>, %arg9: memref<1x128xf32, #tpu.memory_space<vmem>>, %arg10: memref<128x10000xf32, #tpu.memory_space<vmem>>, %arg11: memref<1x10000xf32, #tpu.memory_space<vmem>>, %arg12: memref<320x384xf32, #tpu.memory_space<vmem>>, %arg13: memref<1x384xf32, #tpu.memory_space<vmem>>, %arg14: memref<128x384xf32, #tpu.memory_space<vmem>>, %arg15: memref<1x384xf32, #tpu.memory_space<vmem>>, %arg16: memref<1x64x10050xf32, #tpu.memory_space<vmem>>, %arg17: memref<1x64x208xf32, #tpu.memory_space<vmem>>, %arg18: memref<64x128xf32, #tpu.memory_space<vmem>>, %arg19: memref<64x256xf32, #tpu.memory_space<vmem>>, %arg20: memref<64x200x128xf32, #tpu.memory_space<vmem>>, %arg21: memref<64x200x256xf32, #tpu.memory_space<vmem>>, %arg22: memref<!tpu.dma_semaphore, #tpu.memory_space<semaphore_mem>>) attributes {dimension_semantics = [#tpu.dimension_semantics<arbitrary>, #tpu.dimension_semantics<arbitrary>], iteration_bounds = array<i64: 16, 8>, scalar_prefetch = 0 : i64, scratch_operands = 5 : i64, tpu.core_type = #tpu.core_type<tc>, window_params = [{transform_indices = @transform_0, window_bounds = array<i64: 64, 208>}, {transform_indices = @transform_1, window_bounds = array<i64: 1, 64, 1>}, {transform_indices = @transform_2, window_bounds = array<i64: 1, 64, 128>}, {}, {pipeline_mode = #tpu.pipeline_mode<synchronous>, transform_indices = @transform_4, window_bounds = array<i64: 256, 128>}, {pipeline_mode = #tpu.pipeline_mode<synchronous>, transform_indices = @transform_5, window_bounds = array<i64: 1, 128>}, {pipeline_mode = #tpu.pipeline_mode<synchronous>, transform_indices = @transform_6, window_bounds = array<i64: 256, 128>}, {pipeline_mode = #tpu.pipeline_mode<synchronous>, transform_indices = @transform_7, window_bounds = array<i64: 1, 128>}, {pipeline_mode = #tpu.pipeline_mode<synchronous>, transform_indices = @transform_8, window_bounds = array<i64: 128, 10000>}, {pipeline_mode = #tpu.pipeline_mode<synchronous>, transform_indices = @transform_9, window_bounds = array<i64: 1, 10000>}, {pipeline_mode = #tpu.pipeline_mode<synchronous>, transform_indices = @transform_10, window_bounds = array<i64: 320, 384>}, {pipeline_mode = #tpu.pipeline_mode<synchronous>, transform_indices = @transform_11, window_bounds = array<i64: 1, 384>}, {pipeline_mode = #tpu.pipeline_mode<synchronous>, transform_indices = @transform_12, window_bounds = array<i64: 128, 384>}, {pipeline_mode = #tpu.pipeline_mode<synchronous>, transform_indices = @transform_13, window_bounds = array<i64: 1, 384>}, {transform_indices = @transform_14, window_bounds = array<i64: 1, 64, 10050>}, {transform_indices = @transform_15, window_bounds = array<i64: 1, 64, 208>}]} {
    %get3A = arith.constant 0 : index
    %get3A_0 = arith.constant 0 : index
    %get3A_1 = vector.load %arg2[%get3A, %get3A_0] : memref<64x208xi32, #tpu.memory_space<vmem>>, vector<64x208xi32>
    %slice3A = vector.extract_strided_slice %get3A_1 {offsets = [0, 0], sizes = [64, 200], strides = [1, 1]} : vector<64x208xi32> to vector<64x200xi32>
    %eq3A = arith.constant 0 : i32
    %eq3A_2 = arith.cmpi eq, %arg1, %eq3A : i32
    %convert_element_type3A = arith.extui %eq3A_2 : i1 to i32
    %cond3A = arith.constant 0 : i32
    %cond3A_3 = arith.cmpi ne, %convert_element_type3A, %cond3A : i32
    scf.if %cond3A_3 {
      %mul3A_163 = arith.constant 64 : i32
      %mul3A_164 = arith.muli %arg0, %mul3A_163 : i32
      %dma_start3A = arith.constant 0 : i32
      %dma_start3A_165 = arith.constant 0 : i32
      %dma_start3A_166 = tpu.memref_slice %arg5[%mul3A_164, %dma_start3A, %dma_start3A_165] : memref<1024x200x256xf32, #tpu.memory_space<any>> -> memref<64x200x256xf32, #tpu.memory_space<any>>
      tpu.enqueue_dma source(%dma_start3A_166 : memref<64x200x256xf32, #tpu.memory_space<any>>) target(%arg21 : memref<64x200x256xf32, #tpu.memory_space<vmem>>) target_semaphore(%arg22 : memref<!tpu.dma_semaphore, #tpu.memory_space<semaphore_mem>>)
      %dma_wait3A = arith.constant 0 : i32
      %dma_wait3A_167 = arith.constant 0 : i32
      %dma_wait3A_168 = tpu.memref_slice %arg5[%mul3A_164, %dma_wait3A, %dma_wait3A_167] : memref<1024x200x256xf32, #tpu.memory_space<any>> -> memref<64x200x256xf32, #tpu.memory_space<any>>
      tpu.wait_dma2 semaphore(%arg22 : memref<!tpu.dma_semaphore, #tpu.memory_space<semaphore_mem>>) src(%dma_wait3A_168 : memref<64x200x256xf32, #tpu.memory_space<any>>) dst(%arg21 : memref<64x200x256xf32, #tpu.memory_space<vmem>>)
    } else {
    }
    %get3A_4 = arith.constant 0 : index
    %get3A_5 = arith.constant 0 : index
    %get3A_6 = arith.constant 0 : index
    %get3A_7 = vector.load %arg21[%get3A_4, %get3A_5, %get3A_6] : memref<64x200x256xf32, #tpu.memory_space<vmem>>, vector<64x200x256xf32>
    %eq3A_8 = arith.constant 0 : i32
    %eq3A_9 = arith.cmpi eq, %arg1, %eq3A_8 : i32
    %convert_element_type3A_10 = arith.extui %eq3A_9 : i1 to i32
    %cond3A_11 = arith.constant 0 : i32
    %cond3A_12 = arith.cmpi ne, %convert_element_type3A_10, %cond3A_11 : i32
    scf.if %cond3A_12 {
      %gt3A = arith.constant 0 : i32
      %gt3A_163 = vector.broadcast %gt3A : i32 to vector<64x200xi32>
      %gt3A_164 = arith.cmpi sgt, %slice3A, %gt3A_163 : vector<64x200xi32>
      %convert_element_type3A_165 = arith.extui %gt3A_164 : vector<64x200xi1> to vector<64x200xi32>
      %reduce_sum3A_166 = arith.constant dense<0> : vector<64xi32>
      %reduce_sum3A_167 = vector.multi_reduction <add>, %convert_element_type3A_165, %reduce_sum3A_166 [1] : vector<64x200xi32> to vector<64xi32>
      %broadcast_in_dim3A_168 = vector.shape_cast %reduce_sum3A_167 : vector<64xi32> to vector<64x1xi32>
      %sub3A_169 = arith.constant 1 : i32
      %sub3A_170 = vector.broadcast %sub3A_169 : i32 to vector<64x1xi32>
      %sub3A_171 = arith.subi %broadcast_in_dim3A_168, %sub3A_170 : vector<64x1xi32>
      %jit3A_172 = arith.constant 0 : i32
      %jit3A_173 = arith.constant 199 : i32
      %max3A_174 = vector.broadcast %jit3A_172 : i32 to vector<64x1xi32>
      %max3A_175 = arith.maxsi %max3A_174, %sub3A_171 : vector<64x1xi32>
      %min3A = vector.broadcast %jit3A_173 : i32 to vector<64x1xi32>
      %min3A_176 = arith.minsi %min3A, %max3A_175 : vector<64x1xi32>
      %iota3A = tpu.iota {dimensions = array<i32: 1>} : vector<64x200xi32>
      %eq3A_177 = vector.broadcast %min3A_176 : vector<64x1xi32> to vector<64x200xi32>
      %eq3A_178 = arith.cmpi eq, %iota3A, %eq3A_177 : vector<64x200xi32>
      %convert_element_type3A_179 = arith.extui %eq3A_178 : vector<64x200xi1> to vector<64x200xi32>
      %convert_element_type3A_180 = arith.sitofp %convert_element_type3A_179 : vector<64x200xi32> to vector<64x200xf32>
      %dot_general3A_181 = arith.constant dense<0.000000e+00> : vector<64x256xf32>
      %dot_general3A_182 = tpu.matmul %convert_element_type3A_180, %get3A_7, %dot_general3A_181 {dimension_numbers = #tpu.dot_dimension_numbers<[1], [1], [], [2], [0, 0, 1, 2], [0], [0]>, transpose_lhs_hint = false} : vector<64x200xf32>, vector<64x200x256xf32>, vector<64x256xf32> -> vector<64x256xf32>
      %get3A_183 = arith.constant 0 : index
      %get3A_184 = arith.constant 0 : index
      %get3A_185 = vector.load %arg6[%get3A_183, %get3A_184] : memref<256x128xf32, #tpu.memory_space<vmem>>, vector<256x128xf32>
      %dot_general3A_186 = arith.constant dense<0.000000e+00> : vector<64x128xf32>
      %dot_general3A_187 = tpu.matmul %dot_general3A_182, %get3A_185, %dot_general3A_186 {dimension_numbers = #tpu.dot_dimension_numbers<[1], [0], [0], [1], [0, 0, 1, 1], [], []>, transpose_lhs_hint = false} : vector<64x256xf32>, vector<256x128xf32>, vector<64x128xf32> -> vector<64x128xf32>
      %get3A_188 = arith.constant 0 : index
      %get3A_189 = arith.constant 0 : index
      %get3A_190 = vector.load %arg7[%get3A_188, %get3A_189] : memref<1x128xf32, #tpu.memory_space<vmem>>, vector<1x128xf32>
      %add3A_191 = vector.broadcast %get3A_190 : vector<1x128xf32> to vector<64x128xf32>
      %add3A_192 = arith.addf %dot_general3A_187, %add3A_191 : vector<64x128xf32>
      %swap3A_193 = arith.constant 0 : index
      %swap3A_194 = arith.constant 0 : index
      %swap3A_195 = vector.load %arg18[%swap3A_193, %swap3A_194] : memref<64x128xf32, #tpu.memory_space<vmem>>, vector<64x128xf32>
      tpu.vector_store %arg18[%swap3A_193, %swap3A_194], %add3A_192 {strides = array<i32>} : memref<64x128xf32, #tpu.memory_space<vmem>>, vector<64x128xf32>,
      %broadcast_in_dim3A_196 = arith.constant 0.000000e+00 : f32
      %broadcast_in_dim3A_197 = vector.broadcast %broadcast_in_dim3A_196 : f32 to vector<64x256xf32>
      %swap3A_198 = arith.constant 0 : index
      %swap3A_199 = arith.constant 0 : index
      %swap3A_200 = vector.load %arg19[%swap3A_198, %swap3A_199] : memref<64x256xf32, #tpu.memory_space<vmem>>, vector<64x256xf32>
      tpu.vector_store %arg19[%swap3A_198, %swap3A_199], %broadcast_in_dim3A_197 {strides = array<i32>} : memref<64x256xf32, #tpu.memory_space<vmem>>, vector<64x256xf32>,
      %reshape3A = vector.shape_cast %get3A_7 : vector<64x200x256xf32> to vector<12800x256xf32>
      %get3A_201 = arith.constant 0 : index
      %get3A_202 = arith.constant 0 : index
      %get3A_203 = vector.load %arg8[%get3A_201, %get3A_202] : memref<256x128xf32, #tpu.memory_space<vmem>>, vector<256x128xf32>
      %dot_general3A_204 = arith.constant dense<0.000000e+00> : vector<12800x128xf32>
      %dot_general3A_205 = tpu.matmul %reshape3A, %get3A_203, %dot_general3A_204 {dimension_numbers = #tpu.dot_dimension_numbers<[1], [0], [0], [1], [0, 0, 1, 1], [], []>, transpose_lhs_hint = false} : vector<12800x256xf32>, vector<256x128xf32>, vector<12800x128xf32> -> vector<12800x128xf32>
      %get3A_206 = arith.constant 0 : index
      %get3A_207 = arith.constant 0 : index
      %get3A_208 = vector.load %arg9[%get3A_206, %get3A_207] : memref<1x128xf32, #tpu.memory_space<vmem>>, vector<1x128xf32>
      %add3A_209 = vector.broadcast %get3A_208 : vector<1x128xf32> to vector<12800x128xf32>
      %add3A_210 = arith.addf %dot_general3A_205, %add3A_209 : vector<12800x128xf32>
      %tanh3A_211 = math.tanh %add3A_210 : vector<12800x128xf32>
      %reshape3A_212 = vector.shape_cast %tanh3A_211 : vector<12800x128xf32> to vector<64x200x128xf32>
      %swap3A_213 = arith.constant 0 : index
      %swap3A_214 = arith.constant 0 : index
      %swap3A_215 = arith.constant 0 : index
      %swap3A_216 = vector.load %arg20[%swap3A_213, %swap3A_214, %swap3A_215] : memref<64x200x128xf32, #tpu.memory_space<vmem>>, vector<64x200x128xf32>
      tpu.vector_store %arg20[%swap3A_213, %swap3A_214, %swap3A_215], %reshape3A_212 {strides = array<i32>} : memref<64x200x128xf32, #tpu.memory_space<vmem>>, vector<64x200x128xf32>,
    } else {
    }
    %get3A_13 = arith.constant 0 : index
    %get3A_14 = arith.constant 0 : index
    %get3A_15 = vector.load %arg18[%get3A_13, %get3A_14] : memref<64x128xf32, #tpu.memory_space<vmem>>, vector<64x128xf32>
    %get3A_16 = arith.constant 0 : index
    %get3A_17 = arith.constant 0 : index
    %get3A_18 = arith.constant 0 : index
    %get3A_19 = vector.load %arg20[%get3A_16, %get3A_17, %get3A_18] : memref<64x200x128xf32, #tpu.memory_space<vmem>>, vector<64x200x128xf32>
    %get3A_20 = arith.constant 0 : index
    %get3A_21 = arith.constant 0 : index
    %get3A_22 = arith.constant 0 : index
    %get3A_23 = vector.load %arg4[%get3A_20, %get3A_21, %get3A_22] : memref<1x64x128xf32, #tpu.memory_space<vmem>>, vector<1x64x64xf32>
    %get3A_24 = vector.shape_cast %get3A_23 : vector<1x64x64xf32> to vector<64x64xf32>
    %get3A_25 = arith.constant 0 : index
    %get3A_26 = arith.constant 0 : index
    %get3A_27 = vector.load %arg19[%get3A_25, %get3A_26] : memref<64x256xf32, #tpu.memory_space<vmem>>, vector<64x256xf32>
    %concatenate3A = tpu.concatenate %get3A_24, %get3A_27 in 1 : vector<64x64xf32>, vector<64x256xf32> -> vector<64x320xf32>
    %get3A_28 = arith.constant 0 : index
    %get3A_29 = arith.constant 0 : index
    %get3A_30 = vector.load %arg12[%get3A_28, %get3A_29] : memref<320x384xf32, #tpu.memory_space<vmem>>, vector<320x384xf32>
    %dot_general3A = arith.constant dense<0.000000e+00> : vector<64x384xf32>
    %dot_general3A_31 = tpu.matmul %concatenate3A, %get3A_30, %dot_general3A {dimension_numbers = #tpu.dot_dimension_numbers<[1], [0], [0], [1], [0, 0, 1, 1], [], []>, transpose_lhs_hint = false} : vector<64x320xf32>, vector<320x384xf32>, vector<64x384xf32> -> vector<64x384xf32>
    %get3A_32 = arith.constant 0 : index
    %get3A_33 = arith.constant 0 : index
    %get3A_34 = vector.load %arg13[%get3A_32, %get3A_33] : memref<1x384xf32, #tpu.memory_space<vmem>>, vector<1x384xf32>
    %add3A = vector.broadcast %get3A_34 : vector<1x384xf32> to vector<64x384xf32>
    %add3A_35 = arith.addf %dot_general3A_31, %add3A : vector<64x384xf32>
    %get3A_36 = arith.constant 0 : index
    %get3A_37 = arith.constant 0 : index
    %get3A_38 = vector.load %arg14[%get3A_36, %get3A_37] : memref<128x384xf32, #tpu.memory_space<vmem>>, vector<128x384xf32>
    %dot_general3A_39 = arith.constant dense<0.000000e+00> : vector<64x384xf32>
    %dot_general3A_40 = tpu.matmul %get3A_15, %get3A_38, %dot_general3A_39 {dimension_numbers = #tpu.dot_dimension_numbers<[1], [0], [0], [1], [0, 0, 1, 1], [], []>, transpose_lhs_hint = false} : vector<64x128xf32>, vector<128x384xf32>, vector<64x384xf32> -> vector<64x384xf32>
    %get3A_41 = arith.constant 0 : index
    %get3A_42 = arith.constant 0 : index
    %get3A_43 = vector.load %arg15[%get3A_41, %get3A_42] : memref<1x384xf32, #tpu.memory_space<vmem>>, vector<1x384xf32>
    %add3A_44 = vector.broadcast %get3A_43 : vector<1x384xf32> to vector<64x384xf32>
    %add3A_45 = arith.addf %dot_general3A_40, %add3A_44 : vector<64x384xf32>
    %slice3A_46 = vector.extract_strided_slice %add3A_35 {offsets = [0, 0], sizes = [64, 128], strides = [1, 1]} : vector<64x384xf32> to vector<64x128xf32>
    %slice3A_47 = vector.extract_strided_slice %add3A_45 {offsets = [0, 0], sizes = [64, 128], strides = [1, 1]} : vector<64x384xf32> to vector<64x128xf32>
    %add3A_48 = arith.addf %slice3A_46, %slice3A_47 : vector<64x128xf32>
    %neg3A = arith.constant 0.000000e+00 : f32
    %neg3A_49 = vector.broadcast %neg3A : f32 to vector<64x128xf32>
    %neg3A_50 = arith.subf %neg3A_49, %add3A_48 : vector<64x128xf32>
    %exp3A = math.exp %neg3A_50 : vector<64x128xf32>
    %add3A_51 = arith.constant 1.000000e+00 : f32
    %add3A_52 = vector.broadcast %add3A_51 : f32 to vector<64x128xf32>
    %add3A_53 = arith.addf %add3A_52, %exp3A : vector<64x128xf32>
    %div3A = arith.constant 1.000000e+00 : f32
    %div3A_54 = vector.broadcast %div3A : f32 to vector<64x128xf32>
    %div3A_55 = arith.divf %div3A_54, %add3A_53 : vector<64x128xf32>
    %slice3A_56 = vector.extract_strided_slice %add3A_35 {offsets = [0, 128], sizes = [64, 128], strides = [1, 1]} : vector<64x384xf32> to vector<64x128xf32>
    %slice3A_57 = vector.extract_strided_slice %add3A_45 {offsets = [0, 128], sizes = [64, 128], strides = [1, 1]} : vector<64x384xf32> to vector<64x128xf32>
    %add3A_58 = arith.addf %slice3A_56, %slice3A_57 : vector<64x128xf32>
    %neg3A_59 = arith.constant 0.000000e+00 : f32
    %neg3A_60 = vector.broadcast %neg3A_59 : f32 to vector<64x128xf32>
    %neg3A_61 = arith.subf %neg3A_60, %add3A_58 : vector<64x128xf32>
    %exp3A_62 = math.exp %neg3A_61 : vector<64x128xf32>
    %add3A_63 = arith.constant 1.000000e+00 : f32
    %add3A_64 = vector.broadcast %add3A_63 : f32 to vector<64x128xf32>
    %add3A_65 = arith.addf %add3A_64, %exp3A_62 : vector<64x128xf32>
    %div3A_66 = arith.constant 1.000000e+00 : f32
    %div3A_67 = vector.broadcast %div3A_66 : f32 to vector<64x128xf32>
    %div3A_68 = arith.divf %div3A_67, %add3A_65 : vector<64x128xf32>
    %slice3A_69 = vector.extract_strided_slice %add3A_35 {offsets = [0, 256], sizes = [64, 128], strides = [1, 1]} : vector<64x384xf32> to vector<64x128xf32>
    %slice3A_70 = vector.extract_strided_slice %add3A_45 {offsets = [0, 256], sizes = [64, 128], strides = [1, 1]} : vector<64x384xf32> to vector<64x128xf32>
    %mul3A = arith.mulf %div3A_55, %slice3A_70 : vector<64x128xf32>
    %add3A_71 = arith.addf %slice3A_69, %mul3A : vector<64x128xf32>
    %tanh3A = math.tanh %add3A_71 : vector<64x128xf32>
    %sub3A = arith.constant 1.000000e+00 : f32
    %sub3A_72 = vector.broadcast %sub3A : f32 to vector<64x128xf32>
    %sub3A_73 = arith.subf %sub3A_72, %div3A_68 : vector<64x128xf32>
    %mul3A_74 = arith.mulf %sub3A_73, %tanh3A : vector<64x128xf32>
    %mul3A_75 = arith.mulf %div3A_68, %get3A_15 : vector<64x128xf32>
    %add3A_76 = arith.addf %mul3A_74, %mul3A_75 : vector<64x128xf32>
    %swap3A = arith.constant 0 : index
    %swap3A_77 = arith.constant 0 : index
    %swap3A_78 = vector.load %arg18[%swap3A, %swap3A_77] : memref<64x128xf32, #tpu.memory_space<vmem>>, vector<64x128xf32>
    tpu.vector_store %arg18[%swap3A, %swap3A_77], %add3A_76 {strides = array<i32>} : memref<64x128xf32, #tpu.memory_space<vmem>>, vector<64x128xf32>,
    %get3A_79 = arith.constant 0 : index
    %get3A_80 = arith.constant 0 : index
    %get3A_81 = vector.load %arg10[%get3A_79, %get3A_80] : memref<128x10000xf32, #tpu.memory_space<vmem>>, vector<128x10000xf32>
    %dot_general3A_82 = arith.constant dense<0.000000e+00> : vector<64x10000xf32>
    %dot_general3A_83 = tpu.matmul %add3A_76, %get3A_81, %dot_general3A_82 {dimension_numbers = #tpu.dot_dimension_numbers<[1], [0], [0], [1], [0, 0, 1, 1], [], []>, transpose_lhs_hint = false} : vector<64x128xf32>, vector<128x10000xf32>, vector<64x10000xf32> -> vector<64x10000xf32>
    %get3A_84 = arith.constant 0 : index
    %get3A_85 = arith.constant 0 : index
    %get3A_86 = vector.load %arg11[%get3A_84, %get3A_85] : memref<1x10000xf32, #tpu.memory_space<vmem>>, vector<1x10000xf32>
    %add3A_87 = vector.broadcast %get3A_86 : vector<1x10000xf32> to vector<64x10000xf32>
    %add3A_88 = arith.addf %dot_general3A_83, %add3A_87 : vector<64x10000xf32>
    %eq3A_89 = arith.constant 0 : i32
    %eq3A_90 = vector.broadcast %eq3A_89 : i32 to vector<64x200xi32>
    %eq3A_91 = arith.cmpi eq, %slice3A, %eq3A_90 : vector<64x200xi32>
    %jit3A = arith.constant -1.000000e+03 : f32
    %jit3A_92 = arith.constant 0.000000e+00 : f32
    %broadcast_in_dim3A = vector.broadcast %jit3A : f32 to vector<64x200xf32>
    %broadcast_in_dim3A_93 = vector.broadcast %jit3A_92 : f32 to vector<64x200xf32>
    %select_n3A = arith.select %eq3A_91, %broadcast_in_dim3A, %broadcast_in_dim3A_93 : vector<64x200xi1>, vector<64x200xf32>
    %dot_general3A_94 = arith.constant dense<0.000000e+00> : vector<64x200xf32>
    %dot_general3A_95 = tpu.matmul %get3A_19, %add3A_76, %dot_general3A_94 {dimension_numbers = #tpu.dot_dimension_numbers<[2], [1], [1], [], [0, 0, 0, 1], [0], [0]>, transpose_lhs_hint = false} : vector<64x200x128xf32>, vector<64x128xf32>, vector<64x200xf32> -> vector<64x200xf32>
    %tanh3A_96 = math.tanh %dot_general3A_95 : vector<64x200xf32>
    %add3A_97 = arith.addf %tanh3A_96, %select_n3A : vector<64x200xf32>
    %reduce_max3A = arith.constant dense<0xFF800000> : vector<64xf32>
    %reduce_max3A_98 = vector.multi_reduction <maximumf>, %add3A_88, %reduce_max3A [1] : vector<64x10000xf32> to vector<64xf32>
    %broadcast_in_dim3A_99 = vector.shape_cast %reduce_max3A_98 : vector<64xf32> to vector<64x1xf32>
    %reduce_max3A_100 = arith.constant dense<0xFF800000> : vector<64xf32>
    %reduce_max3A_101 = vector.multi_reduction <maximumf>, %add3A_97, %reduce_max3A_100 [1] : vector<64x200xf32> to vector<64xf32>
    %broadcast_in_dim3A_102 = vector.shape_cast %reduce_max3A_101 : vector<64xf32> to vector<64x1xf32>
    %max3A = arith.maximumf %broadcast_in_dim3A_99, %broadcast_in_dim3A_102 : vector<64x1xf32>
    %sub3A_103 = vector.broadcast %max3A : vector<64x1xf32> to vector<64x10000xf32>
    %sub3A_104 = arith.subf %add3A_88, %sub3A_103 : vector<64x10000xf32>
    %exp3A_105 = math.exp %sub3A_104 : vector<64x10000xf32>
    %sub3A_106 = vector.broadcast %max3A : vector<64x1xf32> to vector<64x200xf32>
    %sub3A_107 = arith.subf %add3A_97, %sub3A_106 : vector<64x200xf32>
    %exp3A_108 = math.exp %sub3A_107 : vector<64x200xf32>
    %reduce_sum3A = arith.constant dense<0.000000e+00> : vector<64xf32>
    %reduce_sum3A_109 = vector.multi_reduction <add>, %exp3A_105, %reduce_sum3A [1] : vector<64x10000xf32> to vector<64xf32>
    %broadcast_in_dim3A_110 = vector.shape_cast %reduce_sum3A_109 : vector<64xf32> to vector<64x1xf32>
    %reduce_sum3A_111 = arith.constant dense<0.000000e+00> : vector<64xf32>
    %reduce_sum3A_112 = vector.multi_reduction <add>, %exp3A_108, %reduce_sum3A_111 [1] : vector<64x200xf32> to vector<64xf32>
    %broadcast_in_dim3A_113 = vector.shape_cast %reduce_sum3A_112 : vector<64xf32> to vector<64x1xf32>
    %add3A_114 = arith.addf %broadcast_in_dim3A_110, %broadcast_in_dim3A_113 : vector<64x1xf32>
    %div3A_115 = arith.constant 1.000000e+00 : f32
    %div3A_116 = vector.broadcast %div3A_115 : f32 to vector<64x1xf32>
    %div3A_117 = arith.divf %div3A_116, %add3A_114 : vector<64x1xf32>
    %broadcast_in_dim3A_118 = arith.constant 9.99999974E-6 : f32
    %broadcast_in_dim3A_119 = vector.broadcast %broadcast_in_dim3A_118 : f32 to vector<64x50xf32>
    %mul3A_120 = vector.broadcast %div3A_117 : vector<64x1xf32> to vector<64x10000xf32>
    %mul3A_121 = arith.mulf %exp3A_105, %mul3A_120 : vector<64x10000xf32>
    %concatenate3A_122 = tpu.concatenate %mul3A_121, %broadcast_in_dim3A_119 in 1 : vector<64x10000xf32>, vector<64x50xf32> -> vector<64x10050xf32>
    %swap3A_123 = arith.constant 0 : index
    %swap3A_124 = arith.constant 0 : index
    %swap3A_125 = arith.constant 0 : index
    %swap3A_126 = vector.load %arg16[%swap3A_123, %swap3A_124, %swap3A_125] : memref<1x64x10050xf32, #tpu.memory_space<vmem>>, vector<1x64x10050xf32>
    %swap3A_127 = vector.shape_cast %swap3A_126 : vector<1x64x10050xf32> to vector<64x10050xf32>
    %swap3A_128 = vector.shape_cast %concatenate3A_122 : vector<64x10050xf32> to vector<1x64x10050xf32>
    tpu.vector_store %arg16[%swap3A_123, %swap3A_124, %swap3A_125], %swap3A_128 {strides = array<i32>} : memref<1x64x10050xf32, #tpu.memory_space<vmem>>, vector<1x64x10050xf32>,
    %mul3A_129 = vector.broadcast %div3A_117 : vector<64x1xf32> to vector<64x200xf32>
    %mul3A_130 = arith.mulf %exp3A_108, %mul3A_129 : vector<64x200xf32>
    %broadcast_in_dim3A_131 = arith.constant 0.000000e+00 : f32
    %broadcast_in_dim3A_132 = vector.broadcast %broadcast_in_dim3A_131 : f32 to vector<64x8xf32>
    %concatenate3A_133 = tpu.concatenate %mul3A_130, %broadcast_in_dim3A_132 in 1 : vector<64x200xf32>, vector<64x8xf32> -> vector<64x208xf32>
    %swap3A_134 = arith.constant 0 : index
    %swap3A_135 = arith.constant 0 : index
    %swap3A_136 = arith.constant 0 : index
    %swap3A_137 = vector.load %arg17[%swap3A_134, %swap3A_135, %swap3A_136] : memref<1x64x208xf32, #tpu.memory_space<vmem>>, vector<1x64x208xf32>
    %swap3A_138 = vector.shape_cast %swap3A_137 : vector<1x64x208xf32> to vector<64x208xf32>
    %swap3A_139 = vector.shape_cast %concatenate3A_133 : vector<64x208xf32> to vector<1x64x208xf32>
    tpu.vector_store %arg17[%swap3A_134, %swap3A_135, %swap3A_136], %swap3A_139 {strides = array<i32>} : memref<1x64x208xf32, #tpu.memory_space<vmem>>, vector<1x64x208xf32>,
    %get3A_140 = arith.constant 0 : index
    %get3A_141 = arith.constant 0 : index
    %get3A_142 = arith.constant 0 : index
    %get3A_143 = vector.load %arg3[%get3A_140, %get3A_141, %get3A_142] : memref<1x64x1xi32, #tpu.memory_space<vmem>>, vector<1x64x1xi32>
    %get3A_144 = vector.shape_cast %get3A_143 : vector<1x64x1xi32> to vector<64x1xi32>
    %eq3A_145 = vector.broadcast %get3A_144 : vector<64x1xi32> to vector<64x200xi32>
    %eq3A_146 = arith.cmpi eq, %slice3A, %eq3A_145 : vector<64x200xi32>
    %convert_element_type3A_147 = arith.extui %eq3A_146 : vector<64x200xi1> to vector<64x200xi32>
    %convert_element_type3A_148 = arith.sitofp %convert_element_type3A_147 : vector<64x200xi32> to vector<64x200xf32>
    %reduce_sum3A_149 = arith.constant dense<0.000000e+00> : vector<64xf32>
    %reduce_sum3A_150 = vector.multi_reduction <add>, %convert_element_type3A_148, %reduce_sum3A_149 [1] : vector<64x200xf32> to vector<64xf32>
    %broadcast_in_dim3A_151 = vector.shape_cast %reduce_sum3A_150 : vector<64xf32> to vector<64x1xf32>
    %max3A_152 = arith.constant 1.000000e+00 : f32
    %max3A_153 = vector.broadcast %max3A_152 : f32 to vector<64x1xf32>
    %max3A_154 = arith.maximumf %broadcast_in_dim3A_151, %max3A_153 : vector<64x1xf32>
    %div3A_155 = vector.broadcast %max3A_154 : vector<64x1xf32> to vector<64x200xf32>
    %div3A_156 = arith.divf %convert_element_type3A_148, %div3A_155 : vector<64x200xf32>
    %mul3A_157 = arith.mulf %mul3A_130, %div3A_156 : vector<64x200xf32>
    %dot_general3A_158 = arith.constant dense<0.000000e+00> : vector<64x256xf32>
    %dot_general3A_159 = tpu.matmul %mul3A_157, %get3A_7, %dot_general3A_158 {dimension_numbers = #tpu.dot_dimension_numbers<[1], [1], [], [2], [0, 0, 1, 2], [0], [0]>, transpose_lhs_hint = false} : vector<64x200xf32>, vector<64x200x256xf32>, vector<64x256xf32> -> vector<64x256xf32>
    %swap3A_160 = arith.constant 0 : index
    %swap3A_161 = arith.constant 0 : index
    %swap3A_162 = vector.load %arg19[%swap3A_160, %swap3A_161] : memref<64x256xf32, #tpu.memory_space<vmem>>, vector<64x256xf32>
    tpu.vector_store %arg19[%swap3A_160, %swap3A_161], %dot_general3A_159 {strides = array<i32>} : memref<64x256xf32, #tpu.memory_space<vmem>>, vector<64x256xf32>,
    return
  }
  func.func @transform_0(%arg0: i32, %arg1: i32) -> (i32, i32) {
    %c0_i32 = arith.constant 0 : i32
    %c0_i32_0 = arith.constant 0 : i32
    return %arg0, %c0_i32 : i32, i32
  }
  func.func @transform_1(%arg0: i32, %arg1: i32) -> (i32, i32, i32) {
    %c0_i32 = arith.constant 0 : i32
    %c0_i32_0 = arith.constant 0 : i32
    return %arg1, %arg0, %c0_i32 : i32, i32, i32
  }
  func.func @transform_2(%arg0: i32, %arg1: i32) -> (i32, i32, i32) {
    %c0_i32 = arith.constant 0 : i32
    %c0_i32_0 = arith.constant 0 : i32
    return %arg1, %arg0, %c0_i32 : i32, i32, i32
  }
  func.func @transform_4(%arg0: i32, %arg1: i32) -> (i32, i32) {
    %c0_i32 = arith.constant 0 : i32
    %c0_i32_0 = arith.constant 0 : i32
    %c0_i32_1 = arith.constant 0 : i32
    return %c0_i32, %c0_i32_0 : i32, i32
  }
  func.func @transform_5(%arg0: i32, %arg1: i32) -> (i32, i32) {
    %c0_i32 = arith.constant 0 : i32
    %c0_i32_0 = arith.constant 0 : i32
    %c0_i32_1 = arith.constant 0 : i32
    return %c0_i32, %c0_i32_0 : i32, i32
  }
  func.func @transform_6(%arg0: i32, %arg1: i32) -> (i32, i32) {
    %c0_i32 = arith.constant 0 : i32
    %c0_i32_0 = arith.constant 0 : i32
    %c0_i32_1 = arith.constant 0 : i32
    return %c0_i32, %c0_i32_0 : i32, i32
  }
  func.func @transform_7(%arg0: i32, %arg1: i32) -> (i32, i32) {
    %c0_i32 = arith.constant 0 : i32
    %c0_i32_0 = arith.constant 0 : i32
    %c0_i32_1 = arith.constant 0 : i32
    return %c0_i32, %c0_i32_0 : i32, i32
  }
  func.func @transform_8(%arg0: i32, %arg1: i32) -> (i32, i32) {
    %c0_i32 = arith.constant 0 : i32
    %c0_i32_0 = arith.constant 0 : i32
    %c0_i32_1 = arith.constant 0 : i32
    return %c0_i32, %c0_i32_0 : i32, i32
  }
  func.func @transform_9(%arg0: i32, %arg1: i32) -> (i32, i32) {
    %c0_i32 = arith.constant 0 : i32
    %c0_i32_0 = arith.constant 0 : i32
    %c0_i32_1 = arith.constant 0 : i32
    return %c0_i32, %c0_i32_0 : i32, i32
  }
  func.func @transform_10(%arg0: i32, %arg1: i32) -> (i32, i32) {
    %c0_i32 = arith.constant 0 : i32
    %c0_i32_0 = arith.constant 0 : i32
    %c0_i32_1 = arith.constant 0 : i32
    return %c0_i32, %c0_i32_0 : i32, i32
  }
  func.func @transform_11(%arg0: i32, %arg1: i32) -> (i32, i32) {
    %c0_i32 = arith.constant 0 : i32
    %c0_i32_0 = arith.constant 0 : i32
    %c0_i32_1 = arith.constant 0 : i32
    return %c0_i32, %c0_i32_0 : i32, i32
  }
  func.func @transform_12(%arg0: i32, %arg1: i32) -> (i32, i32) {
    %c0_i32 = arith.constant 0 : i32
    %c0_i32_0 = arith.constant 0 : i32
    %c0_i32_1 = arith.constant 0 : i32
    return %c0_i32, %c0_i32_0 : i32, i32
  }
  func.func @transform_13(%arg0: i32, %arg1: i32) -> (i32, i32) {
    %c0_i32 = arith.constant 0 : i32
    %c0_i32_0 = arith.constant 0 : i32
    %c0_i32_1 = arith.constant 0 : i32
    return %c0_i32, %c0_i32_0 : i32, i32
  }
  func.func @transform_14(%arg0: i32, %arg1: i32) -> (i32, i32, i32) {
    %c0_i32 = arith.constant 0 : i32
    %c0_i32_0 = arith.constant 0 : i32
    return %arg1, %arg0, %c0_i32 : i32, i32, i32
  }
  func.func @transform_15(%arg0: i32, %arg1: i32) -> (i32, i32, i32) {
    %c0_i32 = arith.constant 0 : i32
    %c0_i32_0 = arith.constant 0 : i32
    return %arg1, %arg0, %c0_i32 : i32, i32, i32
  }
}

</mosaic_0001>

<sc_bundles>
// kernel: kernel.5.cloned.1.call-start
scs
__scs_entry_jumppad:
0x0: {  	(pc) =	sbr.rel $0x88, $3  }
0x1: {  	(tag) =	ssettag $0x0;
	lr =	simm.s32 $0x1  }
0x2: {  	[smem:$0x3F93] =	sst lr;
	_ =	strace $0xD0000000  }
0x3: {  	_ = 	snop  }
0x4: {  	_ = 	snop  }
0x5: {  	_ = 	snop  }
0x6: {  	_ = 	snop  }
0x7: {  	_ = 	snop  }
__scs_overlays_trampoline_lowered:
0x8: {  	[smem:$0x3FA2] =	sst s0  }
0x9: {  	[smem:$0x3FA3] =	sst s1  }
0xa: {  	[smem:$0x3FA4] =	sst s2  }
0xb: {  	[smem:$0x3FA5] =	sst s3  }
0xc: {  	[smem:$0x3FA6] =	sst s4  }
0xd: {  	[smem:$0x3FA7] =	sst s5  }
0xe: {  	[smem:$0x3FA8] =	sst s6  }
0xf: {  	[smem:$0x3FA9] =	sst s7  }
0x10: {  	[smem:$0x3FAA] =	sst s8  }
0x11: {  	[smem:$0x3FAB] =	sst s9;
	s0 =	simm.s32 @!p0 $0x0  }
0x12: {  	s1 =	sld [smem:$0x3F91];
	s0 =	simm.s32 @p0 $0x1  }
0x13: {  	[smem:$0x3FAC] =	sst s0;
	s0 =	simm.s32 @!p1 $0x0  }
0x14: {  	s2 =	sld [smem:$0x3F90];
	s0 =	simm.s32 @p1 $0x1  }
0x15: {  	[smem:$0x3FAD] =	sst s0;
	s0 =	simm.s32 @!p2 $0x0  }
0x16: {  	s3 =	sld [smem:$0x3FDB];
	s0 =	simm.s32 @p2 $0x1  }
0x17: {  	s4 =	simm.s32 $0x1BF5;
	[smem:$0x3FAF] =	sst s0  }
0x18: {  	s0 =	sld [smem:$0x3F92];
	_ =	swait.ge [sflag:s4], $0x0  }
0x19: {  	s7 =	sld [smem:$0x3F93]  }
0x1a: {  	s8 =	sadd.s32 $0xFFFFE003, lr  }
0x1b: {  	s9 =	sadd.s32 $0xFFFFFEF7, lr;
	s5 =	simm.s32 $0xFFFFFFFF;
	p2 =	slt.u32 s8, $0xFFFFF086  }
0x1c: {  	p1 =	slt.u32 s9, $0xF7A;
	s5 =	simm.s32 @!p2 $0x0  }
0x1d: {  	s5 =	simm.s32 @p1 $0x1;
	p0 =	seq.s32 s7, s2  }
0x1e: {  	s7 =	smul.u32 @!p0 $0xF7A, s2;
	p2 =	seq.s32 @!p0 s5, $0x0  }
0x1f: {  	s9 =	smul.u32 $0xF7A, s1;
	s8 =	simm.s32 @!p0 $0x1BF5;
	p2 =	por !p2, p0  }
0x20: {  	[sflag:s8] =	ssyncset.s32 @!p0 $0xFFFFF086;
	s6 =	sadd.s32 @!p0 s3, s7;
	s7 =	simm.s32 @!p0 $0x108  }
0x21: {  	s3 =	sadd.s32 s3, s9;
	s6 =	sadd.s32 @!p0 $0x88, s6;
	s7 =	simm.s32 @p2 $0x1082  }
0x22: {  	[simem:s7], [sflag:s8] =	dma.local @!p0 [hbm:s6], $0xF7A  }
0x23: {  	s9 =	sor.u32 $0xD0000000, s2;
	s6 =	simm.s32 $0x108;
	_ =	swait.ge @!p0 [sflag:s8], $0x0  }
0x24: {  	s3 =	sadd.s32 $0x88, s3;
	s6 =	simm.s32 @!p1 $0x1082;
	[sflag:s4] =	ssyncset.s32 $0xFFFFF086  }
0x25: {  	[simem:s6], [sflag:s4] =	dma.local [hbm:s3], $0xF7A  }
0x26: {  	[smem:$0x3F93] =	sst s1;
	(tag) =	ssettag s2;
	_ =	strace s9  }
0x27: {  	s1 =	sld [smem:$0x3FA3]  }
0x28: {  	s2 =	sld [smem:$0x3FA4]  }
0x29: {  	s4 =	sld [smem:$0x3FA6]  }
0x2a: {  	p0 =	seq.s32 s5, $0x0;
	s5 =	sld [smem:$0x3FA7]  }
0x2b: {  	s6 =	sld [smem:$0x3FA8]  }
0x2c: {  	s7 =	sld [smem:$0x3FA9]  }
0x2d: {  	s3 =	simm.s32 $0x108;
	s8 =	sld [smem:$0x3FAA]  }
0x2e: {  	s3 =	simm.s32 @!p0 $0x1082;
	s9 =	sld [smem:$0x3FAB]  }
0x2f: {  	lr =	sadd.s32 s0, s3;
	s0 =	sld [smem:$0x3FA2]  }
0x30: {  	s3 =	sld [smem:$0x3FA5]  }
0x31: {  	[smem:$0x3FAE] =	sst s10  }
0x32: {  	s10 =	sld [smem:$0x3FAC];
	_ =	sdelay $0x3  }
0x33: {  	p0 =	seq.s32 s10, $0x1;
	s10 =	sld [smem:$0x3FAE];
	_ =	sdelay $0x3  }
0x34: {  	[smem:$0x3FAE] =	sst s10  }
0x35: {  	s10 =	sld [smem:$0x3FAD];
	_ =	sdelay $0x3  }
0x36: {  	p1 =	seq.s32 s10, $0x1;
	s10 =	sld [smem:$0x3FAE];
	_ =	sdelay $0x3  }
0x37: {  	[smem:$0x3FAE] =	sst s10  }
0x38: {  	s10 =	sld [smem:$0x3FAF]  }
0x39: {  	_ = 	snop;
	(pc) =	sbr.ind lr, $3  }
0x3a: {  	_ = 	snop  }
0x3b: {  	_ = 	snop  }
0x3c: {  	p2 =	seq.s32 s10, $0x1;
	s10 =	sld [smem:$0x3FAE]  }
0x3d: {  	_ =	shalt  }
0x3e: {  	_ =	shalt  }
0x3f: {  	_ =	shalt  }
0x40: {  	_ =	shalt  }
0x41: {  	_ =	shalt  }
0x42: {  	_ =	shalt  }
0x43: {  	_ =	shalt  }
0x44: {  	_ =	shalt  }
0x45: {  	_ =	shalt  }
0x46: {  	_ =	shalt  }
0x47: {  	_ =	shalt  }
0x48: {  	_ =	shalt  }
0x49: {  	_ =	shalt  }
0x4a: {  	_ =	shalt  }
0x4b: {  	_ =	shalt  }
0x4c: {  	_ =	shalt  }
0x4d: {  	_ =	shalt  }
0x4e: {  	_ =	shalt  }
0x4f: {  	_ =	shalt  }
0x50: {  	_ =	shalt  }
0x51: {  	_ =	shalt  }
0x52: {  	_ =	shalt  }
0x53: {  	_ =	shalt  }
0x54: {  	_ =	shalt  }
0x55: {  	_ =	shalt  }
0x56: {  	_ =	shalt  }
0x57: {  	_ =	shalt  }
0x58: {  	_ =	shalt  }
0x59: {  	_ =	shalt  }
0x5a: {  	_ =	shalt  }
0x5b: {  	_ =	shalt  }
0x5c: {  	_ =	shalt  }
0x5d: {  	_ =	shalt  }
0x5e: {  	_ =	shalt  }
0x5f: {  	_ =	shalt  }
0x60: {  	_ =	shalt  }
0x61: {  	_ =	shalt  }
0x62: {  	_ =	shalt  }
0x63: {  	_ =	shalt  }
0x64: {  	_ =	shalt  }
0x65: {  	_ =	shalt  }
0x66: {  	_ =	shalt  }
0x67: {  	_ =	shalt  }
0x68: {  	_ =	shalt  }
0x69: {  	_ =	shalt  }
0x6a: {  	_ =	shalt  }
0x6b: {  	_ =	shalt  }
0x6c: {  	_ =	shalt  }
0x6d: {  	_ =	shalt  }
0x6e: {  	_ =	shalt  }
0x6f: {  	_ =	shalt  }
0x70: {  	_ =	shalt  }
0x71: {  	_ =	shalt  }
0x72: {  	_ =	shalt  }
0x73: {  	_ =	shalt  }
0x74: {  	_ =	shalt  }
0x75: {  	_ =	shalt  }
0x76: {  	_ =	shalt  }
0x77: {  	_ =	shalt  }
0x78: {  	_ =	shalt  }
0x79: {  	_ =	shalt  }
0x7a: {  	_ =	shalt  }
0x7b: {  	_ =	shalt  }
0x7c: {  	_ =	shalt  }
0x7d: {  	_ =	shalt  }
0x7e: {  	_ =	shalt  }
0x7f: {  	_ =	shalt  }
0x80: {  	_ =	shalt  }
0x81: {  	_ =	shalt  }
0x82: {  	_ =	shalt  }
0x83: {  	_ =	shalt  }
0x84: {  	_ =	shalt  }
0x85: {  	_ =	shalt  }
0x86: {  	_ =	shalt  }
0x87: {  	_ =	shalt  }
.Lfunc_end0:
.L_simem_size_0:
called_computation_lowered:
.L_overlay_start_0:
0x88: {  	s2 =	sld [smem:$0x3FD9]  }
0x89: {  	s3 =	sld [smem:$0x3FFE];
	_ =	sdelay $0x1  }
0x8a: {  	s1 =	srdreg.scid  }
0x8b: {  	s0 =	sand.u32 $0x1, s1  }
0x8c: {  	s17 =	sshll.u32 s0, $0xA;
	s2 =	sadd.s32 s3, s2  }
0x8d: {  	s2 =	sadd.s32 s2, s17  }
0x8e: {  	[smem:$0x3FBA] =	sst s2  }
0x8f: {  	_ = 	snop  }
0x90: {  	s2 =	sld [smem:$0x3FD0];
	(tm) =	ssettm $0x1  }
0x91: {  	s18 =	sld [smem:$0x3FFB];
	_ =	sdelay $0x3  }
0x92: {  	_ =	strace s18  }
0x93: {  	s3 =	sld [smem:$0x3FFC];
	_ =	sdelay $0x3  }
0x94: {  	_ =	strace s3  }
0x95: {  	s3 =	sld [smem:$0x3FFD];
	_ =	sdelay $0x3  }
0x96: {  	_ =	strace s3  }
0x97: {  	_ =	strace $0x8FFFFFFF  }
0x98: {  	s19 =	sld [smem:$0x3FDB];
	_ =	sdelay $0x1  }
0x99: {  	s4 =	simm.s32 $_scs_section_size  }
0x9a: {  	s5 =	simm.s32 $_size__tile_overlayer_lowered;
	s6 =	simm.s32 $_tile_overlayer_lowered  }
0x9b: {  	s22 =	simm.s32 $0x1BFF;
	s21 =	sshll.u32 s6, $0x1;
	s3 =	sadd.s32 s4, s19  }
0x9c: {  	s7 =	simm.s32 $0x0;
	s20 =	sshll.u32 s5, $0x1;
	s5 =	sadd.s32 s21, s3  }
0x9d: {  	[timem:s7], [sflag:s22] =	dma.local [hbm:s5], s20  }
0x9e: {  	_ =	swait.ge [sflag:s22], s20  }
0x9f: {  	s4 =	ssub.s32 $0x0, s20;
	[sflag:s22] =	ssyncset.done $0x0  }
0xa0: {  	[sflag:s22] =	ssyncadd.s32 s4;
	_ =	sdelay $0x1  }
0xa1: {  	s23 =	simm.s32 $0x1B8B  }
0xa2: {  	_ =	swait.ge [sflag:s23], $0x1  }
0xa3: {  	[sflag:s23] =	ssyncset.done $0x0  }
0xa4: {  	s25 =	simm.s32 $0x1B8E;
	s24 =	sld [smem:$0x3FFE];
	[sflag:s23] =	ssyncadd.s32 $0xFFFFFFFF  }
0xa5: {  	s26 =	simm.s32 $execute0_lowered;
	[smem:$0x3FD2] =	sst s25  }
0xa6: {  	s5 =	sshll.u32 s26, $0x1;
	_ =	strace $0x80000046;
	[dreg:$0x1] =	wrdreg $0xFFFFFFFF  }
0xa7: {  	s28 =	simm.s32 $_size_execute0_lowered;
	s3 =	sadd.s32 s3, s5;
	[dreg:$0x0] =	wrdreg $0x0  }
0xa8: {  	s5 =	sshll.u32 s28, $0x1;
	[dreg:$0x2] =	wrdreg s3  }
0xa9: {  	[dreg:$0x3] =	wrdreg s5  }
0xaa: {  	[dreg:$0x4] =	wrdreg $0xC0  }
0xab: {  	_ =	task [dreg:s7], $0x5FFFF  }
0xac: {  	[dreg:$0x1] =	wrdreg $0xFFFFFFFF  }
0xad: {  	[dreg:$0x0] =	wrdreg $0x60  }
0xae: {  	[dreg:$0x2] =	wrdreg s2  }
0xaf: {  	[dreg:$0x3] =	wrdreg s24  }
0xb0: {  	[dreg:$0x4] =	wrdreg $0x9  }
0xb1: {  	_ =	task.clear_ibuf [dreg:s7], $0x5FFFF;
	_ =	strace $0x90000046  }
0xb2: {  	s29 =	simm.s32 $0x9;
	_ =	strace $0x80000048  }
0xb3: {  	_ =	swait.ge [sflag:s29], $0x1  }
0xb4: {  	[sflag:s29] =	ssyncadd.s32 $0xFFFFFFFF  }
0xb5: {  	_ =	strace $0x90000048  }
0xb6: {  	_ =	sfence  }
0xb7: {  	s30 =	sld [smem:$0x0];
	_ =	sdelay $0x2  }
0xb8: {  	s31 =	sshll.u32 s1, $0xD;
	s1 =	sshrl.u32 s1, $0x2  }
0xb9: {  	s3 =	sand.u32 $0x4000, s31;
	s1 =	sadd.s32 s1, s30  }
0xba: {  	s0 =	sor.u32 s3, s0;
	s1 =	sshll.u32 s1, $0x11  }
0xbb: {  	s0 =	sor.u32 s1, s0  }
0xbc: {  	s0 =	sadd.s32 $0x8F2B, s0  }
0xbd: {  	[sflag:s0] =	ssyncadd.remote.s32 $0x1  }
0xbe: {  	_ =	sfence.sel $0xFFFF  }
0xbf: {  	[dreg:$0x0] =	wrdreg $0xFFFFFFFF;
	(pc) =	sbr.abs _section_cstart, $3  }
0xc0: {  	[dreg:$0x1] =	wrdreg $0xFFFFFFFF  }
0xc1: {  	_ =	task.clear_ibuf [dreg:s7], $0x2FFFF;
	_ =	strace $0x9FFFFFFF  }
0xc2: {  	(tm) =	ssettm $0x7FFFFFFF  }
0xc3: {  	_ =	shalt  }
tec
execute0_lowered:
.L_overlay_start_1:
0x0: {  	(tag) =	ssettag $0x1  }
0x1: {  	s1 =	srdreg.scid  }
0x2: {  	s0 =	stileid.u32;
	s9 =	sand.u32 $0x1, s1  }
0x3: {  	s2 =	rddreg [dreg:$0x0];
	s30 =	sshll.u32 s0, $0x9;
	s3 =	sshll.u32 s9, $0x8  }
0x4: {  	s10 =	rddreg [dreg:$0x1];
	s11 =	sor.u32 s3, s30  }
0x5: {  	s1 =	rddreg [dreg:$0x2];
	s3 =	simm.s32 $0x0;
	s4 =	sshrl.u32 s11, $0x3  }
0x6: {  	[smem:$0x7FF] =	sst s3;
	s4 =	sadd.s32 s4, s10  }
0x7: {  	_ =	strace $0x80000047;
	s5 =	sadd.s32 $0x2200, s4;
	s4 =	simm.s32 $0x2  }
0x8: {  	[tilespmem:s3], [sflag:$0x2] =	stream.linear.gather [hbm4b:s5+s3], $0x100, $0x38;
	[tilespmem:$0x8100] =	vst v63  }
0x9: {  	_ =	swait.ge [sflag:s4], $0x100  }
0xa: {  	s6 =	simm.s32 $0x80;
	s7 =	simm.s32 $0x100;
	[sflag:s4] =	ssyncset.done $0x0  }
0xb: {  	s8 =	simm.s32 $0x1;
	s12 =	ssub.s32 $0x2, s9;
	[sflag:s4] =	ssyncadd.s32 $0xFFFFFF00  }
0xc: {  	[tilespmem:s7], [sflag:$0x1] =	stream.indirect.gather [hbm4b:s2+s6], $0x80, s3, s6, $0xb8;
	[tilespmem:$0x8100] =	vst v63  }
0xd: {  	s9 =	simm.s32 $0x4100;
	s13 =	sshrl.u32 s12, $0x1;
	_ =	swait.ge [sflag:s8], $0x4000  }
0xe: {  	s11 =	sshll.u32 s11, $0x4;
	s31 =	ssub.s32 s12, s13;
	[sflag:s8] =	ssyncset.done $0x0  }
0xf: {  	s10 =	sadd.s32 s11, s10;
	s11 =	smax.u32 s31, $0x1;
	[sflag:s8] =	ssyncadd.s32 $0xFFFFC000  }
0x10: {  	[tilespmem:s9], [sflag:$0x1] =	stream.indirect.gather [hbm4b:s2+s6], $0x80, s6, s6, $0xb8;
	[tilespmem:$0x8100] =	vst v63  }
0x11: {  	p0 =	sne.s32 s11, $0x1;
	_ =	swait.ge [sflag:s8], $0x4000  }
.Ltmp0:
0x12: {  	[sflag:s8] =	ssyncset.done $0x0;
	(pc) =	sbr.rel @!p0 .LBB2_2-.Ltmp0, $4  }
0x13: {  	s10 =	sadd.s32 $0x2600, s10;
	[sflag:s8] =	ssyncadd.s32 $0xFFFFC000  }
0x14: {  	[hbm4b:s10+s3] =	stream.linear.scatter [tilespmem:s7], [sflag:$0x2], $0x8000, $0x38;
	[tilespmem:$0x8100] =	vst v63  }
0x15: {  	_ =	swait.ge [sflag:s4], $0x8000  }
0x16: {  	s11 =	sadd.s32 $0xFFFFFFFF, s11;
	[sflag:s4] =	ssyncset.done $0x0  }
.LBB2_1:
0x17: {  	p0 =	sne.s32 s11, $0x1;
	s11 =	sadd.s32 $0xFFFFFFFF, s11;
	[sflag:s4] =	ssyncadd.s32 $0xFFFF8000  }
0x18: {  	[tilespmem:s3], [sflag:$0x2] =	stream.linear.gather [hbm4b:s5+s3], $0x100, $0x38;
	[tilespmem:$0x8100] =	vst v63  }
0x19: {  	_ =	swait.ge [sflag:s4], $0x100  }
0x1a: {  	[sflag:s4] =	ssyncset.done $0x0  }
0x1b: {  	[sflag:s4] =	ssyncadd.s32 $0xFFFFFF00  }
0x1c: {  	[tilespmem:s7], [sflag:$0x1] =	stream.indirect.gather [hbm4b:s2+s6], $0x80, s3, s6, $0xb8;
	[tilespmem:$0x8100] =	vst v63  }
0x1d: {  	_ =	swait.ge [sflag:s8], $0x4000  }
0x1e: {  	[sflag:s8] =	ssyncset.done $0x0  }
0x1f: {  	[sflag:s8] =	ssyncadd.s32 $0xFFFFC000  }
0x20: {  	[tilespmem:s9], [sflag:$0x1] =	stream.indirect.gather [hbm4b:s2+s6], $0x80, s6, s6, $0xb8;
	[tilespmem:$0x8100] =	vst v63  }
0x21: {  	_ =	swait.ge [sflag:s8], $0x4000  }
.Ltmp1:
0x22: {  	[sflag:s8] =	ssyncset.done $0x0;
	(pc) =	sbr.rel @p0 .LBB2_1-.Ltmp1, $4  }
0x23: {  	[sflag:s8] =	ssyncadd.s32 $0xFFFFC000  }
0x24: {  	[hbm4b:s10+s3] =	stream.linear.scatter [tilespmem:s7], [sflag:$0x2], $0x8000, $0x38;
	[tilespmem:$0x8100] =	vst v63  }
0x25: {  	_ =	swait.ge [sflag:s4], $0x8000  }
0x26: {  	[sflag:s4] =	ssyncset.done $0x0  }
.LBB2_2:
0x27: {  	[sflag:s4] =	ssyncadd.s32 $0xFFFF8000  }
0x28: {  	_ =	sfence.sel $0x180000  }
0x29: {  	[bflag:$0x0] =	sbarrier.arrive $0xFFFF  }
0x2a: {  	p0 =	sne.s32 s0, $0x0;
	_ =	strace $0x90000047  }
0x2b: {  	s0 =	sadd.s32 @!p0 $0x100000, s1;
	[bflag:$0x2] =	sbarrier.arrive $0xFFFF  }
0x2c: {  	[sflag:s0] =	ssyncadd.tile.s32 @!p0 $0x1;
	_ =	shalt  }
.Lfunc_end2:
_tile_overlayer_lowered:
.L_overlay_start_2:
0x2d: {  	(tag) =	ssettag $0x2  }
0x2e: {  	s0 =	rddreg [dreg:$0x0];
	s2 =	stileid.u32  }
0x2f: {  	s1 =	rddreg [dreg:$0x1];
	p0 =	sne.s32 s2, $0x0  }
0x30: {  	s3 =	rddreg [dreg:$0x2];
	[bflag:$0x3] =	sbarrier.arrive $0xFFFF;
	s2 =	simm.s32 @!p0 $0x1C02  }
0x31: {  	[timem:s3], [sflag:s2] =	dma.local @!p0 [hbm:s0], s1  }
0x32: {  	s0 =	simm.s32 @!p0 $0x2  }
0x33: {  	_ =	swait.ge @!p0 [sflag:s0], s1  }
0x34: {  	s1 =	ssub.s32 @!p0 $0x0, s1;
	[sflag:s0] =	ssyncset.done @!p0 $0x0  }
0x35: {  	[sflag:s0] =	ssyncadd.s32 @!p0 s1  }
0x36: {  	[bflag:$0x3] =	sbarrier.arrive $0xFFFF  }
0x37: {  	_ =	shalt  }

// kernel: kernel.8.cloned.1.call-start
scs
__scs_entry_jumppad:
0x0: {  	(pc) =	sbr.rel $0x88, $3  }
0x1: {  	(tag) =	ssettag $0x0;
	lr =	simm.s32 $0x1  }
0x2: {  	[smem:$0x3F93] =	sst lr;
	_ =	strace $0xD0000000  }
0x3: {  	_ = 	snop  }
0x4: {  	_ = 	snop  }
0x5: {  	_ = 	snop  }
0x6: {  	_ = 	snop  }
0x7: {  	_ = 	snop  }
__scs_overlays_trampoline_lowered:
0x8: {  	[smem:$0x3FA2] =	sst s0  }
0x9: {  	[smem:$0x3FA3] =	sst s1  }
0xa: {  	[smem:$0x3FA4] =	sst s2  }
0xb: {  	[smem:$0x3FA5] =	sst s3  }
0xc: {  	[smem:$0x3FA6] =	sst s4  }
0xd: {  	[smem:$0x3FA7] =	sst s5  }
0xe: {  	[smem:$0x3FA8] =	sst s6  }
0xf: {  	[smem:$0x3FA9] =	sst s7  }
0x10: {  	[smem:$0x3FAA] =	sst s8  }
0x11: {  	[smem:$0x3FAB] =	sst s9;
	s0 =	simm.s32 @!p0 $0x0  }
0x12: {  	s1 =	sld [smem:$0x3F91];
	s0 =	simm.s32 @p0 $0x1  }
0x13: {  	[smem:$0x3FAC] =	sst s0;
	s0 =	simm.s32 @!p1 $0x0  }
0x14: {  	s2 =	sld [smem:$0x3F90];
	s0 =	simm.s32 @p1 $0x1  }
0x15: {  	[smem:$0x3FAD] =	sst s0;
	s0 =	simm.s32 @!p2 $0x0  }
0x16: {  	s3 =	sld [smem:$0x3FDB];
	s0 =	simm.s32 @p2 $0x1  }
0x17: {  	s4 =	simm.s32 $0x1BF5;
	[smem:$0x3FAF] =	sst s0  }
0x18: {  	s0 =	sld [smem:$0x3F92];
	_ =	swait.ge [sflag:s4], $0x0  }
0x19: {  	s7 =	sld [smem:$0x3F93]  }
0x1a: {  	s8 =	sadd.s32 $0xFFFFE003, lr  }
0x1b: {  	s9 =	sadd.s32 $0xFFFFFEF7, lr;
	s5 =	simm.s32 $0xFFFFFFFF;
	p2 =	slt.u32 s8, $0xFFFFF086  }
0x1c: {  	p1 =	slt.u32 s9, $0xF7A;
	s5 =	simm.s32 @!p2 $0x0  }
0x1d: {  	s5 =	simm.s32 @p1 $0x1;
	p0 =	seq.s32 s7, s2  }
0x1e: {  	s7 =	smul.u32 @!p0 $0xF7A, s2;
	p2 =	seq.s32 @!p0 s5, $0x0  }
0x1f: {  	s9 =	smul.u32 $0xF7A, s1;
	s8 =	simm.s32 @!p0 $0x1BF5;
	p2 =	por !p2, p0  }
0x20: {  	[sflag:s8] =	ssyncset.s32 @!p0 $0xFFFFF086;
	s6 =	sadd.s32 @!p0 s3, s7;
	s7 =	simm.s32 @!p0 $0x108  }
0x21: {  	s3 =	sadd.s32 s3, s9;
	s6 =	sadd.s32 @!p0 $0x88, s6;
	s7 =	simm.s32 @p2 $0x1082  }
0x22: {  	[simem:s7], [sflag:s8] =	dma.local @!p0 [hbm:s6], $0xF7A  }
0x23: {  	s9 =	sor.u32 $0xD0000000, s2;
	s6 =	simm.s32 $0x108;
	_ =	swait.ge @!p0 [sflag:s8], $0x0  }
0x24: {  	s3 =	sadd.s32 $0x88, s3;
	s6 =	simm.s32 @!p1 $0x1082;
	[sflag:s4] =	ssyncset.s32 $0xFFFFF086  }
0x25: {  	[simem:s6], [sflag:s4] =	dma.local [hbm:s3], $0xF7A  }
0x26: {  	[smem:$0x3F93] =	sst s1;
	(tag) =	ssettag s2;
	_ =	strace s9  }
0x27: {  	s1 =	sld [smem:$0x3FA3]  }
0x28: {  	s2 =	sld [smem:$0x3FA4]  }
0x29: {  	s4 =	sld [smem:$0x3FA6]  }
0x2a: {  	p0 =	seq.s32 s5, $0x0;
	s5 =	sld [smem:$0x3FA7]  }
0x2b: {  	s6 =	sld [smem:$0x3FA8]  }
0x2c: {  	s7 =	sld [smem:$0x3FA9]  }
0x2d: {  	s3 =	simm.s32 $0x108;
	s8 =	sld [smem:$0x3FAA]  }
0x2e: {  	s3 =	simm.s32 @!p0 $0x1082;
	s9 =	sld [smem:$0x3FAB]  }
0x2f: {  	lr =	sadd.s32 s0, s3;
	s0 =	sld [smem:$0x3FA2]  }
0x30: {  	s3 =	sld [smem:$0x3FA5]  }
0x31: {  	[smem:$0x3FAE] =	sst s10  }
0x32: {  	s10 =	sld [smem:$0x3FAC];
	_ =	sdelay $0x3  }
0x33: {  	p0 =	seq.s32 s10, $0x1;
	s10 =	sld [smem:$0x3FAE];
	_ =	sdelay $0x3  }
0x34: {  	[smem:$0x3FAE] =	sst s10  }
0x35: {  	s10 =	sld [smem:$0x3FAD];
	_ =	sdelay $0x3  }
0x36: {  	p1 =	seq.s32 s10, $0x1;
	s10 =	sld [smem:$0x3FAE];
	_ =	sdelay $0x3  }
0x37: {  	[smem:$0x3FAE] =	sst s10  }
0x38: {  	s10 =	sld [smem:$0x3FAF]  }
0x39: {  	_ = 	snop;
	(pc) =	sbr.ind lr, $3  }
0x3a: {  	_ = 	snop  }
0x3b: {  	_ = 	snop  }
0x3c: {  	p2 =	seq.s32 s10, $0x1;
	s10 =	sld [smem:$0x3FAE]  }
0x3d: {  	_ =	shalt  }
0x3e: {  	_ =	shalt  }
0x3f: {  	_ =	shalt  }
0x40: {  	_ =	shalt  }
0x41: {  	_ =	shalt  }
0x42: {  	_ =	shalt  }
0x43: {  	_ =	shalt  }
0x44: {  	_ =	shalt  }
0x45: {  	_ =	shalt  }
0x46: {  	_ =	shalt  }
0x47: {  	_ =	shalt  }
0x48: {  	_ =	shalt  }
0x49: {  	_ =	shalt  }
0x4a: {  	_ =	shalt  }
0x4b: {  	_ =	shalt  }
0x4c: {  	_ =	shalt  }
0x4d: {  	_ =	shalt  }
0x4e: {  	_ =	shalt  }
0x4f: {  	_ =	shalt  }
0x50: {  	_ =	shalt  }
0x51: {  	_ =	shalt  }
0x52: {  	_ =	shalt  }
0x53: {  	_ =	shalt  }
0x54: {  	_ =	shalt  }
0x55: {  	_ =	shalt  }
0x56: {  	_ =	shalt  }
0x57: {  	_ =	shalt  }
0x58: {  	_ =	shalt  }
0x59: {  	_ =	shalt  }
0x5a: {  	_ =	shalt  }
0x5b: {  	_ =	shalt  }
0x5c: {  	_ =	shalt  }
0x5d: {  	_ =	shalt  }
0x5e: {  	_ =	shalt  }
0x5f: {  	_ =	shalt  }
0x60: {  	_ =	shalt  }
0x61: {  	_ =	shalt  }
0x62: {  	_ =	shalt  }
0x63: {  	_ =	shalt  }
0x64: {  	_ =	shalt  }
0x65: {  	_ =	shalt  }
0x66: {  	_ =	shalt  }
0x67: {  	_ =	shalt  }
0x68: {  	_ =	shalt  }
0x69: {  	_ =	shalt  }
0x6a: {  	_ =	shalt  }
0x6b: {  	_ =	shalt  }
0x6c: {  	_ =	shalt  }
0x6d: {  	_ =	shalt  }
0x6e: {  	_ =	shalt  }
0x6f: {  	_ =	shalt  }
0x70: {  	_ =	shalt  }
0x71: {  	_ =	shalt  }
0x72: {  	_ =	shalt  }
0x73: {  	_ =	shalt  }
0x74: {  	_ =	shalt  }
0x75: {  	_ =	shalt  }
0x76: {  	_ =	shalt  }
0x77: {  	_ =	shalt  }
0x78: {  	_ =	shalt  }
0x79: {  	_ =	shalt  }
0x7a: {  	_ =	shalt  }
0x7b: {  	_ =	shalt  }
0x7c: {  	_ =	shalt  }
0x7d: {  	_ =	shalt  }
0x7e: {  	_ =	shalt  }
0x7f: {  	_ =	shalt  }
0x80: {  	_ =	shalt  }
0x81: {  	_ =	shalt  }
0x82: {  	_ =	shalt  }
0x83: {  	_ =	shalt  }
0x84: {  	_ =	shalt  }
0x85: {  	_ =	shalt  }
0x86: {  	_ =	shalt  }
0x87: {  	_ =	shalt  }
.Lfunc_end0:
.L_simem_size_0:
called_computation.1_lowered:
.L_overlay_start_0:
0x88: {  	s2 =	sld [smem:$0x3FD9]  }
0x89: {  	s3 =	sld [smem:$0x3FFE];
	_ =	sdelay $0x1  }
0x8a: {  	s1 =	srdreg.scid  }
0x8b: {  	s0 =	sand.u32 $0x1, s1  }
0x8c: {  	s17 =	sshll.u32 s0, $0xA;
	s2 =	sadd.s32 s3, s2  }
0x8d: {  	s2 =	sadd.s32 s2, s17  }
0x8e: {  	[smem:$0x3FBA] =	sst s2  }
0x8f: {  	_ = 	snop  }
0x90: {  	s2 =	sld [smem:$0x3FD0];
	(tm) =	ssettm $0x1  }
0x91: {  	s18 =	sld [smem:$0x3FFB];
	_ =	sdelay $0x3  }
0x92: {  	_ =	strace s18  }
0x93: {  	s3 =	sld [smem:$0x3FFC];
	_ =	sdelay $0x3  }
0x94: {  	_ =	strace s3  }
0x95: {  	s3 =	sld [smem:$0x3FFD];
	_ =	sdelay $0x3  }
0x96: {  	_ =	strace s3  }
0x97: {  	_ =	strace $0x8FFFFFFF  }
0x98: {  	s19 =	sld [smem:$0x3FDB];
	_ =	sdelay $0x1  }
0x99: {  	s4 =	simm.s32 $_scs_section_size  }
0x9a: {  	s5 =	simm.s32 $_size__tile_overlayer_lowered;
	s6 =	simm.s32 $_tile_overlayer_lowered  }
0x9b: {  	s22 =	simm.s32 $0x1BFF;
	s21 =	sshll.u32 s6, $0x1;
	s3 =	sadd.s32 s4, s19  }
0x9c: {  	s7 =	simm.s32 $0x0;
	s20 =	sshll.u32 s5, $0x1;
	s5 =	sadd.s32 s21, s3  }
0x9d: {  	[timem:s7], [sflag:s22] =	dma.local [hbm:s5], s20  }
0x9e: {  	_ =	swait.ge [sflag:s22], s20  }
0x9f: {  	s4 =	ssub.s32 $0x0, s20;
	[sflag:s22] =	ssyncset.done $0x0  }
0xa0: {  	[sflag:s22] =	ssyncadd.s32 s4;
	_ =	sdelay $0x1  }
0xa1: {  	s23 =	simm.s32 $0x1B8B  }
0xa2: {  	_ =	swait.ge [sflag:s23], $0x1  }
0xa3: {  	[sflag:s23] =	ssyncset.done $0x0  }
0xa4: {  	s25 =	simm.s32 $0x1B8E;
	s24 =	sld [smem:$0x3FFE];
	[sflag:s23] =	ssyncadd.s32 $0xFFFFFFFF  }
0xa5: {  	s26 =	simm.s32 $execute0_lowered;
	[smem:$0x3FD2] =	sst s25  }
0xa6: {  	s5 =	sshll.u32 s26, $0x1;
	_ =	strace $0x80000049;
	[dreg:$0x1] =	wrdreg $0xFFFFFFFF  }
0xa7: {  	s28 =	simm.s32 $_size_execute0_lowered;
	s3 =	sadd.s32 s3, s5;
	[dreg:$0x0] =	wrdreg $0x0  }
0xa8: {  	s5 =	sshll.u32 s28, $0x1;
	[dreg:$0x2] =	wrdreg s3  }
0xa9: {  	[dreg:$0x3] =	wrdreg s5  }
0xaa: {  	[dreg:$0x4] =	wrdreg $0xC0  }
0xab: {  	_ =	task [dreg:s7], $0x5FFFF  }
0xac: {  	[dreg:$0x1] =	wrdreg $0xFFFFFFFF  }
0xad: {  	[dreg:$0x0] =	wrdreg $0x60  }
0xae: {  	[dreg:$0x2] =	wrdreg s24  }
0xaf: {  	[dreg:$0x3] =	wrdreg s2  }
0xb0: {  	[dreg:$0x4] =	wrdreg $0x9  }
0xb1: {  	_ =	task.clear_ibuf [dreg:s7], $0x5FFFF;
	_ =	strace $0x90000049  }
0xb2: {  	s29 =	simm.s32 $0x9;
	_ =	strace $0x8000004B  }
0xb3: {  	_ =	swait.ge [sflag:s29], $0x1  }
0xb4: {  	[sflag:s29] =	ssyncadd.s32 $0xFFFFFFFF  }
0xb5: {  	_ =	strace $0x9000004B  }
0xb6: {  	_ =	sfence  }
0xb7: {  	s30 =	sld [smem:$0x0];
	_ =	sdelay $0x2  }
0xb8: {  	s31 =	sshll.u32 s1, $0xD;
	s1 =	sshrl.u32 s1, $0x2  }
0xb9: {  	s3 =	sand.u32 $0x4000, s31;
	s1 =	sadd.s32 s1, s30  }
0xba: {  	s0 =	sor.u32 s3, s0;
	s1 =	sshll.u32 s1, $0x11  }
0xbb: {  	s0 =	sor.u32 s1, s0  }
0xbc: {  	s0 =	sadd.s32 $0x8F2B, s0  }
0xbd: {  	[sflag:s0] =	ssyncadd.remote.s32 $0x1  }
0xbe: {  	_ =	sfence.sel $0xFFFF  }
0xbf: {  	[dreg:$0x0] =	wrdreg $0xFFFFFFFF;
	(pc) =	sbr.abs _section_cstart, $3  }
0xc0: {  	[dreg:$0x1] =	wrdreg $0xFFFFFFFF  }
0xc1: {  	_ =	task.clear_ibuf [dreg:s7], $0x2FFFF;
	_ =	strace $0x9FFFFFFF  }
0xc2: {  	(tm) =	ssettm $0x7FFFFFFF  }
0xc3: {  	_ =	shalt  }
tec
execute0_lowered:
.L_overlay_start_1:
0x0: {  	(tag) =	ssettag $0x1  }
0x1: {  	s0 =	rddreg [dreg:$0x0]  }
0x2: {  	s2 =	rddreg [dreg:$0x1];
	s1 =	srdreg.scid  }
0x3: {  	s4 =	simm.s32 $0x0;
	s3 =	stileid.u32;
	s15 =	simm.s32 $0x100  }
0x4: {  	s16 =	simm.s32 $0x80;
	s17 =	simm.s32 $0x40000;
	s18 =	simm.s32 $0x200  }
0x5: {  	s19 =	simm.s32 $0x400;
	s20 =	simm.s32 $0x9E0000;
	s21 =	simm.s32 $0x1  }
0x6: {  	s22 =	simm.s32 $0x180;
	s28 =	simm.s32 $0x2;
	s29 =	simm.s32 $0xA800  }
0x7: {  	s30 =	simm.s32 $0x0;
	s31 =	simm.s32 $0x0;
	s1 =	sand.u32 $0x1, s1  }
0x8: {  	[smem:$0x7FF] =	sst s4;
	s3 =	sshll.u32 s3, $0x6;
	s4 =	sadd.s32 $0x76000, s0  }
0x9: {  	s6 =	sadd.s32 $0x6E000, s0;
	s5 =	sshll.u32 s1, $0x5;
	s1 =	ssub.s32 $0x2, s1  }
0xa: {  	s7 =	sadd.s32 $0xA56000, s0;
	s11 =	sadd.s32 $0xA56040, s0;
	s8 =	sshrl.u32 s1, $0x1  }
0xb: {  	_ =	strace $0x8000004A;
	s5 =	sor.u32 s5, s3;
	s1 =	ssub.s32 s1, s8  }
0xc: {  	s3 =	sshrl.u32 s5, $0x3;
	s9 =	sshll.u32 s5, $0x5;
	s24 =	smax.u32 s1, $0x1  }
.Ltmp0:
0xd: {  	s23 =	sadd.s32 s6, s9;
	[dreg:$0x4] =	wrdreg s24;
	(pc) =	sbr.rel .LBB2_1-.Ltmp0, $4  }
0xe: {  	s3 =	smul.u32 $0x2780, s3;
	s9 =	sadd.s32 s2, s9;
	[dreg:$0x3] =	wrdreg s23  }
0xf: {  	s25 =	sadd.s32 $0x80, s23;
	s26 =	sadd.s32 $0x80, s9;
	s23 =	simm.s32 $0x600  }
0x10: {  	s24 =	simm.s32 $0x800;
	s10 =	sadd.s32 s4, s3;
	[dreg:$0x5] =	wrdreg s25  }
0x11: {  	[dreg:$0x6] =	wrdreg s26;
	s25 =	simm.s32 $0xA00;
	s26 =	simm.s32 $0x3  }
.LBB2_11:
0x12: {  	s30 =	sadd.s32 $0x1, s30;
	s0 =	rddreg [dreg:$0x4]  }
0x13: {  	p0 =	sne.s32 s30, s0  }
.Ltmp1:
0x14: {  	_ = 	snop;
	(pc) =	sbr.rel @!p0 .LBB2_12-.Ltmp1, $1  }
0x15: {  	_ =	sdelay $0x3  }
.LBB2_1:
0x16: {  	s0 =	simm.s32 $0x0;
	s1 =	rddreg [dreg:$0x3]  }
0x17: {  	[tilespmem:s0], [sflag:$0x1] =	stream.linear.gather [hbm4b:s1+s0], $0x80, $0x38;
	[tilespmem:$0x14600] =	vst v63  }
0x18: {  	s12 =	rddreg [dreg:$0x5]  }
0x19: {  	[tilespmem:s15], [sflag:$0x1] =	stream.linear.gather [hbm4b:s12+s0], $0x80, $0x38;
	[tilespmem:$0x14600] =	vst v63  }
0x1a: {  	_ = 	snop  }
0x1b: {  	[tilespmem:s18], [sflag:$0x1] =	stream.strided.gather [hbm4b:s9+s16], $0x200, s17, s16, $0x38;
	[tilespmem:$0x14600] =	vst v63  }
0x1c: {  	s13 =	rddreg [dreg:$0x6]  }
0x1d: {  	[tilespmem:s19], [sflag:$0x1] =	stream.strided.gather [hbm4b:s13+s16], $0x200, s17, s16, $0x38;
	[tilespmem:$0x14600] =	vst v63  }
0x1e: {  	s14 =	sadd.s32 $0x0, s10;
	s1 =	simm.s32 $0xA00;
	s0 =	simm.s32 $0x80  }
0x1f: {  	[tilespmem:s25], [sflag:$0x1] =	stream.strided.gather [hbm4b:s14+s16], $0x200, s20, s16, $0x38;
	[tilespmem:$0x14600] =	vst v63  }
.LBB2_2:
0x20: {  	p0 =	sne.s32 s0, $0x2700  }
.Ltmp2:
0x21: {  	_ = 	snop;
	(pc) =	sbr.rel @p0 .LBB2_2-.Ltmp2, $4  }
0x22: {  	_ = 	snop  }
0x23: {  	s1 =	sadd.s32 $0x200, s1  }
0x24: {  	s3 =	sadd.s32 s0, s10;
	s0 =	sadd.s32 $0x80, s0  }
0x25: {  	[tilespmem:s1], [sflag:$0x1] =	stream.strided.gather [hbm4b:s3+s16], $0x200, s20, s16, $0x38;
	[tilespmem:$0x14600] =	vst v63  }
.Ltmp3:
0x26: {  	(pc) =	sbr.rel .LBB2_4-.Ltmp3, $2  }
0x27: {  	_ =	sdelay $0x2  }
0x28: {  	s0 =	simm.s32 $0x0  }
.LBB2_10:
0x29: {  	v0 =	vld [tilespmem:$0x80];
	_ =	sdelay $0x4  }
0x2a: {  	v1 =	vshll.u32 v0, $0x2  }
0x2b: {  	v0 =	vand.u32 $0x7F, v0;
	v1 =	vand.u32 $0xFFFFFE00, v1  }
0x2c: {  	v2 =	vld [tilespmem:$0x600];
	v0 =	vor.u32 v0, v1;
	_ =	sdelay $0x4  }
0x2d: {  	[tilespmem:v0+s29+$0x0] =	vst.idx.add.f32.msk $0xffff, v2  }
0x2e: {  	v0 =	vld [tilespmem:$0x90];
	_ =	sdelay $0x4  }
0x2f: {  	v34 =	vshll.u32 v0, $0x2  }
0x30: {  	v0 =	vand.u32 $0x7F, v0;
	v1 =	vand.u32 $0xFFFFFE00, v34  }
0x31: {  	v2 =	vld [tilespmem:$0x610];
	v0 =	vor.u32 v0, v1;
	_ =	sdelay $0x4  }
0x32: {  	[tilespmem:v0+s29+$0x0] =	vst.idx.add.f32.msk $0xffff, v2  }
0x33: {  	v0 =	vld [tilespmem:$0xA0];
	_ =	sdelay $0x4  }
0x34: {  	v35 =	vshll.u32 v0, $0x2  }
0x35: {  	v0 =	vand.u32 $0x7F, v0;
	v1 =	vand.u32 $0xFFFFFE00, v35  }
0x36: {  	v2 =	vld [tilespmem:$0x620];
	v0 =	vor.u32 v0, v1;
	_ =	sdelay $0x4  }
0x37: {  	[tilespmem:v0+s29+$0x0] =	vst.idx.add.f32.msk $0xffff, v2  }
0x38: {  	v0 =	vld [tilespmem:$0xB0];
	_ =	sdelay $0x4  }
0x39: {  	v36 =	vshll.u32 v0, $0x2  }
0x3a: {  	v0 =	vand.u32 $0x7F, v0;
	v1 =	vand.u32 $0xFFFFFE00, v36  }
0x3b: {  	v2 =	vld [tilespmem:$0x630];
	v0 =	vor.u32 v0, v1;
	_ =	sdelay $0x4  }
0x3c: {  	[tilespmem:v0+s29+$0x0] =	vst.idx.add.f32.msk $0xffff, v2  }
0x3d: {  	v0 =	vld [tilespmem:$0xC0];
	_ =	sdelay $0x4  }
0x3e: {  	v37 =	vshll.u32 v0, $0x2  }
0x3f: {  	v0 =	vand.u32 $0x7F, v0;
	v1 =	vand.u32 $0xFFFFFE00, v37  }
0x40: {  	v2 =	vld [tilespmem:$0x640];
	v0 =	vor.u32 v0, v1;
	_ =	sdelay $0x4  }
0x41: {  	[tilespmem:v0+s29+$0x0] =	vst.idx.add.f32.msk $0xffff, v2  }
0x42: {  	v0 =	vld [tilespmem:$0xD0];
	_ =	sdelay $0x4  }
0x43: {  	v38 =	vshll.u32 v0, $0x2  }
0x44: {  	v0 =	vand.u32 $0x7F, v0;
	v1 =	vand.u32 $0xFFFFFE00, v38  }
0x45: {  	v2 =	vld [tilespmem:$0x650];
	v0 =	vor.u32 v0, v1;
	_ =	sdelay $0x4  }
0x46: {  	[tilespmem:v0+s29+$0x0] =	vst.idx.add.f32.msk $0xffff, v2  }
0x47: {  	v0 =	vld [tilespmem:$0xE0];
	_ =	sdelay $0x4  }
0x48: {  	v39 =	vshll.u32 v0, $0x2  }
0x49: {  	v0 =	vand.u32 $0x7F, v0;
	v1 =	vand.u32 $0xFFFFFE00, v39  }
0x4a: {  	v2 =	vld [tilespmem:$0x660];
	v0 =	vor.u32 v0, v1;
	_ =	sdelay $0x4  }
0x4b: {  	[tilespmem:v0+s29+$0x0] =	vst.idx.add.f32.msk $0xffff, v2  }
0x4c: {  	v0 =	vld [tilespmem:$0xF0];
	_ =	sdelay $0x4  }
0x4d: {  	v40 =	vshll.u32 v0, $0x2  }
0x4e: {  	v0 =	vand.u32 $0x7F, v0;
	v1 =	vand.u32 $0xFFFFFE00, v40  }
0x4f: {  	v2 =	vld [tilespmem:$0x670];
	v0 =	vor.u32 v0, v1;
	_ =	sdelay $0x4  }
0x50: {  	[tilespmem:v0+s29+$0x0] =	vst.idx.add.f32.msk $0xffff, v2  }
0x51: {  	v0 =	vld [tilespmem:$0x180];
	_ =	sdelay $0x4  }
0x52: {  	v41 =	vshll.u32 v0, $0x2  }
0x53: {  	v0 =	vand.u32 $0x7F, v0;
	v1 =	vand.u32 $0xFFFFFE00, v41  }
0x54: {  	v2 =	vld [tilespmem:$0x800];
	v0 =	vor.u32 v0, v1;
	_ =	sdelay $0x4  }
0x55: {  	[tilespmem:v0+s29+$0x0] =	vst.idx.add.f32.msk $0xffff, v2  }
0x56: {  	v0 =	vld [tilespmem:$0x190];
	_ =	sdelay $0x4  }
0x57: {  	v42 =	vshll.u32 v0, $0x2  }
0x58: {  	v0 =	vand.u32 $0x7F, v0;
	v1 =	vand.u32 $0xFFFFFE00, v42  }
0x59: {  	v2 =	vld [tilespmem:$0x810];
	v0 =	vor.u32 v0, v1;
	_ =	sdelay $0x4  }
0x5a: {  	[tilespmem:v0+s29+$0x0] =	vst.idx.add.f32.msk $0xffff, v2  }
0x5b: {  	v0 =	vld [tilespmem:$0x1A0];
	_ =	sdelay $0x4  }
0x5c: {  	v43 =	vshll.u32 v0, $0x2  }
0x5d: {  	v0 =	vand.u32 $0x7F, v0;
	v1 =	vand.u32 $0xFFFFFE00, v43  }
0x5e: {  	v2 =	vld [tilespmem:$0x820];
	v0 =	vor.u32 v0, v1;
	_ =	sdelay $0x4  }
0x5f: {  	[tilespmem:v0+s29+$0x0] =	vst.idx.add.f32.msk $0xffff, v2  }
0x60: {  	v0 =	vld [tilespmem:$0x1B0];
	_ =	sdelay $0x4  }
0x61: {  	v44 =	vshll.u32 v0, $0x2  }
0x62: {  	v0 =	vand.u32 $0x7F, v0;
	v1 =	vand.u32 $0xFFFFFE00, v44  }
0x63: {  	v2 =	vld [tilespmem:$0x830];
	v0 =	vor.u32 v0, v1;
	_ =	sdelay $0x4  }
0x64: {  	[tilespmem:v0+s29+$0x0] =	vst.idx.add.f32.msk $0xffff, v2  }
0x65: {  	v0 =	vld [tilespmem:$0x1C0];
	_ =	sdelay $0x4  }
0x66: {  	v45 =	vshll.u32 v0, $0x2  }
0x67: {  	v0 =	vand.u32 $0x7F, v0;
	v1 =	vand.u32 $0xFFFFFE00, v45  }
0x68: {  	v2 =	vld [tilespmem:$0x840];
	v0 =	vor.u32 v0, v1;
	_ =	sdelay $0x4  }
0x69: {  	[tilespmem:v0+s29+$0x0] =	vst.idx.add.f32.msk $0xffff, v2  }
0x6a: {  	v0 =	vld [tilespmem:$0x80];
	_ =	sdelay $0x4  }
0x6b: {  	v46 =	vshll.u32 v0, $0x2  }
0x6c: {  	v0 =	vand.u32 $0x7F, v0;
	v1 =	vand.u32 $0xFFFFFE00, v46  }
0x6d: {  	v0 =	vor.u32 v1, v0  }
0x6e: {  	v47 =	vld [tilespmem:$0x680];
	v0 =	vor.u32 $0x80, v0;
	_ =	sdelay $0x4  }
0x6f: {  	[tilespmem:v0+s29+$0x0] =	vst.idx.add.f32.msk $0xffff, v47  }
0x70: {  	v0 =	vld [tilespmem:$0x90];
	_ =	sdelay $0x4  }
0x71: {  	v48 =	vshll.u32 v0, $0x2  }
0x72: {  	v0 =	vand.u32 $0x7F, v0;
	v1 =	vand.u32 $0xFFFFFE00, v48  }
0x73: {  	v0 =	vor.u32 v1, v0  }
0x74: {  	v49 =	vld [tilespmem:$0x690];
	v0 =	vor.u32 $0x80, v0;
	_ =	sdelay $0x4  }
0x75: {  	[tilespmem:v0+s29+$0x0] =	vst.idx.add.f32.msk $0xffff, v49  }
0x76: {  	v0 =	vld [tilespmem:$0xA0];
	_ =	sdelay $0x4  }
0x77: {  	v50 =	vshll.u32 v0, $0x2  }
0x78: {  	v0 =	vand.u32 $0x7F, v0;
	v1 =	vand.u32 $0xFFFFFE00, v50  }
0x79: {  	v0 =	vor.u32 v1, v0  }
0x7a: {  	v51 =	vld [tilespmem:$0x6A0];
	v0 =	vor.u32 $0x80, v0;
	_ =	sdelay $0x4  }
0x7b: {  	[tilespmem:v0+s29+$0x0] =	vst.idx.add.f32.msk $0xffff, v51  }
0x7c: {  	v0 =	vld [tilespmem:$0xB0];
	_ =	sdelay $0x4  }
0x7d: {  	v52 =	vshll.u32 v0, $0x2  }
0x7e: {  	v0 =	vand.u32 $0x7F, v0;
	v1 =	vand.u32 $0xFFFFFE00, v52  }
0x7f: {  	v0 =	vor.u32 v1, v0  }
0x80: {  	v53 =	vld [tilespmem:$0x6B0];
	v0 =	vor.u32 $0x80, v0;
	_ =	sdelay $0x4  }
0x81: {  	[tilespmem:v0+s29+$0x0] =	vst.idx.add.f32.msk $0xffff, v53  }
0x82: {  	v0 =	vld [tilespmem:$0xC0];
	_ =	sdelay $0x4  }
0x83: {  	v54 =	vshll.u32 v0, $0x2  }
0x84: {  	v0 =	vand.u32 $0x7F, v0;
	v1 =	vand.u32 $0xFFFFFE00, v54  }
0x85: {  	v0 =	vor.u32 v1, v0  }
0x86: {  	v55 =	vld [tilespmem:$0x6C0];
	v0 =	vor.u32 $0x80, v0;
	_ =	sdelay $0x4  }
0x87: {  	[tilespmem:v0+s29+$0x0] =	vst.idx.add.f32.msk $0xffff, v55  }
0x88: {  	v0 =	vld [tilespmem:$0xD0];
	_ =	sdelay $0x4  }
0x89: {  	v56 =	vshll.u32 v0, $0x2  }
0x8a: {  	v0 =	vand.u32 $0x7F, v0;
	v1 =	vand.u32 $0xFFFFFE00, v56  }
0x8b: {  	v0 =	vor.u32 v1, v0  }
0x8c: {  	v57 =	vld [tilespmem:$0x6D0];
	v0 =	vor.u32 $0x80, v0;
	_ =	sdelay $0x4  }
0x8d: {  	[tilespmem:v0+s29+$0x0] =	vst.idx.add.f32.msk $0xffff, v57  }
0x8e: {  	v0 =	vld [tilespmem:$0xE0];
	_ =	sdelay $0x4  }
0x8f: {  	v58 =	vshll.u32 v0, $0x2  }
0x90: {  	v0 =	vand.u32 $0x7F, v0;
	v1 =	vand.u32 $0xFFFFFE00, v58  }
0x91: {  	v0 =	vor.u32 v1, v0  }
0x92: {  	v59 =	vld [tilespmem:$0x6E0];
	v0 =	vor.u32 $0x80, v0;
	_ =	sdelay $0x4  }
0x93: {  	[tilespmem:v0+s29+$0x0] =	vst.idx.add.f32.msk $0xffff, v59  }
0x94: {  	v0 =	vld [tilespmem:$0xF0];
	_ =	sdelay $0x4  }
0x95: {  	v60 =	vshll.u32 v0, $0x2  }
0x96: {  	v0 =	vand.u32 $0x7F, v0;
	v1 =	vand.u32 $0xFFFFFE00, v60  }
0x97: {  	v0 =	vor.u32 v1, v0  }
0x98: {  	v61 =	vld [tilespmem:$0x6F0];
	v0 =	vor.u32 $0x80, v0;
	_ =	sdelay $0x4  }
0x99: {  	[tilespmem:v0+s29+$0x0] =	vst.idx.add.f32.msk $0xffff, v61  }
0x9a: {  	v0 =	vld [tilespmem:$0x180];
	_ =	sdelay $0x4  }
0x9b: {  	v62 =	vshll.u32 v0, $0x2  }
0x9c: {  	v0 =	vand.u32 $0x7F, v0;
	v1 =	vand.u32 $0xFFFFFE00, v62  }
0x9d: {  	v0 =	vor.u32 v1, v0  }
0x9e: {  	v63 =	vld [tilespmem:$0x880];
	v0 =	vor.u32 $0x80, v0;
	_ =	sdelay $0x4  }
0x9f: {  	[tilespmem:v0+s29+$0x0] =	vst.idx.add.f32.msk $0xffff, v63  }
0xa0: {  	v0 =	vld [tilespmem:$0x190];
	_ =	sdelay $0x4  }
0xa1: {  	v4 =	vshll.u32 v0, $0x2  }
0xa2: {  	v0 =	vand.u32 $0x7F, v0;
	v1 =	vand.u32 $0xFFFFFE00, v4  }
0xa3: {  	v0 =	vor.u32 v1, v0  }
0xa4: {  	v5 =	vld [tilespmem:$0x890];
	v0 =	vor.u32 $0x80, v0;
	_ =	sdelay $0x4  }
0xa5: {  	[tilespmem:v0+s29+$0x0] =	vst.idx.add.f32.msk $0xffff, v5  }
0xa6: {  	v0 =	vld [tilespmem:$0x1A0];
	_ =	sdelay $0x4  }
0xa7: {  	v6 =	vshll.u32 v0, $0x2  }
0xa8: {  	v0 =	vand.u32 $0x7F, v0;
	v1 =	vand.u32 $0xFFFFFE00, v6  }
0xa9: {  	v0 =	vor.u32 v1, v0  }
0xaa: {  	v7 =	vld [tilespmem:$0x8A0];
	v0 =	vor.u32 $0x80, v0;
	_ =	sdelay $0x4  }
0xab: {  	[tilespmem:v0+s29+$0x0] =	vst.idx.add.f32.msk $0xffff, v7  }
0xac: {  	v0 =	vld [tilespmem:$0x1B0];
	_ =	sdelay $0x4  }
0xad: {  	v8 =	vshll.u32 v0, $0x2  }
0xae: {  	v0 =	vand.u32 $0x7F, v0;
	v1 =	vand.u32 $0xFFFFFE00, v8  }
0xaf: {  	v0 =	vor.u32 v1, v0  }
0xb0: {  	v9 =	vld [tilespmem:$0x8B0];
	v0 =	vor.u32 $0x80, v0;
	_ =	sdelay $0x4  }
0xb1: {  	[tilespmem:v0+s29+$0x0] =	vst.idx.add.f32.msk $0xffff, v9  }
0xb2: {  	v0 =	vld [tilespmem:$0x1C0];
	_ =	sdelay $0x4  }
0xb3: {  	v10 =	vshll.u32 v0, $0x2  }
0xb4: {  	v0 =	vand.u32 $0x7F, v0;
	v1 =	vand.u32 $0xFFFFFE00, v10  }
0xb5: {  	v0 =	vor.u32 v1, v0  }
0xb6: {  	v11 =	vld [tilespmem:$0x8C0];
	v0 =	vor.u32 $0x80, v0;
	_ =	sdelay $0x4  }
0xb7: {  	[tilespmem:v0+s29+$0x0] =	vst.idx.add.f32.msk $0xffff, v11  }
0xb8: {  	v0 =	vld [tilespmem:$0x80];
	_ =	sdelay $0x4  }
0xb9: {  	v12 =	vshll.u32 v0, $0x2  }
0xba: {  	v0 =	vand.u32 $0x7F, v0;
	v1 =	vand.u32 $0xFFFFFE00, v12  }
0xbb: {  	v0 =	vor.u32 v1, v0  }
0xbc: {  	v13 =	vld [tilespmem:$0x700];
	v0 =	vor.u32 $0x100, v0;
	_ =	sdelay $0x4  }
0xbd: {  	[tilespmem:v0+s29+$0x0] =	vst.idx.add.f32.msk $0xffff, v13  }
0xbe: {  	v0 =	vld [tilespmem:$0x90];
	_ =	sdelay $0x4  }
0xbf: {  	v14 =	vshll.u32 v0, $0x2  }
0xc0: {  	v0 =	vand.u32 $0x7F, v0;
	v1 =	vand.u32 $0xFFFFFE00, v14  }
0xc1: {  	v0 =	vor.u32 v1, v0  }
0xc2: {  	v15 =	vld [tilespmem:$0x710];
	v0 =	vor.u32 $0x100, v0;
	_ =	sdelay $0x4  }
0xc3: {  	[tilespmem:v0+s29+$0x0] =	vst.idx.add.f32.msk $0xffff, v15  }
0xc4: {  	v0 =	vld [tilespmem:$0xA0];
	_ =	sdelay $0x4  }
0xc5: {  	v16 =	vshll.u32 v0, $0x2  }
0xc6: {  	v0 =	vand.u32 $0x7F, v0;
	v1 =	vand.u32 $0xFFFFFE00, v16  }
0xc7: {  	v0 =	vor.u32 v1, v0  }
0xc8: {  	v17 =	vld [tilespmem:$0x720];
	v0 =	vor.u32 $0x100, v0;
	_ =	sdelay $0x4  }
0xc9: {  	[tilespmem:v0+s29+$0x0] =	vst.idx.add.f32.msk $0xffff, v17  }
0xca: {  	v0 =	vld [tilespmem:$0xB0];
	_ =	sdelay $0x4  }
0xcb: {  	v18 =	vshll.u32 v0, $0x2  }
0xcc: {  	v0 =	vand.u32 $0x7F, v0;
	v1 =	vand.u32 $0xFFFFFE00, v18  }
0xcd: {  	v0 =	vor.u32 v1, v0  }
0xce: {  	v19 =	vld [tilespmem:$0x730];
	v0 =	vor.u32 $0x100, v0;
	_ =	sdelay $0x4  }
0xcf: {  	[tilespmem:v0+s29+$0x0] =	vst.idx.add.f32.msk $0xffff, v19  }
0xd0: {  	v0 =	vld [tilespmem:$0xC0];
	_ =	sdelay $0x4  }
0xd1: {  	v20 =	vshll.u32 v0, $0x2  }
0xd2: {  	v0 =	vand.u32 $0x7F, v0;
	v1 =	vand.u32 $0xFFFFFE00, v20  }
0xd3: {  	v0 =	vor.u32 v1, v0  }
0xd4: {  	v21 =	vld [tilespmem:$0x740];
	v0 =	vor.u32 $0x100, v0;
	_ =	sdelay $0x4  }
0xd5: {  	[tilespmem:v0+s29+$0x0] =	vst.idx.add.f32.msk $0xffff, v21  }
0xd6: {  	v0 =	vld [tilespmem:$0xD0];
	_ =	sdelay $0x4  }
0xd7: {  	v22 =	vshll.u32 v0, $0x2  }
0xd8: {  	v0 =	vand.u32 $0x7F, v0;
	v1 =	vand.u32 $0xFFFFFE00, v22  }
0xd9: {  	v0 =	vor.u32 v1, v0  }
0xda: {  	v23 =	vld [tilespmem:$0x750];
	v0 =	vor.u32 $0x100, v0;
	_ =	sdelay $0x4  }
0xdb: {  	[tilespmem:v0+s29+$0x0] =	vst.idx.add.f32.msk $0xffff, v23  }
0xdc: {  	v0 =	vld [tilespmem:$0xE0];
	_ =	sdelay $0x4  }
0xdd: {  	v24 =	vshll.u32 v0, $0x2  }
0xde: {  	v0 =	vand.u32 $0x7F, v0;
	v1 =	vand.u32 $0xFFFFFE00, v24  }
0xdf: {  	v0 =	vor.u32 v1, v0  }
0xe0: {  	v25 =	vld [tilespmem:$0x760];
	v0 =	vor.u32 $0x100, v0;
	_ =	sdelay $0x4  }
0xe1: {  	[tilespmem:v0+s29+$0x0] =	vst.idx.add.f32.msk $0xffff, v25  }
0xe2: {  	v0 =	vld [tilespmem:$0xF0];
	_ =	sdelay $0x4  }
0xe3: {  	v26 =	vshll.u32 v0, $0x2  }
0xe4: {  	v0 =	vand.u32 $0x7F, v0;
	v1 =	vand.u32 $0xFFFFFE00, v26  }
0xe5: {  	v0 =	vor.u32 v1, v0  }
0xe6: {  	v27 =	vld [tilespmem:$0x770];
	v0 =	vor.u32 $0x100, v0;
	_ =	sdelay $0x4  }
0xe7: {  	[tilespmem:v0+s29+$0x0] =	vst.idx.add.f32.msk $0xffff, v27  }
0xe8: {  	v0 =	vld [tilespmem:$0x180];
	_ =	sdelay $0x4  }
0xe9: {  	v28 =	vshll.u32 v0, $0x2  }
0xea: {  	v0 =	vand.u32 $0x7F, v0;
	v1 =	vand.u32 $0xFFFFFE00, v28  }
0xeb: {  	v0 =	vor.u32 v1, v0  }
0xec: {  	v29 =	vld [tilespmem:$0x900];
	v0 =	vor.u32 $0x100, v0;
	_ =	sdelay $0x4  }
0xed: {  	[tilespmem:v0+s29+$0x0] =	vst.idx.add.f32.msk $0xffff, v29  }
0xee: {  	v0 =	vld [tilespmem:$0x190];
	_ =	sdelay $0x4  }
0xef: {  	v30 =	vshll.u32 v0, $0x2  }
0xf0: {  	v0 =	vand.u32 $0x7F, v0;
	v1 =	vand.u32 $0xFFFFFE00, v30  }
0xf1: {  	v0 =	vor.u32 v1, v0  }
0xf2: {  	v31 =	vld [tilespmem:$0x910];
	v0 =	vor.u32 $0x100, v0;
	_ =	sdelay $0x4  }
0xf3: {  	[tilespmem:v0+s29+$0x0] =	vst.idx.add.f32.msk $0xffff, v31  }
0xf4: {  	v0 =	vld [tilespmem:$0x1A0];
	_ =	sdelay $0x4  }
0xf5: {  	v32 =	vshll.u32 v0, $0x2  }
0xf6: {  	v0 =	vand.u32 $0x7F, v0;
	v1 =	vand.u32 $0xFFFFFE00, v32  }
0xf7: {  	v0 =	vor.u32 v1, v0  }
0xf8: {  	v33 =	vld [tilespmem:$0x920];
	v0 =	vor.u32 $0x100, v0;
	_ =	sdelay $0x4  }
0xf9: {  	[tilespmem:v0+s29+$0x0] =	vst.idx.add.f32.msk $0xffff, v33  }
0xfa: {  	v0 =	vld [tilespmem:$0x1B0];
	_ =	sdelay $0x4  }
0xfb: {  	v34 =	vshll.u32 v0, $0x2  }
0xfc: {  	v0 =	vand.u32 $0x7F, v0;
	v1 =	vand.u32 $0xFFFFFE00, v34  }
0xfd: {  	v0 =	vor.u32 v1, v0  }
0xfe: {  	v35 =	vld [tilespmem:$0x930];
	v0 =	vor.u32 $0x100, v0;
	_ =	sdelay $0x4  }
0xff: {  	[tilespmem:v0+s29+$0x0] =	vst.idx.add.f32.msk $0xffff, v35  }
0x100: {  	v0 =	vld [tilespmem:$0x1C0];
	_ =	sdelay $0x4  }
0x101: {  	v36 =	vshll.u32 v0, $0x2  }
0x102: {  	v0 =	vand.u32 $0x7F, v0;
	v1 =	vand.u32 $0xFFFFFE00, v36  }
0x103: {  	v0 =	vor.u32 v1, v0  }
0x104: {  	v37 =	vld [tilespmem:$0x940];
	v0 =	vor.u32 $0x100, v0;
	_ =	sdelay $0x4  }
0x105: {  	[tilespmem:v0+s29+$0x0] =	vst.idx.add.f32.msk $0xffff, v37  }
0x106: {  	v0 =	vld [tilespmem:$0x80];
	_ =	sdelay $0x4  }
0x107: {  	v38 =	vshll.u32 v0, $0x2  }
0x108: {  	v0 =	vand.u32 $0x7F, v0;
	v1 =	vand.u32 $0xFFFFFE00, v38  }
0x109: {  	v0 =	vor.u32 v1, v0  }
0x10a: {  	v39 =	vld [tilespmem:$0x780];
	v0 =	vor.u32 $0x180, v0;
	_ =	sdelay $0x4  }
0x10b: {  	[tilespmem:v0+s29+$0x0] =	vst.idx.add.f32.msk $0xffff, v39  }
0x10c: {  	v0 =	vld [tilespmem:$0x90];
	_ =	sdelay $0x4  }
0x10d: {  	v40 =	vshll.u32 v0, $0x2  }
0x10e: {  	v0 =	vand.u32 $0x7F, v0;
	v1 =	vand.u32 $0xFFFFFE00, v40  }
0x10f: {  	v0 =	vor.u32 v1, v0  }
0x110: {  	v41 =	vld [tilespmem:$0x790];
	v0 =	vor.u32 $0x180, v0;
	_ =	sdelay $0x4  }
0x111: {  	[tilespmem:v0+s29+$0x0] =	vst.idx.add.f32.msk $0xffff, v41  }
0x112: {  	v0 =	vld [tilespmem:$0xA0];
	_ =	sdelay $0x4  }
0x113: {  	v42 =	vshll.u32 v0, $0x2  }
0x114: {  	v0 =	vand.u32 $0x7F, v0;
	v1 =	vand.u32 $0xFFFFFE00, v42  }
0x115: {  	v0 =	vor.u32 v1, v0  }
0x116: {  	v43 =	vld [tilespmem:$0x7A0];
	v0 =	vor.u32 $0x180, v0;
	_ =	sdelay $0x4  }
0x117: {  	[tilespmem:v0+s29+$0x0] =	vst.idx.add.f32.msk $0xffff, v43  }
0x118: {  	v0 =	vld [tilespmem:$0xB0];
	_ =	sdelay $0x4  }
0x119: {  	v44 =	vshll.u32 v0, $0x2  }
0x11a: {  	v0 =	vand.u32 $0x7F, v0;
	v1 =	vand.u32 $0xFFFFFE00, v44  }
0x11b: {  	v0 =	vor.u32 v1, v0  }
0x11c: {  	v45 =	vld [tilespmem:$0x7B0];
	v0 =	vor.u32 $0x180, v0;
	_ =	sdelay $0x4  }
0x11d: {  	[tilespmem:v0+s29+$0x0] =	vst.idx.add.f32.msk $0xffff, v45  }
0x11e: {  	v0 =	vld [tilespmem:$0xC0];
	_ =	sdelay $0x4  }
0x11f: {  	v46 =	vshll.u32 v0, $0x2  }
0x120: {  	v0 =	vand.u32 $0x7F, v0;
	v1 =	vand.u32 $0xFFFFFE00, v46  }
0x121: {  	v0 =	vor.u32 v1, v0  }
0x122: {  	v47 =	vld [tilespmem:$0x7C0];
	v0 =	vor.u32 $0x180, v0;
	_ =	sdelay $0x4  }
0x123: {  	[tilespmem:v0+s29+$0x0] =	vst.idx.add.f32.msk $0xffff, v47  }
0x124: {  	v0 =	vld [tilespmem:$0xD0];
	_ =	sdelay $0x4  }
0x125: {  	v48 =	vshll.u32 v0, $0x2  }
0x126: {  	v0 =	vand.u32 $0x7F, v0;
	v1 =	vand.u32 $0xFFFFFE00, v48  }
0x127: {  	v0 =	vor.u32 v1, v0  }
0x128: {  	v49 =	vld [tilespmem:$0x7D0];
	v0 =	vor.u32 $0x180, v0;
	_ =	sdelay $0x4  }
0x129: {  	[tilespmem:v0+s29+$0x0] =	vst.idx.add.f32.msk $0xffff, v49  }
0x12a: {  	v0 =	vld [tilespmem:$0xE0];
	_ =	sdelay $0x4  }
0x12b: {  	v50 =	vshll.u32 v0, $0x2  }
0x12c: {  	v0 =	vand.u32 $0x7F, v0;
	v1 =	vand.u32 $0xFFFFFE00, v50  }
0x12d: {  	v0 =	vor.u32 v1, v0  }
0x12e: {  	v51 =	vld [tilespmem:$0x7E0];
	v0 =	vor.u32 $0x180, v0;
	_ =	sdelay $0x4  }
0x12f: {  	[tilespmem:v0+s29+$0x0] =	vst.idx.add.f32.msk $0xffff, v51  }
0x130: {  	v0 =	vld [tilespmem:$0xF0];
	_ =	sdelay $0x4  }
0x131: {  	v52 =	vshll.u32 v0, $0x2  }
0x132: {  	v0 =	vand.u32 $0x7F, v0;
	v1 =	vand.u32 $0xFFFFFE00, v52  }
0x133: {  	v0 =	vor.u32 v1, v0  }
0x134: {  	v53 =	vld [tilespmem:$0x7F0];
	v0 =	vor.u32 $0x180, v0;
	_ =	sdelay $0x4  }
0x135: {  	[tilespmem:v0+s29+$0x0] =	vst.idx.add.f32.msk $0xffff, v53  }
0x136: {  	v0 =	vld [tilespmem:$0x180];
	_ =	sdelay $0x4  }
0x137: {  	v54 =	vshll.u32 v0, $0x2  }
0x138: {  	v0 =	vand.u32 $0x7F, v0;
	v1 =	vand.u32 $0xFFFFFE00, v54  }
0x139: {  	v0 =	vor.u32 v1, v0  }
0x13a: {  	v55 =	vld [tilespmem:$0x980];
	v0 =	vor.u32 $0x180, v0;
	_ =	sdelay $0x4  }
0x13b: {  	[tilespmem:v0+s29+$0x0] =	vst.idx.add.f32.msk $0xffff, v55  }
0x13c: {  	v0 =	vld [tilespmem:$0x190];
	_ =	sdelay $0x4  }
0x13d: {  	v56 =	vshll.u32 v0, $0x2  }
0x13e: {  	v0 =	vand.u32 $0x7F, v0;
	v1 =	vand.u32 $0xFFFFFE00, v56  }
0x13f: {  	v0 =	vor.u32 v1, v0  }
0x140: {  	v57 =	vld [tilespmem:$0x990];
	v0 =	vor.u32 $0x180, v0;
	_ =	sdelay $0x4  }
0x141: {  	[tilespmem:v0+s29+$0x0] =	vst.idx.add.f32.msk $0xffff, v57  }
0x142: {  	v0 =	vld [tilespmem:$0x1A0];
	_ =	sdelay $0x4  }
0x143: {  	v58 =	vshll.u32 v0, $0x2  }
0x144: {  	v0 =	vand.u32 $0x7F, v0;
	v1 =	vand.u32 $0xFFFFFE00, v58  }
0x145: {  	v0 =	vor.u32 v1, v0  }
0x146: {  	v59 =	vld [tilespmem:$0x9A0];
	v0 =	vor.u32 $0x180, v0;
	_ =	sdelay $0x4  }
0x147: {  	[tilespmem:v0+s29+$0x0] =	vst.idx.add.f32.msk $0xffff, v59  }
0x148: {  	v0 =	vld [tilespmem:$0x1B0];
	_ =	sdelay $0x4  }
0x149: {  	v60 =	vshll.u32 v0, $0x2  }
0x14a: {  	v0 =	vand.u32 $0x7F, v0;
	v1 =	vand.u32 $0xFFFFFE00, v60  }
0x14b: {  	v0 =	vor.u32 v1, v0  }
0x14c: {  	v61 =	vld [tilespmem:$0x9B0];
	v0 =	vor.u32 $0x180, v0;
	_ =	sdelay $0x4  }
0x14d: {  	[tilespmem:v0+s29+$0x0] =	vst.idx.add.f32.msk $0xffff, v61  }
0x14e: {  	v0 =	vld [tilespmem:$0x1C0];
	_ =	sdelay $0x4  }
0x14f: {  	v62 =	vshll.u32 v0, $0x2  }
0x150: {  	v0 =	vand.u32 $0x7F, v0;
	v1 =	vand.u32 $0xFFFFFE00, v62  }
0x151: {  	v0 =	vor.u32 v1, v0  }
0x152: {  	v63 =	vld [tilespmem:$0x9C0];
	v0 =	vor.u32 $0x180, v0;
	_ =	sdelay $0x2  }
0x153: {  	s0 =	sadd.s32 $0x1, s0  }
0x154: {  	p0 =	sne.s32 s0, $0x20  }
.Ltmp4:
0x155: {  	s1 =	sadd.s32 s3, s11;
	[tilespmem:v0+s29+$0x0] =	vst.idx.add.f32.msk $0xffff, v63;
	(pc) =	sbr.rel @!p0 .LBB2_11-.Ltmp4, $4  }
0x156: {  	[hbm4b:s1+s18] =	stream.strided.scatter [tilespmem:s29], [sflag:$0x3], $0x9E00, s19, s18, $0x38;
	[tilespmem:$0x14600] =	vst v63  }
0x157: {  	_ =	swait.ge [sflag:s26], $0x9E00  }
0x158: {  	[sflag:s26] =	ssyncset.done $0x0  }
0x159: {  	[sflag:s26] =	ssyncadd.s32 $0xFFFF6200  }
.LBB2_4:
0x15a: {  	_ =	swait.ge [sflag:s21], $0x100  }
0x15b: {  	[sflag:s21] =	ssyncset.done $0x0  }
0x15c: {  	[sflag:s21] =	ssyncadd.s32 $0xFFFFFF00  }
0x15d: {  	s1 =	sor.u32 s5, s0;
	_ =	swait.ge [sflag:s21], $0x400  }
0x15e: {  	s8 =	sshll.u32 s0, $0x7;
	s3 =	sshrl.u32 s1, $0x3;
	[sflag:s21] =	ssyncset.done $0x0  }
0x15f: {  	s8 =	sand.u32 $0x380, s8;
	s12 =	sshll.u32 s3, $0xB;
	[sflag:s21] =	ssyncadd.s32 $0xFFFFFC00  }
0x160: {  	s3 =	smul.u32 $0x13C00, s3;
	s12 =	sor.u32 s8, s12;
	_ =	swait.ge [sflag:s21], $0x9E00  }
0x161: {  	s12 =	sshrl.u32 s12, $0x3;
	[sflag:s21] =	ssyncset.done $0x0  }
0x162: {  	s3 =	sor.u32 s8, s3;
	s13 =	sadd.s32 s6, s12;
	[sflag:s21] =	ssyncadd.s32 $0xFFFF6200  }
0x163: {  	[tilespmem:s16], [sflag:$0x2] =	stream.linear.gather [hbm4b:s13+s31], $0x80, $0x38;
	[tilespmem:$0x14600] =	vst v63  }
0x164: {  	s12 =	sor.u32 $0x20000, s12;
	s3 =	sadd.s32 $0x2780000, s3;
	s13 =	sadd.s32 $0x80, s13  }
0x165: {  	[tilespmem:s22], [sflag:$0x2] =	stream.linear.gather [hbm4b:s13+s31], $0x80, $0x38;
	[tilespmem:$0x14600] =	vst v63  }
0x166: {  	s12 =	sadd.s32 s2, s12;
	s3 =	sshrl.u32 s3, $0x3  }
0x167: {  	[tilespmem:s23], [sflag:$0x2] =	stream.strided.gather [hbm4b:s12+s16], $0x200, s17, s16, $0x38;
	[tilespmem:$0x14600] =	vst v63  }
0x168: {  	s14 =	simm.s32 $0xAA00;
	s3 =	sadd.s32 s4, s3;
	s12 =	sadd.s32 $0x80, s12  }
0x169: {  	[tilespmem:s24], [sflag:$0x2] =	stream.strided.gather [hbm4b:s12+s16], $0x200, s17, s16, $0x38;
	[tilespmem:$0x14600] =	vst v63  }
0x16a: {  	s8 =	sadd.s32 $0x0, s3;
	s13 =	simm.s32 $0x80;
	s12 =	simm.s32 $0xA800  }
.LBB2_5:
0x16b: {  	[tilespmem:s12], [sflag:$0x2] =	stream.strided.gather [hbm4b:s8+s16], $0x200, s20, s16, $0x38;
	[tilespmem:$0x14600] =	vst v63  }
0x16c: {  	s8 =	smov.u32 s13;
	s12 =	smov.u32 s14;
	p0 =	sne.s32 s13, $0x2700  }
.Ltmp5:
0x16d: {  	s13 =	sadd.s32 $0x80, s13;
	(pc) =	sbr.rel @p0 .LBB2_5-.Ltmp5, $2  }
0x16e: {  	_ =	sdelay $0x2  }
0x16f: {  	s14 =	sadd.s32 $0x200, s14;
	s8 =	sadd.s32 s8, s3  }
0x170: {  	[tilespmem:s12], [sflag:$0x2] =	stream.strided.gather [hbm4b:s8+s16], $0x200, s20, s16, $0x38;
	[tilespmem:$0x14600] =	vst v63  }
0x171: {  	v0 =	vld [tilespmem:$0x0];
	_ =	sdelay $0x4  }
0x172: {  	v1 =	vshll.u32 v0, $0x2  }
0x173: {  	v0 =	vand.u32 $0x7F, v0;
	v1 =	vand.u32 $0xFFFFFE00, v1  }
0x174: {  	v2 =	vld [tilespmem:$0x200];
	v0 =	vor.u32 v0, v1;
	_ =	sdelay $0x4  }
0x175: {  	[tilespmem:v0+s25+$0x0] =	vst.idx.add.f32.msk $0xffff, v2  }
0x176: {  	v0 =	vld [tilespmem:$0x10];
	_ =	sdelay $0x4  }
0x177: {  	v34 =	vshll.u32 v0, $0x2  }
0x178: {  	v0 =	vand.u32 $0x7F, v0;
	v1 =	vand.u32 $0xFFFFFE00, v34  }
0x179: {  	v2 =	vld [tilespmem:$0x210];
	v0 =	vor.u32 v0, v1;
	_ =	sdelay $0x4  }
0x17a: {  	[tilespmem:v0+s25+$0x0] =	vst.idx.add.f32.msk $0xffff, v2  }
0x17b: {  	v0 =	vld [tilespmem:$0x20];
	_ =	sdelay $0x4  }
0x17c: {  	v35 =	vshll.u32 v0, $0x2  }
0x17d: {  	v0 =	vand.u32 $0x7F, v0;
	v1 =	vand.u32 $0xFFFFFE00, v35  }
0x17e: {  	v2 =	vld [tilespmem:$0x220];
	v0 =	vor.u32 v0, v1;
	_ =	sdelay $0x4  }
0x17f: {  	[tilespmem:v0+s25+$0x0] =	vst.idx.add.f32.msk $0xffff, v2  }
0x180: {  	v0 =	vld [tilespmem:$0x30];
	_ =	sdelay $0x4  }
0x181: {  	v36 =	vshll.u32 v0, $0x2  }
0x182: {  	v0 =	vand.u32 $0x7F, v0;
	v1 =	vand.u32 $0xFFFFFE00, v36  }
0x183: {  	v2 =	vld [tilespmem:$0x230];
	v0 =	vor.u32 v0, v1;
	_ =	sdelay $0x4  }
0x184: {  	[tilespmem:v0+s25+$0x0] =	vst.idx.add.f32.msk $0xffff, v2  }
0x185: {  	v0 =	vld [tilespmem:$0x40];
	_ =	sdelay $0x4  }
0x186: {  	v37 =	vshll.u32 v0, $0x2  }
0x187: {  	v0 =	vand.u32 $0x7F, v0;
	v1 =	vand.u32 $0xFFFFFE00, v37  }
0x188: {  	v2 =	vld [tilespmem:$0x240];
	v0 =	vor.u32 v0, v1;
	_ =	sdelay $0x4  }
0x189: {  	[tilespmem:v0+s25+$0x0] =	vst.idx.add.f32.msk $0xffff, v2  }
0x18a: {  	v0 =	vld [tilespmem:$0x50];
	_ =	sdelay $0x4  }
0x18b: {  	v38 =	vshll.u32 v0, $0x2  }
0x18c: {  	v0 =	vand.u32 $0x7F, v0;
	v1 =	vand.u32 $0xFFFFFE00, v38  }
0x18d: {  	v2 =	vld [tilespmem:$0x250];
	v0 =	vor.u32 v0, v1;
	_ =	sdelay $0x4  }
0x18e: {  	[tilespmem:v0+s25+$0x0] =	vst.idx.add.f32.msk $0xffff, v2  }
0x18f: {  	v0 =	vld [tilespmem:$0x60];
	_ =	sdelay $0x4  }
0x190: {  	v39 =	vshll.u32 v0, $0x2  }
0x191: {  	v0 =	vand.u32 $0x7F, v0;
	v1 =	vand.u32 $0xFFFFFE00, v39  }
0x192: {  	v2 =	vld [tilespmem:$0x260];
	v0 =	vor.u32 v0, v1;
	_ =	sdelay $0x4  }
0x193: {  	[tilespmem:v0+s25+$0x0] =	vst.idx.add.f32.msk $0xffff, v2  }
0x194: {  	v0 =	vld [tilespmem:$0x70];
	_ =	sdelay $0x4  }
0x195: {  	v40 =	vshll.u32 v0, $0x2  }
0x196: {  	v0 =	vand.u32 $0x7F, v0;
	v1 =	vand.u32 $0xFFFFFE00, v40  }
0x197: {  	v2 =	vld [tilespmem:$0x270];
	v0 =	vor.u32 v0, v1;
	_ =	sdelay $0x4  }
0x198: {  	[tilespmem:v0+s25+$0x0] =	vst.idx.add.f32.msk $0xffff, v2  }
0x199: {  	v0 =	vld [tilespmem:$0x100];
	_ =	sdelay $0x4  }
0x19a: {  	v41 =	vshll.u32 v0, $0x2  }
0x19b: {  	v0 =	vand.u32 $0x7F, v0;
	v1 =	vand.u32 $0xFFFFFE00, v41  }
0x19c: {  	v2 =	vld [tilespmem:$0x400];
	v0 =	vor.u32 v0, v1;
	_ =	sdelay $0x4  }
0x19d: {  	[tilespmem:v0+s25+$0x0] =	vst.idx.add.f32.msk $0xffff, v2  }
0x19e: {  	v0 =	vld [tilespmem:$0x110];
	_ =	sdelay $0x4  }
0x19f: {  	v42 =	vshll.u32 v0, $0x2  }
0x1a0: {  	v0 =	vand.u32 $0x7F, v0;
	v1 =	vand.u32 $0xFFFFFE00, v42  }
0x1a1: {  	v2 =	vld [tilespmem:$0x410];
	v0 =	vor.u32 v0, v1;
	_ =	sdelay $0x4  }
0x1a2: {  	[tilespmem:v0+s25+$0x0] =	vst.idx.add.f32.msk $0xffff, v2  }
0x1a3: {  	v0 =	vld [tilespmem:$0x120];
	_ =	sdelay $0x4  }
0x1a4: {  	v43 =	vshll.u32 v0, $0x2  }
0x1a5: {  	v0 =	vand.u32 $0x7F, v0;
	v1 =	vand.u32 $0xFFFFFE00, v43  }
0x1a6: {  	v2 =	vld [tilespmem:$0x420];
	v0 =	vor.u32 v0, v1;
	_ =	sdelay $0x4  }
0x1a7: {  	[tilespmem:v0+s25+$0x0] =	vst.idx.add.f32.msk $0xffff, v2  }
0x1a8: {  	v0 =	vld [tilespmem:$0x130];
	_ =	sdelay $0x4  }
0x1a9: {  	v44 =	vshll.u32 v0, $0x2  }
0x1aa: {  	v0 =	vand.u32 $0x7F, v0;
	v1 =	vand.u32 $0xFFFFFE00, v44  }
0x1ab: {  	v2 =	vld [tilespmem:$0x430];
	v0 =	vor.u32 v0, v1;
	_ =	sdelay $0x4  }
0x1ac: {  	[tilespmem:v0+s25+$0x0] =	vst.idx.add.f32.msk $0xffff, v2  }
0x1ad: {  	v0 =	vld [tilespmem:$0x140];
	_ =	sdelay $0x4  }
0x1ae: {  	v45 =	vshll.u32 v0, $0x2  }
0x1af: {  	v0 =	vand.u32 $0x7F, v0;
	v1 =	vand.u32 $0xFFFFFE00, v45  }
0x1b0: {  	v2 =	vld [tilespmem:$0x440];
	v0 =	vor.u32 v0, v1;
	_ =	sdelay $0x4  }
0x1b1: {  	[tilespmem:v0+s25+$0x0] =	vst.idx.add.f32.msk $0xffff, v2  }
0x1b2: {  	v0 =	vld [tilespmem:$0x0];
	_ =	sdelay $0x4  }
0x1b3: {  	v46 =	vshll.u32 v0, $0x2  }
0x1b4: {  	v0 =	vand.u32 $0x7F, v0;
	v1 =	vand.u32 $0xFFFFFE00, v46  }
0x1b5: {  	v0 =	vor.u32 v1, v0  }
0x1b6: {  	v47 =	vld [tilespmem:$0x280];
	v0 =	vor.u32 $0x80, v0;
	_ =	sdelay $0x4  }
0x1b7: {  	[tilespmem:v0+s25+$0x0] =	vst.idx.add.f32.msk $0xffff, v47  }
0x1b8: {  	v0 =	vld [tilespmem:$0x10];
	_ =	sdelay $0x4  }
0x1b9: {  	v48 =	vshll.u32 v0, $0x2  }
0x1ba: {  	v0 =	vand.u32 $0x7F, v0;
	v1 =	vand.u32 $0xFFFFFE00, v48  }
0x1bb: {  	v0 =	vor.u32 v1, v0  }
0x1bc: {  	v49 =	vld [tilespmem:$0x290];
	v0 =	vor.u32 $0x80, v0;
	_ =	sdelay $0x4  }
0x1bd: {  	[tilespmem:v0+s25+$0x0] =	vst.idx.add.f32.msk $0xffff, v49  }
0x1be: {  	v0 =	vld [tilespmem:$0x20];
	_ =	sdelay $0x4  }
0x1bf: {  	v50 =	vshll.u32 v0, $0x2  }
0x1c0: {  	v0 =	vand.u32 $0x7F, v0;
	v1 =	vand.u32 $0xFFFFFE00, v50  }
0x1c1: {  	v0 =	vor.u32 v1, v0  }
0x1c2: {  	v51 =	vld [tilespmem:$0x2A0];
	v0 =	vor.u32 $0x80, v0;
	_ =	sdelay $0x4  }
0x1c3: {  	[tilespmem:v0+s25+$0x0] =	vst.idx.add.f32.msk $0xffff, v51  }
0x1c4: {  	v0 =	vld [tilespmem:$0x30];
	_ =	sdelay $0x4  }
0x1c5: {  	v52 =	vshll.u32 v0, $0x2  }
0x1c6: {  	v0 =	vand.u32 $0x7F, v0;
	v1 =	vand.u32 $0xFFFFFE00, v52  }
0x1c7: {  	v0 =	vor.u32 v1, v0  }
0x1c8: {  	v53 =	vld [tilespmem:$0x2B0];
	v0 =	vor.u32 $0x80, v0;
	_ =	sdelay $0x4  }
0x1c9: {  	[tilespmem:v0+s25+$0x0] =	vst.idx.add.f32.msk $0xffff, v53  }
0x1ca: {  	v0 =	vld [tilespmem:$0x40];
	_ =	sdelay $0x4  }
0x1cb: {  	v54 =	vshll.u32 v0, $0x2  }
0x1cc: {  	v0 =	vand.u32 $0x7F, v0;
	v1 =	vand.u32 $0xFFFFFE00, v54  }
0x1cd: {  	v0 =	vor.u32 v1, v0  }
0x1ce: {  	v55 =	vld [tilespmem:$0x2C0];
	v0 =	vor.u32 $0x80, v0;
	_ =	sdelay $0x4  }
0x1cf: {  	[tilespmem:v0+s25+$0x0] =	vst.idx.add.f32.msk $0xffff, v55  }
0x1d0: {  	v0 =	vld [tilespmem:$0x50];
	_ =	sdelay $0x4  }
0x1d1: {  	v56 =	vshll.u32 v0, $0x2  }
0x1d2: {  	v0 =	vand.u32 $0x7F, v0;
	v1 =	vand.u32 $0xFFFFFE00, v56  }
0x1d3: {  	v0 =	vor.u32 v1, v0  }
0x1d4: {  	v57 =	vld [tilespmem:$0x2D0];
	v0 =	vor.u32 $0x80, v0;
	_ =	sdelay $0x4  }
0x1d5: {  	[tilespmem:v0+s25+$0x0] =	vst.idx.add.f32.msk $0xffff, v57  }
0x1d6: {  	v0 =	vld [tilespmem:$0x60];
	_ =	sdelay $0x4  }
0x1d7: {  	v58 =	vshll.u32 v0, $0x2  }
0x1d8: {  	v0 =	vand.u32 $0x7F, v0;
	v1 =	vand.u32 $0xFFFFFE00, v58  }
0x1d9: {  	v0 =	vor.u32 v1, v0  }
0x1da: {  	v59 =	vld [tilespmem:$0x2E0];
	v0 =	vor.u32 $0x80, v0;
	_ =	sdelay $0x4  }
0x1db: {  	[tilespmem:v0+s25+$0x0] =	vst.idx.add.f32.msk $0xffff, v59  }
0x1dc: {  	v0 =	vld [tilespmem:$0x70];
	_ =	sdelay $0x4  }
0x1dd: {  	v60 =	vshll.u32 v0, $0x2  }
0x1de: {  	v0 =	vand.u32 $0x7F, v0;
	v1 =	vand.u32 $0xFFFFFE00, v60  }
0x1df: {  	v0 =	vor.u32 v1, v0  }
0x1e0: {  	v61 =	vld [tilespmem:$0x2F0];
	v0 =	vor.u32 $0x80, v0;
	_ =	sdelay $0x4  }
0x1e1: {  	[tilespmem:v0+s25+$0x0] =	vst.idx.add.f32.msk $0xffff, v61  }
0x1e2: {  	v0 =	vld [tilespmem:$0x100];
	_ =	sdelay $0x4  }
0x1e3: {  	v62 =	vshll.u32 v0, $0x2  }
0x1e4: {  	v0 =	vand.u32 $0x7F, v0;
	v1 =	vand.u32 $0xFFFFFE00, v62  }
0x1e5: {  	v0 =	vor.u32 v1, v0  }
0x1e6: {  	v63 =	vld [tilespmem:$0x480];
	v0 =	vor.u32 $0x80, v0;
	_ =	sdelay $0x4  }
0x1e7: {  	[tilespmem:v0+s25+$0x0] =	vst.idx.add.f32.msk $0xffff, v63  }
0x1e8: {  	v0 =	vld [tilespmem:$0x110];
	_ =	sdelay $0x4  }
0x1e9: {  	v4 =	vshll.u32 v0, $0x2  }
0x1ea: {  	v0 =	vand.u32 $0x7F, v0;
	v1 =	vand.u32 $0xFFFFFE00, v4  }
0x1eb: {  	v0 =	vor.u32 v1, v0  }
0x1ec: {  	v5 =	vld [tilespmem:$0x490];
	v0 =	vor.u32 $0x80, v0;
	_ =	sdelay $0x4  }
0x1ed: {  	[tilespmem:v0+s25+$0x0] =	vst.idx.add.f32.msk $0xffff, v5  }
0x1ee: {  	v0 =	vld [tilespmem:$0x120];
	_ =	sdelay $0x4  }
0x1ef: {  	v6 =	vshll.u32 v0, $0x2  }
0x1f0: {  	v0 =	vand.u32 $0x7F, v0;
	v1 =	vand.u32 $0xFFFFFE00, v6  }
0x1f1: {  	v0 =	vor.u32 v1, v0  }
0x1f2: {  	v7 =	vld [tilespmem:$0x4A0];
	v0 =	vor.u32 $0x80, v0;
	_ =	sdelay $0x4  }
0x1f3: {  	[tilespmem:v0+s25+$0x0] =	vst.idx.add.f32.msk $0xffff, v7  }
0x1f4: {  	v0 =	vld [tilespmem:$0x130];
	_ =	sdelay $0x4  }
0x1f5: {  	v8 =	vshll.u32 v0, $0x2  }
0x1f6: {  	v0 =	vand.u32 $0x7F, v0;
	v1 =	vand.u32 $0xFFFFFE00, v8  }
0x1f7: {  	v0 =	vor.u32 v1, v0  }
0x1f8: {  	v9 =	vld [tilespmem:$0x4B0];
	v0 =	vor.u32 $0x80, v0;
	_ =	sdelay $0x4  }
0x1f9: {  	[tilespmem:v0+s25+$0x0] =	vst.idx.add.f32.msk $0xffff, v9  }
0x1fa: {  	v0 =	vld [tilespmem:$0x140];
	_ =	sdelay $0x4  }
0x1fb: {  	v10 =	vshll.u32 v0, $0x2  }
0x1fc: {  	v0 =	vand.u32 $0x7F, v0;
	v1 =	vand.u32 $0xFFFFFE00, v10  }
0x1fd: {  	v0 =	vor.u32 v1, v0  }
0x1fe: {  	v11 =	vld [tilespmem:$0x4C0];
	v0 =	vor.u32 $0x80, v0;
	_ =	sdelay $0x4  }
0x1ff: {  	[tilespmem:v0+s25+$0x0] =	vst.idx.add.f32.msk $0xffff, v11  }
0x200: {  	v0 =	vld [tilespmem:$0x0];
	_ =	sdelay $0x4  }
0x201: {  	v12 =	vshll.u32 v0, $0x2  }
0x202: {  	v0 =	vand.u32 $0x7F, v0;
	v1 =	vand.u32 $0xFFFFFE00, v12  }
0x203: {  	v0 =	vor.u32 v1, v0  }
0x204: {  	v13 =	vld [tilespmem:$0x300];
	v0 =	vor.u32 $0x100, v0;
	_ =	sdelay $0x4  }
0x205: {  	[tilespmem:v0+s25+$0x0] =	vst.idx.add.f32.msk $0xffff, v13  }
0x206: {  	v0 =	vld [tilespmem:$0x10];
	_ =	sdelay $0x4  }
0x207: {  	v14 =	vshll.u32 v0, $0x2  }
0x208: {  	v0 =	vand.u32 $0x7F, v0;
	v1 =	vand.u32 $0xFFFFFE00, v14  }
0x209: {  	v0 =	vor.u32 v1, v0  }
0x20a: {  	v15 =	vld [tilespmem:$0x310];
	v0 =	vor.u32 $0x100, v0;
	_ =	sdelay $0x4  }
0x20b: {  	[tilespmem:v0+s25+$0x0] =	vst.idx.add.f32.msk $0xffff, v15  }
0x20c: {  	v0 =	vld [tilespmem:$0x20];
	_ =	sdelay $0x4  }
0x20d: {  	v16 =	vshll.u32 v0, $0x2  }
0x20e: {  	v0 =	vand.u32 $0x7F, v0;
	v1 =	vand.u32 $0xFFFFFE00, v16  }
0x20f: {  	v0 =	vor.u32 v1, v0  }
0x210: {  	v17 =	vld [tilespmem:$0x320];
	v0 =	vor.u32 $0x100, v0;
	_ =	sdelay $0x4  }
0x211: {  	[tilespmem:v0+s25+$0x0] =	vst.idx.add.f32.msk $0xffff, v17  }
0x212: {  	v0 =	vld [tilespmem:$0x30];
	_ =	sdelay $0x4  }
0x213: {  	v18 =	vshll.u32 v0, $0x2  }
0x214: {  	v0 =	vand.u32 $0x7F, v0;
	v1 =	vand.u32 $0xFFFFFE00, v18  }
0x215: {  	v0 =	vor.u32 v1, v0  }
0x216: {  	v19 =	vld [tilespmem:$0x330];
	v0 =	vor.u32 $0x100, v0;
	_ =	sdelay $0x4  }
0x217: {  	[tilespmem:v0+s25+$0x0] =	vst.idx.add.f32.msk $0xffff, v19  }
0x218: {  	v0 =	vld [tilespmem:$0x40];
	_ =	sdelay $0x4  }
0x219: {  	v20 =	vshll.u32 v0, $0x2  }
0x21a: {  	v0 =	vand.u32 $0x7F, v0;
	v1 =	vand.u32 $0xFFFFFE00, v20  }
0x21b: {  	v0 =	vor.u32 v1, v0  }
0x21c: {  	v21 =	vld [tilespmem:$0x340];
	v0 =	vor.u32 $0x100, v0;
	_ =	sdelay $0x4  }
0x21d: {  	[tilespmem:v0+s25+$0x0] =	vst.idx.add.f32.msk $0xffff, v21  }
0x21e: {  	v0 =	vld [tilespmem:$0x50];
	_ =	sdelay $0x4  }
0x21f: {  	v22 =	vshll.u32 v0, $0x2  }
0x220: {  	v0 =	vand.u32 $0x7F, v0;
	v1 =	vand.u32 $0xFFFFFE00, v22  }
0x221: {  	v0 =	vor.u32 v1, v0  }
0x222: {  	v23 =	vld [tilespmem:$0x350];
	v0 =	vor.u32 $0x100, v0;
	_ =	sdelay $0x4  }
0x223: {  	[tilespmem:v0+s25+$0x0] =	vst.idx.add.f32.msk $0xffff, v23  }
0x224: {  	v0 =	vld [tilespmem:$0x60];
	_ =	sdelay $0x4  }
0x225: {  	v24 =	vshll.u32 v0, $0x2  }
0x226: {  	v0 =	vand.u32 $0x7F, v0;
	v1 =	vand.u32 $0xFFFFFE00, v24  }
0x227: {  	v0 =	vor.u32 v1, v0  }
0x228: {  	v25 =	vld [tilespmem:$0x360];
	v0 =	vor.u32 $0x100, v0;
	_ =	sdelay $0x4  }
0x229: {  	[tilespmem:v0+s25+$0x0] =	vst.idx.add.f32.msk $0xffff, v25  }
0x22a: {  	v0 =	vld [tilespmem:$0x70];
	_ =	sdelay $0x4  }
0x22b: {  	v26 =	vshll.u32 v0, $0x2  }
0x22c: {  	v0 =	vand.u32 $0x7F, v0;
	v1 =	vand.u32 $0xFFFFFE00, v26  }
0x22d: {  	v0 =	vor.u32 v1, v0  }
0x22e: {  	v27 =	vld [tilespmem:$0x370];
	v0 =	vor.u32 $0x100, v0;
	_ =	sdelay $0x4  }
0x22f: {  	[tilespmem:v0+s25+$0x0] =	vst.idx.add.f32.msk $0xffff, v27  }
0x230: {  	v0 =	vld [tilespmem:$0x100];
	_ =	sdelay $0x4  }
0x231: {  	v28 =	vshll.u32 v0, $0x2  }
0x232: {  	v0 =	vand.u32 $0x7F, v0;
	v1 =	vand.u32 $0xFFFFFE00, v28  }
0x233: {  	v0 =	vor.u32 v1, v0  }
0x234: {  	v29 =	vld [tilespmem:$0x500];
	v0 =	vor.u32 $0x100, v0;
	_ =	sdelay $0x4  }
0x235: {  	[tilespmem:v0+s25+$0x0] =	vst.idx.add.f32.msk $0xffff, v29  }
0x236: {  	v0 =	vld [tilespmem:$0x110];
	_ =	sdelay $0x4  }
0x237: {  	v30 =	vshll.u32 v0, $0x2  }
0x238: {  	v0 =	vand.u32 $0x7F, v0;
	v1 =	vand.u32 $0xFFFFFE00, v30  }
0x239: {  	v0 =	vor.u32 v1, v0  }
0x23a: {  	v31 =	vld [tilespmem:$0x510];
	v0 =	vor.u32 $0x100, v0;
	_ =	sdelay $0x4  }
0x23b: {  	[tilespmem:v0+s25+$0x0] =	vst.idx.add.f32.msk $0xffff, v31  }
0x23c: {  	v0 =	vld [tilespmem:$0x120];
	_ =	sdelay $0x4  }
0x23d: {  	v32 =	vshll.u32 v0, $0x2  }
0x23e: {  	v0 =	vand.u32 $0x7F, v0;
	v1 =	vand.u32 $0xFFFFFE00, v32  }
0x23f: {  	v0 =	vor.u32 v1, v0  }
0x240: {  	v33 =	vld [tilespmem:$0x520];
	v0 =	vor.u32 $0x100, v0;
	_ =	sdelay $0x4  }
0x241: {  	[tilespmem:v0+s25+$0x0] =	vst.idx.add.f32.msk $0xffff, v33  }
0x242: {  	v0 =	vld [tilespmem:$0x130];
	_ =	sdelay $0x4  }
0x243: {  	v34 =	vshll.u32 v0, $0x2  }
0x244: {  	v0 =	vand.u32 $0x7F, v0;
	v1 =	vand.u32 $0xFFFFFE00, v34  }
0x245: {  	v0 =	vor.u32 v1, v0  }
0x246: {  	v35 =	vld [tilespmem:$0x530];
	v0 =	vor.u32 $0x100, v0;
	_ =	sdelay $0x4  }
0x247: {  	[tilespmem:v0+s25+$0x0] =	vst.idx.add.f32.msk $0xffff, v35  }
0x248: {  	v0 =	vld [tilespmem:$0x140];
	_ =	sdelay $0x4  }
0x249: {  	v36 =	vshll.u32 v0, $0x2  }
0x24a: {  	v0 =	vand.u32 $0x7F, v0;
	v1 =	vand.u32 $0xFFFFFE00, v36  }
0x24b: {  	v0 =	vor.u32 v1, v0  }
0x24c: {  	v37 =	vld [tilespmem:$0x540];
	v0 =	vor.u32 $0x100, v0;
	_ =	sdelay $0x4  }
0x24d: {  	[tilespmem:v0+s25+$0x0] =	vst.idx.add.f32.msk $0xffff, v37  }
0x24e: {  	v0 =	vld [tilespmem:$0x0];
	_ =	sdelay $0x4  }
0x24f: {  	v38 =	vshll.u32 v0, $0x2  }
0x250: {  	v0 =	vand.u32 $0x7F, v0;
	v1 =	vand.u32 $0xFFFFFE00, v38  }
0x251: {  	v0 =	vor.u32 v1, v0  }
0x252: {  	v39 =	vld [tilespmem:$0x380];
	v0 =	vor.u32 $0x180, v0;
	_ =	sdelay $0x4  }
0x253: {  	[tilespmem:v0+s25+$0x0] =	vst.idx.add.f32.msk $0xffff, v39  }
0x254: {  	v0 =	vld [tilespmem:$0x10];
	_ =	sdelay $0x4  }
0x255: {  	v40 =	vshll.u32 v0, $0x2  }
0x256: {  	v0 =	vand.u32 $0x7F, v0;
	v1 =	vand.u32 $0xFFFFFE00, v40  }
0x257: {  	v0 =	vor.u32 v1, v0  }
0x258: {  	v41 =	vld [tilespmem:$0x390];
	v0 =	vor.u32 $0x180, v0;
	_ =	sdelay $0x4  }
0x259: {  	[tilespmem:v0+s25+$0x0] =	vst.idx.add.f32.msk $0xffff, v41  }
0x25a: {  	v0 =	vld [tilespmem:$0x20];
	_ =	sdelay $0x4  }
0x25b: {  	v42 =	vshll.u32 v0, $0x2  }
0x25c: {  	v0 =	vand.u32 $0x7F, v0;
	v1 =	vand.u32 $0xFFFFFE00, v42  }
0x25d: {  	v0 =	vor.u32 v1, v0  }
0x25e: {  	v43 =	vld [tilespmem:$0x3A0];
	v0 =	vor.u32 $0x180, v0;
	_ =	sdelay $0x4  }
0x25f: {  	[tilespmem:v0+s25+$0x0] =	vst.idx.add.f32.msk $0xffff, v43  }
0x260: {  	v0 =	vld [tilespmem:$0x30];
	_ =	sdelay $0x4  }
0x261: {  	v44 =	vshll.u32 v0, $0x2  }
0x262: {  	v0 =	vand.u32 $0x7F, v0;
	v1 =	vand.u32 $0xFFFFFE00, v44  }
0x263: {  	v0 =	vor.u32 v1, v0  }
0x264: {  	v45 =	vld [tilespmem:$0x3B0];
	v0 =	vor.u32 $0x180, v0;
	_ =	sdelay $0x4  }
0x265: {  	[tilespmem:v0+s25+$0x0] =	vst.idx.add.f32.msk $0xffff, v45  }
0x266: {  	v0 =	vld [tilespmem:$0x40];
	_ =	sdelay $0x4  }
0x267: {  	v46 =	vshll.u32 v0, $0x2  }
0x268: {  	v0 =	vand.u32 $0x7F, v0;
	v1 =	vand.u32 $0xFFFFFE00, v46  }
0x269: {  	v0 =	vor.u32 v1, v0  }
0x26a: {  	v47 =	vld [tilespmem:$0x3C0];
	v0 =	vor.u32 $0x180, v0;
	_ =	sdelay $0x4  }
0x26b: {  	[tilespmem:v0+s25+$0x0] =	vst.idx.add.f32.msk $0xffff, v47  }
0x26c: {  	v0 =	vld [tilespmem:$0x50];
	_ =	sdelay $0x4  }
0x26d: {  	v48 =	vshll.u32 v0, $0x2  }
0x26e: {  	v0 =	vand.u32 $0x7F, v0;
	v1 =	vand.u32 $0xFFFFFE00, v48  }
0x26f: {  	v0 =	vor.u32 v1, v0  }
0x270: {  	v49 =	vld [tilespmem:$0x3D0];
	v0 =	vor.u32 $0x180, v0;
	_ =	sdelay $0x4  }
0x271: {  	[tilespmem:v0+s25+$0x0] =	vst.idx.add.f32.msk $0xffff, v49  }
0x272: {  	v0 =	vld [tilespmem:$0x60];
	_ =	sdelay $0x4  }
0x273: {  	v50 =	vshll.u32 v0, $0x2  }
0x274: {  	v0 =	vand.u32 $0x7F, v0;
	v1 =	vand.u32 $0xFFFFFE00, v50  }
0x275: {  	v0 =	vor.u32 v1, v0  }
0x276: {  	v51 =	vld [tilespmem:$0x3E0];
	v0 =	vor.u32 $0x180, v0;
	_ =	sdelay $0x4  }
0x277: {  	[tilespmem:v0+s25+$0x0] =	vst.idx.add.f32.msk $0xffff, v51  }
0x278: {  	v0 =	vld [tilespmem:$0x70];
	_ =	sdelay $0x4  }
0x279: {  	v52 =	vshll.u32 v0, $0x2  }
0x27a: {  	v0 =	vand.u32 $0x7F, v0;
	v1 =	vand.u32 $0xFFFFFE00, v52  }
0x27b: {  	v0 =	vor.u32 v1, v0  }
0x27c: {  	v53 =	vld [tilespmem:$0x3F0];
	v0 =	vor.u32 $0x180, v0;
	_ =	sdelay $0x4  }
0x27d: {  	[tilespmem:v0+s25+$0x0] =	vst.idx.add.f32.msk $0xffff, v53  }
0x27e: {  	v0 =	vld [tilespmem:$0x100];
	_ =	sdelay $0x4  }
0x27f: {  	v54 =	vshll.u32 v0, $0x2  }
0x280: {  	v0 =	vand.u32 $0x7F, v0;
	v1 =	vand.u32 $0xFFFFFE00, v54  }
0x281: {  	v0 =	vor.u32 v1, v0  }
0x282: {  	v55 =	vld [tilespmem:$0x580];
	v0 =	vor.u32 $0x180, v0;
	_ =	sdelay $0x4  }
0x283: {  	[tilespmem:v0+s25+$0x0] =	vst.idx.add.f32.msk $0xffff, v55  }
0x284: {  	v0 =	vld [tilespmem:$0x110];
	_ =	sdelay $0x4  }
0x285: {  	v56 =	vshll.u32 v0, $0x2  }
0x286: {  	v0 =	vand.u32 $0x7F, v0;
	v1 =	vand.u32 $0xFFFFFE00, v56  }
0x287: {  	v0 =	vor.u32 v1, v0  }
0x288: {  	v57 =	vld [tilespmem:$0x590];
	v0 =	vor.u32 $0x180, v0;
	_ =	sdelay $0x4  }
0x289: {  	[tilespmem:v0+s25+$0x0] =	vst.idx.add.f32.msk $0xffff, v57  }
0x28a: {  	v0 =	vld [tilespmem:$0x120];
	_ =	sdelay $0x4  }
0x28b: {  	v58 =	vshll.u32 v0, $0x2  }
0x28c: {  	v0 =	vand.u32 $0x7F, v0;
	v1 =	vand.u32 $0xFFFFFE00, v58  }
0x28d: {  	v0 =	vor.u32 v1, v0  }
0x28e: {  	v59 =	vld [tilespmem:$0x5A0];
	v0 =	vor.u32 $0x180, v0;
	_ =	sdelay $0x4  }
0x28f: {  	[tilespmem:v0+s25+$0x0] =	vst.idx.add.f32.msk $0xffff, v59  }
0x290: {  	v0 =	vld [tilespmem:$0x130];
	_ =	sdelay $0x4  }
0x291: {  	v60 =	vshll.u32 v0, $0x2  }
0x292: {  	v0 =	vand.u32 $0x7F, v0;
	v1 =	vand.u32 $0xFFFFFE00, v60  }
0x293: {  	v0 =	vor.u32 v1, v0  }
0x294: {  	v61 =	vld [tilespmem:$0x5B0];
	v0 =	vor.u32 $0x180, v0;
	_ =	sdelay $0x4  }
0x295: {  	[tilespmem:v0+s25+$0x0] =	vst.idx.add.f32.msk $0xffff, v61  }
0x296: {  	v0 =	vld [tilespmem:$0x140];
	_ =	sdelay $0x4  }
0x297: {  	v62 =	vshll.u32 v0, $0x2  }
0x298: {  	v0 =	vand.u32 $0x7F, v0;
	v1 =	vand.u32 $0xFFFFFE00, v62  }
0x299: {  	v0 =	vor.u32 v1, v0  }
0x29a: {  	v63 =	vld [tilespmem:$0x5C0];
	v0 =	vor.u32 $0x180, v0;
	_ =	sdelay $0x2  }
0x29b: {  	s3 =	smul.u32 $0x2780, s1;
	_ =	sdelay $0x1  }
0x29c: {  	s14 =	sadd.s32 s7, s3;
	[tilespmem:v0+s25+$0x0] =	vst.idx.add.f32.msk $0xffff, v63  }
0x29d: {  	[hbm4b:s14+s18] =	stream.strided.scatter [tilespmem:s25], [sflag:$0x3], $0x9E00, s19, s18, $0x38;
	[tilespmem:$0x14600] =	vst v63  }
0x29e: {  	_ =	swait.ge [sflag:s26], $0x9E00  }
0x29f: {  	[sflag:s26] =	ssyncset.done $0x0  }
0x2a0: {  	[sflag:s26] =	ssyncadd.s32 $0xFFFF6200  }
0x2a1: {  	_ =	swait.ge [sflag:s28], $0x100  }
0x2a2: {  	[sflag:s28] =	ssyncset.done $0x0  }
0x2a3: {  	[sflag:s28] =	ssyncadd.s32 $0xFFFFFF00  }
0x2a4: {  	p0 =	seq.s32 s0, $0x1F;
	_ =	swait.ge [sflag:s28], $0x400  }
.Ltmp6:
0x2a5: {  	[sflag:s28] =	ssyncset.done $0x0;
	(pc) =	sbr.rel @p0 .LBB2_10-.Ltmp6, $4  }
0x2a6: {  	[sflag:s28] =	ssyncadd.s32 $0xFFFFFC00  }
0x2a7: {  	_ =	swait.ge [sflag:s28], $0x9E00  }
0x2a8: {  	[sflag:s28] =	ssyncset.done $0x0  }
0x2a9: {  	[sflag:s28] =	ssyncadd.s32 $0xFFFF6200  }
0x2aa: {  	s1 =	sadd.s32 $0x1, s1  }
0x2ab: {  	s8 =	sshrl.u32 s1, $0x3;
	s1 =	sshll.u32 s1, $0x7  }
0x2ac: {  	s1 =	sand.u32 $0x380, s1;
	s12 =	sshll.u32 s8, $0xB  }
0x2ad: {  	s8 =	smul.u32 $0x13C00, s8;
	s12 =	sor.u32 s1, s12  }
0x2ae: {  	s12 =	sshrl.u32 s12, $0x3  }
0x2af: {  	s14 =	simm.s32 $0x0;
	s1 =	sor.u32 s1, s8;
	s13 =	sadd.s32 s6, s12  }
0x2b0: {  	[tilespmem:s14], [sflag:$0x1] =	stream.linear.gather [hbm4b:s13+s14], $0x80, $0x38;
	[tilespmem:$0x14600] =	vst v63  }
0x2b1: {  	s1 =	sshrl.u32 s1, $0x3;
	s13 =	sadd.s32 $0x80, s13  }
0x2b2: {  	[tilespmem:s15], [sflag:$0x1] =	stream.linear.gather [hbm4b:s13+s14], $0x80, $0x38;
	[tilespmem:$0x14600] =	vst v63  }
0x2b3: {  	s12 =	sadd.s32 s2, s12;
	s1 =	sadd.s32 s4, s1  }
0x2b4: {  	[tilespmem:s18], [sflag:$0x1] =	stream.strided.gather [hbm4b:s12+s16], $0x200, s17, s16, $0x38;
	[tilespmem:$0x14600] =	vst v63  }
0x2b5: {  	s8 =	sadd.s32 $0x0, s1;
	s12 =	sadd.s32 $0x80, s12  }
0x2b6: {  	[tilespmem:s19], [sflag:$0x1] =	stream.strided.gather [hbm4b:s12+s16], $0x200, s17, s16, $0x38;
	[tilespmem:$0x14600] =	vst v63  }
0x2b7: {  	s13 =	simm.s32 $0x80;
	s14 =	simm.s32 $0xC00;
	s12 =	simm.s32 $0xA00  }
.LBB2_8:
0x2b8: {  	[tilespmem:s12], [sflag:$0x1] =	stream.strided.gather [hbm4b:s8+s16], $0x200, s20, s16, $0x38;
	[tilespmem:$0x14600] =	vst v63  }
0x2b9: {  	s8 =	smov.u32 s13;
	s12 =	smov.u32 s14;
	p0 =	sne.s32 s13, $0x2700  }
.Ltmp7:
0x2ba: {  	s13 =	sadd.s32 $0x80, s13;
	(pc) =	sbr.rel @p0 .LBB2_8-.Ltmp7, $2  }
0x2bb: {  	_ =	sdelay $0x2  }
0x2bc: {  	s14 =	sadd.s32 $0x200, s14;
	s8 =	sadd.s32 s8, s1  }
.Ltmp8:
0x2bd: {  	(pc) =	sbr.rel .LBB2_10-.Ltmp8, $2  }
0x2be: {  	_ =	sdelay $0x2  }
0x2bf: {  	[tilespmem:s12], [sflag:$0x1] =	stream.strided.gather [hbm4b:s8+s16], $0x200, s20, s16, $0x38;
	[tilespmem:$0x14600] =	vst v63  }
.LBB2_12:
0x2c0: {  	_ =	sfence.sel $0x180000  }
0x2c1: {  	[bflag:$0x0] =	sbarrier.arrive $0xFFFF  }
0x2c2: {  	_ =	strace $0x9000004A  }
0x2c3: {  	s0 =	stileid.u32;
	[bflag:$0x2] =	sbarrier.arrive $0xFFFF  }
0x2c4: {  	p0 =	sne.s32 s0, $0x0;
	s0 =	rddreg [dreg:$0x2]  }
0x2c5: {  	s0 =	sadd.s32 @!p0 $0x100000, s0  }
0x2c6: {  	[sflag:s0] =	ssyncadd.tile.s32 @!p0 $0x1;
	_ =	shalt  }
.Lfunc_end2:
_tile_overlayer_lowered:
.L_overlay_start_2:
0x2c7: {  	(tag) =	ssettag $0x2  }
0x2c8: {  	s0 =	rddreg [dreg:$0x0];
	s2 =	stileid.u32  }
0x2c9: {  	s1 =	rddreg [dreg:$0x1];
	p0 =	sne.s32 s2, $0x0  }
0x2ca: {  	s3 =	rddreg [dreg:$0x2];
	[bflag:$0x3] =	sbarrier.arrive $0xFFFF;
	s2 =	simm.s32 @!p0 $0x1C03  }
0x2cb: {  	[timem:s3], [sflag:s2] =	dma.local @!p0 [hbm:s0], s1  }
0x2cc: {  	s0 =	simm.s32 @!p0 $0x3  }
0x2cd: {  	_ =	swait.ge @!p0 [sflag:s0], s1  }
0x2ce: {  	s1 =	ssub.s32 @!p0 $0x0, s1;
	[sflag:s0] =	ssyncset.done @!p0 $0x0  }
0x2cf: {  	[sflag:s0] =	ssyncadd.s32 @!p0 s1  }
0x2d0: {  	[bflag:$0x3] =	sbarrier.arrive $0xFFFF  }
0x2d1: {  	_ =	shalt  }

</sc_bundles>
